<compile_context>
chip_gen: v7x
topology: tpu7x:2x2x1
jax: 0.10.2.dev20260603
libtpu: 0.0.44.dev20260713+nightly
codegen_flags: <defaults>
</compile_context>

<pallas_src>
import functools

import jax
import jax.numpy as jnp
from jax import lax
from jax.experimental import pallas as pl
from jax.experimental.pallas import tpu as pltpu
from jax.experimental.pallas import tpu_sc as plsc

NC = 2
NS = 16
NW = NC * NS
L = 16
CHUNK = 128


def _sc_aggregate(feat, ei, rc, with_cnt):
    n, d = feat.shape
    cpt = -(-rc // NW)
    rpt = (-(-n // NS) + 7) // 8 * 8
    rpt_last = n - (NS - 1) * rpt
    nb = 2

    def body(feat_hbm, ei_hbm, out_hbm, *rest):
        if with_cnt:
            (cnt_hbm, ix0, ix1, rows0, rows1,
             sm0, sm1, im0, im1, ones_c, zb_v, acc_sh, cnt_sh) = rest
        else:
            (ix0, ix1, rows0, rows1, sm0, sm1, im0, im1, acc_sh) = rest
            cnt_hbm = ones_c = zb_v = cnt_sh = None
        rows_v = rows0
        bufs = [(rows0, ix0, sm0, im0), (rows1, ix1, sm1, im1)]
        cid = lax.axis_index("c")
        sid = lax.axis_index("s")
        wid = sid * NC + cid
        base = sid * rpt

        zrow = jnp.zeros((L,), jnp.float32)

        def zero_rows(i, _):
            for j in range(d // L):
                rows_v[i, pl.ds(j * L, L)] = zrow
            return 0

        lax.fori_loop(0, CHUNK, zero_rows, 0)
        if with_cnt:
            def fill_ones(i, _):
                ones_c[pl.ds(i * L, L)] = jnp.ones((L,), jnp.float32)
                return 0

            lax.fori_loop(0, CHUNK // L, fill_ones, 0)

            def zero_zb(i, _):
                zb_v[pl.ds(i * L, L)] = zrow
                return 0

            lax.fori_loop(0, zb_v.shape[0] // L, zero_zb, 0)

        def zero_slab(nr_total):
            for k in range(0, nr_total, CHUNK):
                nr = min(CHUNK, nr_total - k)
                pltpu.sync_copy(rows_v.at[pl.ds(0, nr)],
                                acc_sh.at[pl.ds(base + k, nr)])
            if with_cnt:
                pltpu.sync_copy(zb_v.at[pl.ds(0, nr_total)],
                                cnt_sh.at[pl.ds(base, nr_total)])

        if rpt == rpt_last:
            zero_slab(rpt)
        else:
            pl.when(sid < NS - 1)(lambda: zero_slab(rpt))
            pl.when(sid == NS - 1)(lambda: zero_slab(rpt_last))
        plsc.subcore_barrier()

        def goff(j):
            return (wid + NW * j) * CHUNK

        def idx_load(j, ix, isem):
            pltpu.make_async_copy(
                ei_hbm.at[:, pl.ds(goff(j), CHUNK)], ix, isem).start()

        def idx_wait(j, ix, isem):
            pltpu.make_async_copy(
                ei_hbm.at[:, pl.ds(goff(j), CHUNK)], ix, isem).wait()

        def gstart(j, b):
            rows, ix, sem, isem = bufs[b]
            idx_wait(j, ix, isem)
            pltpu.make_async_copy(feat_hbm.at[ix.at[0]], rows, sem).start()

        for b in range(nb):
            pl.when(wid + NW * b < rc)(
                functools.partial(idx_load, b, bufs[b][1], bufs[b][3]))
        pl.when(wid < rc)(functools.partial(gstart, 0, 0))

        def visit(j, b):
            rows, ix, sem, isem = bufs[b]
            g = wid + NW * j
            if not isinstance(j, int) or j + 1 < cpt:
                pl.when(jnp.logical_and(j + 1 < cpt, g + NW < rc))(
                    functools.partial(gstart, j + 1, (b + 1) % nb))

            def _consume():
                pltpu.make_async_copy(feat_hbm.at[ix.at[0]], rows, sem).wait()
                pltpu.sync_copy(rows, acc_sh.at[ix.at[1]], add=True)
                if with_cnt:
                    pltpu.sync_copy(ones_c, cnt_sh.at[ix.at[1]], add=True)

            pl.when(g < rc)(_consume)
            if not isinstance(j, int) or j + nb < cpt:
                pl.when(jnp.logical_and(j + nb < cpt, g + nb * NW < rc))(
                    functools.partial(idx_load, j + nb, ix, isem))

        def step(k, _):
            for b in range(nb):
                visit(k * nb + b, b)
            return 0

        lax.fori_loop(0, cpt // nb, step, 0)
        for j in range((cpt // nb) * nb, cpt):
            visit(j, j % nb)
        plsc.subcore_barrier()

        def write_slab(nr_total):
            pltpu.sync_copy(acc_sh.at[pl.ds(base, nr_total)],
                            out_hbm.at[cid, pl.ds(base, nr_total)])
            if with_cnt:
                pltpu.sync_copy(cnt_sh.at[pl.ds(base, nr_total)],
                                zb_v.at[pl.ds(0, nr_total)])
                pltpu.sync_copy(zb_v.at[pl.ds(0, nr_total)],
                                cnt_hbm.at[pl.ds(cid * n + base, nr_total)])

        if rpt == rpt_last:
            write_slab(rpt)
        else:
            pl.when(sid < NS - 1)(lambda: write_slab(rpt))
            pl.when(sid == NS - 1)(lambda: write_slab(rpt_last))

    out_type = [jax.ShapeDtypeStruct((NC, n, d), jnp.float32)]
    scratch = [pltpu.VMEM((2, CHUNK), jnp.int32)] * 2
    scratch += [pltpu.VMEM((CHUNK, d), jnp.float32)] * 2
    scratch += [pltpu.SemaphoreType.DMA] * 2
    scratch += [pltpu.SemaphoreType.DMA] * 2
    if with_cnt:
        out_type.append(jax.ShapeDtypeStruct((NC * n,), jnp.float32))
        scratch.append(pltpu.VMEM((CHUNK,), jnp.float32))
        scratch.append(pltpu.VMEM(((rpt + L - 1) // L * L,), jnp.float32))
    scratch.append(pltpu.VMEM_SHARED((n, d), jnp.float32))
    if with_cnt:
        scratch.append(pltpu.VMEM_SHARED((n,), jnp.float32))

    mesh = plsc.VectorSubcoreMesh(core_axis_name="c", subcore_axis_name="s")
    k = pl.kernel(body, out_type=tuple(out_type), mesh=mesh,
                  scratch_types=tuple(scratch))
    return k(feat, ei)


def _matmul_t(a, w):
    return lax.dot_general(a, w, (((1,), (1,)), ((), ())),
                           preferred_element_type=jnp.float32)


def _tc_sage_body(p_ref, c_ref, x_ref, wl_ref, b_ref, wr_ref, o_ref, *, relu):
    s = p_ref[0] + p_ref[1]
    c = (c_ref[:, 0] + c_ref[:, 1])[:, None]
    mean = s / jnp.maximum(c, 1.0)
    r = _matmul_t(mean, wl_ref[...]) + b_ref[...] + _matmul_t(x_ref[...],
                                                              wr_ref[...])
    o_ref[...] = jnp.maximum(r, 0.0) if relu else r


def _tc_sage(p, cnt, feat, wl_t, bl, wr_t, relu):
    n, d = feat.shape
    blk = next(b for b in range(min(1024, n), 0, -8)
               if b % 8 == 0 and n % b == 0)
    grid = (n // blk,)
    return pl.pallas_call(
        functools.partial(_tc_sage_body, relu=relu),
        grid=grid,
        in_specs=[
            pl.BlockSpec((NC, blk, d), lambda i: (0, i, 0)),
            pl.BlockSpec((blk, NC), lambda i: (i, 0)),
            pl.BlockSpec((blk, d), lambda i: (i, 0)),
            pl.BlockSpec((d, d), lambda i: (0, 0)),
            pl.BlockSpec((1, d), lambda i: (0, 0)),
            pl.BlockSpec((d, d), lambda i: (0, 0)),
        ],
        out_specs=pl.BlockSpec((blk, d), lambda i: (i, 0)),
        out_shape=jax.ShapeDtypeStruct((n, d), jnp.float32),
    )(p, cnt, feat, wl_t, bl, wr_t)


def kernel(x, edge_index, W1l, b1l, W1r, W2l, b2l, W2r):
    n, d = x.shape
    e = edge_index.shape[1]

    rc = -(-e // CHUNK)
    kb = rc * CHUNK - e

    ei = edge_index.astype(jnp.int32)
    if kb:
        ei = jnp.pad(ei, ((0, 0), (0, kb)))

    b1 = b1l.reshape(1, d)
    b2 = b2l.reshape(1, d)
    c_star = (rc - 1) % NC

    p1, cnt = _sc_aggregate(x, ei, rc, with_cnt=True)
    if kb:
        p1 = p1.at[c_star, 0].add(-kb * x[0])
        cnt = cnt.at[c_star * n].add(-float(kb))
    cnt = cnt.reshape(NC, n).T
    h = _tc_sage(p1, cnt, x, W1l, b1, W1r, relu=True)
    (p2,) = _sc_aggregate(h, ei, rc, with_cnt=False)
    if kb:
        p2 = p2.at[c_star, 0].add(-kb * h[0])
    out = _tc_sage(p2, cnt, h, W2l, b2, W2r, relu=False)
    return out

# --- scband reference (transcript-rebuilt; emitter-appended) ---
"""Pipeline reference for scband-gs-6880537608965 (READ-ONLY COPY).

The authoritative reference and input builder live on the scoring server;
editing this copy changes nothing except your own understanding.
"""

import jax, jax.numpy as jnp
import numpy as np

N = 10000
E = 320000
D = 128


def setup_inputs(seed: int = 0) -> dict:
    key = jax.random.key(seed)
    ks = jax.random.split(key, 9)
    x = jax.random.normal(ks[0], (N, D), dtype=jnp.float32)
    edge_index = jax.random.randint(ks[1], (2, E), 0, N, dtype=jnp.int64)
    s = 1.0 / np.sqrt(D)
    W1l = jax.random.uniform(ks[2], (D, D), jnp.float32, -s, s)
    b1l = jnp.zeros((D,), jnp.float32)
    W1r = jax.random.uniform(ks[3], (D, D), jnp.float32, -s, s)
    W2l = jax.random.uniform(ks[4], (D, D), jnp.float32, -s, s)
    b2l = jnp.zeros((D,), jnp.float32)
    W2r = jax.random.uniform(ks[5], (D, D), jnp.float32, -s, s)
    return {"x": x, "edge_index": edge_index, "W1l": W1l, "b1l": b1l, "W1r": W1r,
            "W2l": W2l, "b2l": b2l, "W2r": W2r}


def _sage_conv(x, edge_index, Wl, bl, Wr):
    # PyG SAGEConv with mean aggregation:
    # out = lin_l(mean_{j in N(i)} x_j) + lin_r(x_i)
    src = edge_index[0]
    dst = edge_index[1]
    msgs = jnp.take(x, src, axis=0)                                  # gather [E, D]
    summed = jax.ops.segment_sum(msgs, dst, num_segments=N)          # scatter-add [N, D]
    cnt = jax.ops.segment_sum(jnp.ones((msgs.shape[0],), x.dtype), dst, num_segments=N)
    mean = summed / jnp.clip(cnt, 1.0, None)[:, None]
    return mean @ Wl.T + bl + x @ Wr.T


def reference(x, edge_index, W1l, b1l, W1r, W2l, b2l, W2r):
    h = jax.nn.relu(_sage_conv(x, edge_index, W1l, b1l, W1r))
    out = _sage_conv(h, edge_index, W2l, b2l, W2r)
    return out

if __name__ == "__main__":
    import jax
    _d = setup_inputs()
    print(jax.jit(kernel)(*tuple(_d.values())))

</pallas_src>

<mosaic_0001>
#map = affine_map<(d0, d1) -> (0, 0)>
#map1 = affine_map<(d0, d1) -> (0, 0, 0)>
#map2 = affine_map<(d0, d1) -> (0)>
module attributes {stable_mosaic.version = 14 : i64} {
  func.func @body(%arg0: i32, %arg1: i32, %arg2: memref<10000x128xf32, #tpu.memory_space<hbm>>, %arg3: memref<2x320000xi32, #tpu.memory_space<hbm>>, %arg4: memref<2x10000x128xf32, #tpu.memory_space<hbm>>, %arg5: memref<20000xf32, #tpu.memory_space<hbm>>, %arg6: memref<2x128xi32, #tpu.memory_space<vmem>>, %arg7: memref<2x128xi32, #tpu.memory_space<vmem>>, %arg8: memref<128x128xf32, #tpu.memory_space<vmem>>, %arg9: memref<128x128xf32, #tpu.memory_space<vmem>>, %arg10: memref<!tpu.dma_semaphore, #tpu.memory_space<semaphore_mem>>, %arg11: memref<!tpu.dma_semaphore, #tpu.memory_space<semaphore_mem>>, %arg12: memref<!tpu.dma_semaphore, #tpu.memory_space<semaphore_mem>>, %arg13: memref<!tpu.dma_semaphore, #tpu.memory_space<semaphore_mem>>, %arg14: memref<128xf32, #tpu.memory_space<vmem>>, %arg15: memref<640xf32, #tpu.memory_space<vmem>>, %arg16: memref<10000x128xf32, #tpu.memory_space<vmem_shared>>, %arg17: memref<10000xf32, #tpu.memory_space<vmem_shared>>) attributes {dimension_semantics = [#tpu.dimension_semantics<core_parallel>, #tpu.dimension_semantics<subcore_parallel>], iteration_bounds = array<i64: 2, 16>, scalar_prefetch = 0 : i64, scratch_operands = 12 : i64, tpu.core_type = #tpu.core_type<sc_vector_subcore>, window_params = [{transform_indices = #map}, {transform_indices = #map}, {transform_indices = #map1}, {transform_indices = #map2}]} {
    %mul3A = arith.constant 2 : i32
    %mul3A_0 = arith.muli %arg1, %mul3A : i32
    %add3A = arith.addi %mul3A_0, %arg0 : i32
    %mul3A_1 = arith.constant 632 : i32
    %mul3A_2 = arith.muli %arg1, %mul3A_1 : i32
    %broadcast_in_dim3A = arith.constant 0.000000e+00 : f32
    %broadcast_in_dim3A_3 = vector.broadcast %broadcast_in_dim3A : f32 to vector<16xf32>
    %scan3A = arith.constant 0 : i32
    %scan3A_4 = arith.constant 0 : i32
    %scan3A_5 = arith.constant 128 : i32
    %scan3A_6 = arith.addi %scan3A_4, %scan3A_5 : i32
    %scan3A_7 = arith.constant 1 : i32
    %scan3A_8 = scf.for %scan3A_74 = %scan3A_4 to %scan3A_6 step %scan3A_7 iter_args(%scan3A_75 = %scan3A) -> (i32)  : i32 {
      %swap3A = arith.index_cast %scan3A_74 : i32 to index
      %swap3A_76 = arith.constant 0 : index
      %swap3A_77 = tpu.vector_load %arg8[%swap3A, %swap3A_76] {strides = array<i32>} : memref<128x128xf32, #tpu.memory_space<vmem>>, vector<1x16xf32>,
      %swap3A_78 = vector.shape_cast %swap3A_77 : vector<1x16xf32> to vector<16xf32>
      %swap3A_79 = vector.shape_cast %broadcast_in_dim3A_3 : vector<16xf32> to vector<1x16xf32>
      tpu.vector_store %arg8[%swap3A, %swap3A_76], %swap3A_79 {strides = array<i32>} : memref<128x128xf32, #tpu.memory_space<vmem>>, vector<1x16xf32>,
      %swap3A_80 = arith.index_cast %scan3A_74 : i32 to index
      %swap3A_81 = arith.constant 16 : index
      %swap3A_82 = tpu.vector_load %arg8[%swap3A_80, %swap3A_81] {strides = array<i32>} : memref<128x128xf32, #tpu.memory_space<vmem>>, vector<1x16xf32>,
      %swap3A_83 = vector.shape_cast %swap3A_82 : vector<1x16xf32> to vector<16xf32>
      %swap3A_84 = vector.shape_cast %broadcast_in_dim3A_3 : vector<16xf32> to vector<1x16xf32>
      tpu.vector_store %arg8[%swap3A_80, %swap3A_81], %swap3A_84 {strides = array<i32>} : memref<128x128xf32, #tpu.memory_space<vmem>>, vector<1x16xf32>,
      %swap3A_85 = arith.index_cast %scan3A_74 : i32 to index
      %swap3A_86 = arith.constant 32 : index
      %swap3A_87 = tpu.vector_load %arg8[%swap3A_85, %swap3A_86] {strides = array<i32>} : memref<128x128xf32, #tpu.memory_space<vmem>>, vector<1x16xf32>,
      %swap3A_88 = vector.shape_cast %swap3A_87 : vector<1x16xf32> to vector<16xf32>
      %swap3A_89 = vector.shape_cast %broadcast_in_dim3A_3 : vector<16xf32> to vector<1x16xf32>
      tpu.vector_store %arg8[%swap3A_85, %swap3A_86], %swap3A_89 {strides = array<i32>} : memref<128x128xf32, #tpu.memory_space<vmem>>, vector<1x16xf32>,
      %swap3A_90 = arith.index_cast %scan3A_74 : i32 to index
      %swap3A_91 = arith.constant 48 : index
      %swap3A_92 = tpu.vector_load %arg8[%swap3A_90, %swap3A_91] {strides = array<i32>} : memref<128x128xf32, #tpu.memory_space<vmem>>, vector<1x16xf32>,
      %swap3A_93 = vector.shape_cast %swap3A_92 : vector<1x16xf32> to vector<16xf32>
      %swap3A_94 = vector.shape_cast %broadcast_in_dim3A_3 : vector<16xf32> to vector<1x16xf32>
      tpu.vector_store %arg8[%swap3A_90, %swap3A_91], %swap3A_94 {strides = array<i32>} : memref<128x128xf32, #tpu.memory_space<vmem>>, vector<1x16xf32>,
      %swap3A_95 = arith.index_cast %scan3A_74 : i32 to index
      %swap3A_96 = arith.constant 64 : index
      %swap3A_97 = tpu.vector_load %arg8[%swap3A_95, %swap3A_96] {strides = array<i32>} : memref<128x128xf32, #tpu.memory_space<vmem>>, vector<1x16xf32>,
      %swap3A_98 = vector.shape_cast %swap3A_97 : vector<1x16xf32> to vector<16xf32>
      %swap3A_99 = vector.shape_cast %broadcast_in_dim3A_3 : vector<16xf32> to vector<1x16xf32>
      tpu.vector_store %arg8[%swap3A_95, %swap3A_96], %swap3A_99 {strides = array<i32>} : memref<128x128xf32, #tpu.memory_space<vmem>>, vector<1x16xf32>,
      %swap3A_100 = arith.index_cast %scan3A_74 : i32 to index
      %swap3A_101 = arith.constant 80 : index
      %swap3A_102 = tpu.vector_load %arg8[%swap3A_100, %swap3A_101] {strides = array<i32>} : memref<128x128xf32, #tpu.memory_space<vmem>>, vector<1x16xf32>,
      %swap3A_103 = vector.shape_cast %swap3A_102 : vector<1x16xf32> to vector<16xf32>
      %swap3A_104 = vector.shape_cast %broadcast_in_dim3A_3 : vector<16xf32> to vector<1x16xf32>
      tpu.vector_store %arg8[%swap3A_100, %swap3A_101], %swap3A_104 {strides = array<i32>} : memref<128x128xf32, #tpu.memory_space<vmem>>, vector<1x16xf32>,
      %swap3A_105 = arith.index_cast %scan3A_74 : i32 to index
      %swap3A_106 = arith.constant 96 : index
      %swap3A_107 = tpu.vector_load %arg8[%swap3A_105, %swap3A_106] {strides = array<i32>} : memref<128x128xf32, #tpu.memory_space<vmem>>, vector<1x16xf32>,
      %swap3A_108 = vector.shape_cast %swap3A_107 : vector<1x16xf32> to vector<16xf32>
      %swap3A_109 = vector.shape_cast %broadcast_in_dim3A_3 : vector<16xf32> to vector<1x16xf32>
      tpu.vector_store %arg8[%swap3A_105, %swap3A_106], %swap3A_109 {strides = array<i32>} : memref<128x128xf32, #tpu.memory_space<vmem>>, vector<1x16xf32>,
      %swap3A_110 = arith.index_cast %scan3A_74 : i32 to index
      %swap3A_111 = arith.constant 112 : index
      %swap3A_112 = tpu.vector_load %arg8[%swap3A_110, %swap3A_111] {strides = array<i32>} : memref<128x128xf32, #tpu.memory_space<vmem>>, vector<1x16xf32>,
      %swap3A_113 = vector.shape_cast %swap3A_112 : vector<1x16xf32> to vector<16xf32>
      %swap3A_114 = vector.shape_cast %broadcast_in_dim3A_3 : vector<16xf32> to vector<1x16xf32>
      tpu.vector_store %arg8[%swap3A_110, %swap3A_111], %swap3A_114 {strides = array<i32>} : memref<128x128xf32, #tpu.memory_space<vmem>>, vector<1x16xf32>,
      %scan3A_115 = arith.constant 0 : i32
      scf.yield %scan3A_115 : i32
    }
    %scan3A_9 = arith.constant 128 : i32
    %scan3A_10 = arith.constant 0 : i32
    %scan3A_11 = arith.constant 0 : i32
    %scan3A_12 = arith.constant 8 : i32
    %scan3A_13 = arith.addi %scan3A_11, %scan3A_12 : i32
    %scan3A_14 = arith.constant 1 : i32
    %scan3A_15 = scf.for %scan3A_74 = %scan3A_11 to %scan3A_13 step %scan3A_14 iter_args(%scan3A_75 = %scan3A_10) -> (i32)  : i32 {
      %broadcast_in_dim3A_76 = arith.constant 1.000000e+00 : f32
      %broadcast_in_dim3A_77 = vector.broadcast %broadcast_in_dim3A_76 : f32 to vector<16xf32>
      %mul3A_78 = arith.constant 16 : i32
      %mul3A_79 = arith.muli %scan3A_74, %mul3A_78 : i32
      %swap3A = arith.index_cast %mul3A_79 : i32 to index
      %swap3A_80 = tpu.vector_load %arg14[%swap3A] {strides = array<i32>} : memref<128xf32, #tpu.memory_space<vmem>>, vector<16xf32>,
      %swap3A_81 = vector.shape_cast %swap3A_80 : vector<16xf32> to vector<16xf32>
      %swap3A_82 = vector.shape_cast %broadcast_in_dim3A_77 : vector<16xf32> to vector<16xf32>
      tpu.vector_store %arg14[%swap3A], %swap3A_82 {strides = array<i32>} : memref<128xf32, #tpu.memory_space<vmem>>, vector<16xf32>,
      %scan3A_83 = arith.constant 0 : i32
      scf.yield %scan3A_83 : i32
    }
    %scan3A_16 = arith.constant 8 : i32
    %scan3A_17 = arith.constant 0 : i32
    %scan3A_18 = arith.constant 0 : i32
    %scan3A_19 = arith.constant 40 : i32
    %scan3A_20 = arith.addi %scan3A_18, %scan3A_19 : i32
    %scan3A_21 = arith.constant 1 : i32
    %scan3A_22 = scf.for %scan3A_74 = %scan3A_18 to %scan3A_20 step %scan3A_21 iter_args(%scan3A_75 = %scan3A_17) -> (i32)  : i32 {
      %mul3A_76 = arith.constant 16 : i32
      %mul3A_77 = arith.muli %scan3A_74, %mul3A_76 : i32
      %swap3A = arith.index_cast %mul3A_77 : i32 to index
      %swap3A_78 = tpu.vector_load %arg15[%swap3A] {strides = array<i32>} : memref<640xf32, #tpu.memory_space<vmem>>, vector<16xf32>,
      %swap3A_79 = vector.shape_cast %swap3A_78 : vector<16xf32> to vector<16xf32>
      %swap3A_80 = vector.shape_cast %broadcast_in_dim3A_3 : vector<16xf32> to vector<16xf32>
      tpu.vector_store %arg15[%swap3A], %swap3A_80 {strides = array<i32>} : memref<640xf32, #tpu.memory_space<vmem>>, vector<16xf32>,
      %scan3A_81 = arith.constant 0 : i32
      scf.yield %scan3A_81 : i32
    }
    %scan3A_23 = arith.constant 40 : i32
    %lt3A = arith.constant 15 : i32
    %lt3A_24 = arith.cmpi slt, %arg1, %lt3A : i32
    %convert_element_type3A = arith.extui %lt3A_24 : i1 to i32
    %cond3A = arith.constant 0 : i32
    %cond3A_25 = arith.cmpi ne, %convert_element_type3A, %cond3A : i32
    scf.if %cond3A_25 {
      %add3A_74 = arith.constant 0 : i32
      %add3A_75 = arith.addi %mul3A_2, %add3A_74 : i32
      "tpu.region"() ({
        %run_scoped3A = tpu.sem_alloc : memref<!tpu.dma_semaphore, #tpu.memory_space<semaphore_mem>>
        %dma_start3A = arith.constant 0 : i32
        %dma_start3A_84 = arith.constant 0 : i32
        %dma_start3A_85 = tpu.memref_slice %arg8[%dma_start3A, %dma_start3A_84] : memref<128x128xf32, #tpu.memory_space<vmem>> -> memref<128x128xf32, #tpu.memory_space<vmem>>
        %dma_start3A_86 = arith.constant 0 : i32
        %dma_start3A_87 = tpu.memref_slice %arg16[%add3A_75, %dma_start3A_86] : memref<10000x128xf32, #tpu.memory_space<vmem_shared>> -> memref<128x128xf32, #tpu.memory_space<vmem_shared>>
        %dma_start3A_88 = arith.constant 0 : i32
        %dma_start3A_89 = tpu.memref_slice %arg16[%add3A_75, %dma_start3A_88] : memref<10000x128xf32, #tpu.memory_space<vmem_shared>> -> memref<128x128xf32, #tpu.memory_space<vmem_shared>>
        %dma_start3A_90 = arith.constant 0 : i32
        %dma_start3A_91 = arith.constant 0 : i32
        %dma_start3A_92 = tpu.memref_slice %arg8[%dma_start3A_90, %dma_start3A_91] : memref<128x128xf32, #tpu.memory_space<vmem>> -> memref<128x128xf32, #tpu.memory_space<vmem>>
        tpu.enqueue_dma source(%dma_start3A_92 : memref<128x128xf32, #tpu.memory_space<vmem>>) target(%dma_start3A_89 : memref<128x128xf32, #tpu.memory_space<vmem_shared>>) target_semaphore(%run_scoped3A : memref<!tpu.dma_semaphore, #tpu.memory_space<semaphore_mem>>)
        %dma_wait3A = arith.constant 0 : i32
        %dma_wait3A_93 = arith.constant 0 : i32
        %dma_wait3A_94 = tpu.memref_slice %arg8[%dma_wait3A, %dma_wait3A_93] : memref<128x128xf32, #tpu.memory_space<vmem>> -> memref<128x128xf32, #tpu.memory_space<vmem>>
        %dma_wait3A_95 = arith.constant 0 : i32
        %dma_wait3A_96 = tpu.memref_slice %arg16[%add3A_75, %dma_wait3A_95] : memref<10000x128xf32, #tpu.memory_space<vmem_shared>> -> memref<128x128xf32, #tpu.memory_space<vmem_shared>>
        %dma_wait3A_97 = arith.constant 0 : i32
        %dma_wait3A_98 = tpu.memref_slice %arg16[%add3A_75, %dma_wait3A_97] : memref<10000x128xf32, #tpu.memory_space<vmem_shared>> -> memref<128x128xf32, #tpu.memory_space<vmem_shared>>
        %dma_wait3A_99 = arith.constant 0 : i32
        %dma_wait3A_100 = arith.constant 0 : i32
        %dma_wait3A_101 = tpu.memref_slice %arg8[%dma_wait3A_99, %dma_wait3A_100] : memref<128x128xf32, #tpu.memory_space<vmem>> -> memref<128x128xf32, #tpu.memory_space<vmem>>
        tpu.wait_dma2 semaphore(%run_scoped3A : memref<!tpu.dma_semaphore, #tpu.memory_space<semaphore_mem>>) src(%dma_wait3A_101 : memref<128x128xf32, #tpu.memory_space<vmem>>) dst(%dma_wait3A_98 : memref<128x128xf32, #tpu.memory_space<vmem_shared>>)
        tpu.yield
      }) : () -> ()
      %add3A_76 = arith.constant 128 : i32
      %add3A_77 = arith.addi %mul3A_2, %add3A_76 : i32
      "tpu.region"() ({
        %run_scoped3A = tpu.sem_alloc : memref<!tpu.dma_semaphore, #tpu.memory_space<semaphore_mem>>
        %dma_start3A = arith.constant 0 : i32
        %dma_start3A_84 = arith.constant 0 : i32
        %dma_start3A_85 = tpu.memref_slice %arg8[%dma_start3A, %dma_start3A_84] : memref<128x128xf32, #tpu.memory_space<vmem>> -> memref<128x128xf32, #tpu.memory_space<vmem>>
        %dma_start3A_86 = arith.constant 0 : i32
        %dma_start3A_87 = tpu.memref_slice %arg16[%add3A_77, %dma_start3A_86] : memref<10000x128xf32, #tpu.memory_space<vmem_shared>> -> memref<128x128xf32, #tpu.memory_space<vmem_shared>>
        %dma_start3A_88 = arith.constant 0 : i32
        %dma_start3A_89 = tpu.memref_slice %arg16[%add3A_77, %dma_start3A_88] : memref<10000x128xf32, #tpu.memory_space<vmem_shared>> -> memref<128x128xf32, #tpu.memory_space<vmem_shared>>
        %dma_start3A_90 = arith.constant 0 : i32
        %dma_start3A_91 = arith.constant 0 : i32
        %dma_start3A_92 = tpu.memref_slice %arg8[%dma_start3A_90, %dma_start3A_91] : memref<128x128xf32, #tpu.memory_space<vmem>> -> memref<128x128xf32, #tpu.memory_space<vmem>>
        tpu.enqueue_dma source(%dma_start3A_92 : memref<128x128xf32, #tpu.memory_space<vmem>>) target(%dma_start3A_89 : memref<128x128xf32, #tpu.memory_space<vmem_shared>>) target_semaphore(%run_scoped3A : memref<!tpu.dma_semaphore, #tpu.memory_space<semaphore_mem>>)
        %dma_wait3A = arith.constant 0 : i32
        %dma_wait3A_93 = arith.constant 0 : i32
        %dma_wait3A_94 = tpu.memref_slice %arg8[%dma_wait3A, %dma_wait3A_93] : memref<128x128xf32, #tpu.memory_space<vmem>> -> memref<128x128xf32, #tpu.memory_space<vmem>>
        %dma_wait3A_95 = arith.constant 0 : i32
        %dma_wait3A_96 = tpu.memref_slice %arg16[%add3A_77, %dma_wait3A_95] : memref<10000x128xf32, #tpu.memory_space<vmem_shared>> -> memref<128x128xf32, #tpu.memory_space<vmem_shared>>
        %dma_wait3A_97 = arith.constant 0 : i32
        %dma_wait3A_98 = tpu.memref_slice %arg16[%add3A_77, %dma_wait3A_97] : memref<10000x128xf32, #tpu.memory_space<vmem_shared>> -> memref<128x128xf32, #tpu.memory_space<vmem_shared>>
        %dma_wait3A_99 = arith.constant 0 : i32
        %dma_wait3A_100 = arith.constant 0 : i32
        %dma_wait3A_101 = tpu.memref_slice %arg8[%dma_wait3A_99, %dma_wait3A_100] : memref<128x128xf32, #tpu.memory_space<vmem>> -> memref<128x128xf32, #tpu.memory_space<vmem>>
        tpu.wait_dma2 semaphore(%run_scoped3A : memref<!tpu.dma_semaphore, #tpu.memory_space<semaphore_mem>>) src(%dma_wait3A_101 : memref<128x128xf32, #tpu.memory_space<vmem>>) dst(%dma_wait3A_98 : memref<128x128xf32, #tpu.memory_space<vmem_shared>>)
        tpu.yield
      }) : () -> ()
      %add3A_78 = arith.constant 256 : i32
      %add3A_79 = arith.addi %mul3A_2, %add3A_78 : i32
      "tpu.region"() ({
        %run_scoped3A = tpu.sem_alloc : memref<!tpu.dma_semaphore, #tpu.memory_space<semaphore_mem>>
        %dma_start3A = arith.constant 0 : i32
        %dma_start3A_84 = arith.constant 0 : i32
        %dma_start3A_85 = tpu.memref_slice %arg8[%dma_start3A, %dma_start3A_84] : memref<128x128xf32, #tpu.memory_space<vmem>> -> memref<128x128xf32, #tpu.memory_space<vmem>>
        %dma_start3A_86 = arith.constant 0 : i32
        %dma_start3A_87 = tpu.memref_slice %arg16[%add3A_79, %dma_start3A_86] : memref<10000x128xf32, #tpu.memory_space<vmem_shared>> -> memref<128x128xf32, #tpu.memory_space<vmem_shared>>
        %dma_start3A_88 = arith.constant 0 : i32
        %dma_start3A_89 = tpu.memref_slice %arg16[%add3A_79, %dma_start3A_88] : memref<10000x128xf32, #tpu.memory_space<vmem_shared>> -> memref<128x128xf32, #tpu.memory_space<vmem_shared>>
        %dma_start3A_90 = arith.constant 0 : i32
        %dma_start3A_91 = arith.constant 0 : i32
        %dma_start3A_92 = tpu.memref_slice %arg8[%dma_start3A_90, %dma_start3A_91] : memref<128x128xf32, #tpu.memory_space<vmem>> -> memref<128x128xf32, #tpu.memory_space<vmem>>
        tpu.enqueue_dma source(%dma_start3A_92 : memref<128x128xf32, #tpu.memory_space<vmem>>) target(%dma_start3A_89 : memref<128x128xf32, #tpu.memory_space<vmem_shared>>) target_semaphore(%run_scoped3A : memref<!tpu.dma_semaphore, #tpu.memory_space<semaphore_mem>>)
        %dma_wait3A = arith.constant 0 : i32
        %dma_wait3A_93 = arith.constant 0 : i32
        %dma_wait3A_94 = tpu.memref_slice %arg8[%dma_wait3A, %dma_wait3A_93] : memref<128x128xf32, #tpu.memory_space<vmem>> -> memref<128x128xf32, #tpu.memory_space<vmem>>
        %dma_wait3A_95 = arith.constant 0 : i32
        %dma_wait3A_96 = tpu.memref_slice %arg16[%add3A_79, %dma_wait3A_95] : memref<10000x128xf32, #tpu.memory_space<vmem_shared>> -> memref<128x128xf32, #tpu.memory_space<vmem_shared>>
        %dma_wait3A_97 = arith.constant 0 : i32
        %dma_wait3A_98 = tpu.memref_slice %arg16[%add3A_79, %dma_wait3A_97] : memref<10000x128xf32, #tpu.memory_space<vmem_shared>> -> memref<128x128xf32, #tpu.memory_space<vmem_shared>>
        %dma_wait3A_99 = arith.constant 0 : i32
        %dma_wait3A_100 = arith.constant 0 : i32
        %dma_wait3A_101 = tpu.memref_slice %arg8[%dma_wait3A_99, %dma_wait3A_100] : memref<128x128xf32, #tpu.memory_space<vmem>> -> memref<128x128xf32, #tpu.memory_space<vmem>>
        tpu.wait_dma2 semaphore(%run_scoped3A : memref<!tpu.dma_semaphore, #tpu.memory_space<semaphore_mem>>) src(%dma_wait3A_101 : memref<128x128xf32, #tpu.memory_space<vmem>>) dst(%dma_wait3A_98 : memref<128x128xf32, #tpu.memory_space<vmem_shared>>)
        tpu.yield
      }) : () -> ()
      %add3A_80 = arith.constant 384 : i32
      %add3A_81 = arith.addi %mul3A_2, %add3A_80 : i32
      "tpu.region"() ({
        %run_scoped3A = tpu.sem_alloc : memref<!tpu.dma_semaphore, #tpu.memory_space<semaphore_mem>>
        %dma_start3A = arith.constant 0 : i32
        %dma_start3A_84 = arith.constant 0 : i32
        %dma_start3A_85 = tpu.memref_slice %arg8[%dma_start3A, %dma_start3A_84] : memref<128x128xf32, #tpu.memory_space<vmem>> -> memref<128x128xf32, #tpu.memory_space<vmem>>
        %dma_start3A_86 = arith.constant 0 : i32
        %dma_start3A_87 = tpu.memref_slice %arg16[%add3A_81, %dma_start3A_86] : memref<10000x128xf32, #tpu.memory_space<vmem_shared>> -> memref<128x128xf32, #tpu.memory_space<vmem_shared>>
        %dma_start3A_88 = arith.constant 0 : i32
        %dma_start3A_89 = tpu.memref_slice %arg16[%add3A_81, %dma_start3A_88] : memref<10000x128xf32, #tpu.memory_space<vmem_shared>> -> memref<128x128xf32, #tpu.memory_space<vmem_shared>>
        %dma_start3A_90 = arith.constant 0 : i32
        %dma_start3A_91 = arith.constant 0 : i32
        %dma_start3A_92 = tpu.memref_slice %arg8[%dma_start3A_90, %dma_start3A_91] : memref<128x128xf32, #tpu.memory_space<vmem>> -> memref<128x128xf32, #tpu.memory_space<vmem>>
        tpu.enqueue_dma source(%dma_start3A_92 : memref<128x128xf32, #tpu.memory_space<vmem>>) target(%dma_start3A_89 : memref<128x128xf32, #tpu.memory_space<vmem_shared>>) target_semaphore(%run_scoped3A : memref<!tpu.dma_semaphore, #tpu.memory_space<semaphore_mem>>)
        %dma_wait3A = arith.constant 0 : i32
        %dma_wait3A_93 = arith.constant 0 : i32
        %dma_wait3A_94 = tpu.memref_slice %arg8[%dma_wait3A, %dma_wait3A_93] : memref<128x128xf32, #tpu.memory_space<vmem>> -> memref<128x128xf32, #tpu.memory_space<vmem>>
        %dma_wait3A_95 = arith.constant 0 : i32
        %dma_wait3A_96 = tpu.memref_slice %arg16[%add3A_81, %dma_wait3A_95] : memref<10000x128xf32, #tpu.memory_space<vmem_shared>> -> memref<128x128xf32, #tpu.memory_space<vmem_shared>>
        %dma_wait3A_97 = arith.constant 0 : i32
        %dma_wait3A_98 = tpu.memref_slice %arg16[%add3A_81, %dma_wait3A_97] : memref<10000x128xf32, #tpu.memory_space<vmem_shared>> -> memref<128x128xf32, #tpu.memory_space<vmem_shared>>
        %dma_wait3A_99 = arith.constant 0 : i32
        %dma_wait3A_100 = arith.constant 0 : i32
        %dma_wait3A_101 = tpu.memref_slice %arg8[%dma_wait3A_99, %dma_wait3A_100] : memref<128x128xf32, #tpu.memory_space<vmem>> -> memref<128x128xf32, #tpu.memory_space<vmem>>
        tpu.wait_dma2 semaphore(%run_scoped3A : memref<!tpu.dma_semaphore, #tpu.memory_space<semaphore_mem>>) src(%dma_wait3A_101 : memref<128x128xf32, #tpu.memory_space<vmem>>) dst(%dma_wait3A_98 : memref<128x128xf32, #tpu.memory_space<vmem_shared>>)
        tpu.yield
      }) : () -> ()
      %add3A_82 = arith.constant 512 : i32
      %add3A_83 = arith.addi %mul3A_2, %add3A_82 : i32
      "tpu.region"() ({
        %run_scoped3A = tpu.sem_alloc : memref<!tpu.dma_semaphore, #tpu.memory_space<semaphore_mem>>
        %dma_start3A = arith.constant 0 : i32
        %dma_start3A_84 = arith.constant 0 : i32
        %dma_start3A_85 = tpu.memref_slice %arg8[%dma_start3A, %dma_start3A_84] : memref<128x128xf32, #tpu.memory_space<vmem>> -> memref<120x128xf32, #tpu.memory_space<vmem>>
        %dma_start3A_86 = arith.constant 0 : i32
        %dma_start3A_87 = tpu.memref_slice %arg16[%add3A_83, %dma_start3A_86] : memref<10000x128xf32, #tpu.memory_space<vmem_shared>> -> memref<120x128xf32, #tpu.memory_space<vmem_shared>>
        %dma_start3A_88 = arith.constant 0 : i32
        %dma_start3A_89 = tpu.memref_slice %arg16[%add3A_83, %dma_start3A_88] : memref<10000x128xf32, #tpu.memory_space<vmem_shared>> -> memref<120x128xf32, #tpu.memory_space<vmem_shared>>
        %dma_start3A_90 = arith.constant 0 : i32
        %dma_start3A_91 = arith.constant 0 : i32
        %dma_start3A_92 = tpu.memref_slice %arg8[%dma_start3A_90, %dma_start3A_91] : memref<128x128xf32, #tpu.memory_space<vmem>> -> memref<120x128xf32, #tpu.memory_space<vmem>>
        tpu.enqueue_dma source(%dma_start3A_92 : memref<120x128xf32, #tpu.memory_space<vmem>>) target(%dma_start3A_89 : memref<120x128xf32, #tpu.memory_space<vmem_shared>>) target_semaphore(%run_scoped3A : memref<!tpu.dma_semaphore, #tpu.memory_space<semaphore_mem>>)
        %dma_wait3A = arith.constant 0 : i32
        %dma_wait3A_93 = arith.constant 0 : i32
        %dma_wait3A_94 = tpu.memref_slice %arg8[%dma_wait3A, %dma_wait3A_93] : memref<128x128xf32, #tpu.memory_space<vmem>> -> memref<120x128xf32, #tpu.memory_space<vmem>>
        %dma_wait3A_95 = arith.constant 0 : i32
        %dma_wait3A_96 = tpu.memref_slice %arg16[%add3A_83, %dma_wait3A_95] : memref<10000x128xf32, #tpu.memory_space<vmem_shared>> -> memref<120x128xf32, #tpu.memory_space<vmem_shared>>
        %dma_wait3A_97 = arith.constant 0 : i32
        %dma_wait3A_98 = tpu.memref_slice %arg16[%add3A_83, %dma_wait3A_97] : memref<10000x128xf32, #tpu.memory_space<vmem_shared>> -> memref<120x128xf32, #tpu.memory_space<vmem_shared>>
        %dma_wait3A_99 = arith.constant 0 : i32
        %dma_wait3A_100 = arith.constant 0 : i32
        %dma_wait3A_101 = tpu.memref_slice %arg8[%dma_wait3A_99, %dma_wait3A_100] : memref<128x128xf32, #tpu.memory_space<vmem>> -> memref<120x128xf32, #tpu.memory_space<vmem>>
        tpu.wait_dma2 semaphore(%run_scoped3A : memref<!tpu.dma_semaphore, #tpu.memory_space<semaphore_mem>>) src(%dma_wait3A_101 : memref<120x128xf32, #tpu.memory_space<vmem>>) dst(%dma_wait3A_98 : memref<120x128xf32, #tpu.memory_space<vmem_shared>>)
        tpu.yield
      }) : () -> ()
      "tpu.region"() ({
        %run_scoped3A = tpu.sem_alloc : memref<!tpu.dma_semaphore, #tpu.memory_space<semaphore_mem>>
        %dma_start3A = arith.constant 0 : i32
        %dma_start3A_84 = tpu.memref_slice %arg15[%dma_start3A] : memref<640xf32, #tpu.memory_space<vmem>> -> memref<632xf32, #tpu.memory_space<vmem>>
        %dma_start3A_85 = tpu.memref_slice %arg17[%mul3A_2] : memref<10000xf32, #tpu.memory_space<vmem_shared>> -> memref<632xf32, #tpu.memory_space<vmem_shared>>
        %dma_start3A_86 = tpu.memref_slice %arg17[%mul3A_2] : memref<10000xf32, #tpu.memory_space<vmem_shared>> -> memref<632xf32, #tpu.memory_space<vmem_shared>>
        %dma_start3A_87 = arith.constant 0 : i32
        %dma_start3A_88 = tpu.memref_slice %arg15[%dma_start3A_87] : memref<640xf32, #tpu.memory_space<vmem>> -> memref<632xf32, #tpu.memory_space<vmem>>
        tpu.enqueue_dma source(%dma_start3A_88 : memref<632xf32, #tpu.memory_space<vmem>>) target(%dma_start3A_86 : memref<632xf32, #tpu.memory_space<vmem_shared>>) target_semaphore(%run_scoped3A : memref<!tpu.dma_semaphore, #tpu.memory_space<semaphore_mem>>)
        %dma_wait3A = arith.constant 0 : i32
        %dma_wait3A_89 = tpu.memref_slice %arg15[%dma_wait3A] : memref<640xf32, #tpu.memory_space<vmem>> -> memref<632xf32, #tpu.memory_space<vmem>>
        %dma_wait3A_90 = tpu.memref_slice %arg17[%mul3A_2] : memref<10000xf32, #tpu.memory_space<vmem_shared>> -> memref<632xf32, #tpu.memory_space<vmem_shared>>
        %dma_wait3A_91 = tpu.memref_slice %arg17[%mul3A_2] : memref<10000xf32, #tpu.memory_space<vmem_shared>> -> memref<632xf32, #tpu.memory_space<vmem_shared>>
        %dma_wait3A_92 = arith.constant 0 : i32
        %dma_wait3A_93 = tpu.memref_slice %arg15[%dma_wait3A_92] : memref<640xf32, #tpu.memory_space<vmem>> -> memref<632xf32, #tpu.memory_space<vmem>>
        tpu.wait_dma2 semaphore(%run_scoped3A : memref<!tpu.dma_semaphore, #tpu.memory_space<semaphore_mem>>) src(%dma_wait3A_93 : memref<632xf32, #tpu.memory_space<vmem>>) dst(%dma_wait3A_91 : memref<632xf32, #tpu.memory_space<vmem_shared>>)
        tpu.yield
      }) : () -> ()
    } else {
    }
    %eq3A = arith.constant 15 : i32
    %eq3A_26 = arith.cmpi eq, %arg1, %eq3A : i32
    %convert_element_type3A_27 = arith.extui %eq3A_26 : i1 to i32
    %cond3A_28 = arith.constant 0 : i32
    %cond3A_29 = arith.cmpi ne, %convert_element_type3A_27, %cond3A_28 : i32
    scf.if %cond3A_29 {
      %add3A_74 = arith.constant 0 : i32
      %add3A_75 = arith.addi %mul3A_2, %add3A_74 : i32
      "tpu.region"() ({
        %run_scoped3A = tpu.sem_alloc : memref<!tpu.dma_semaphore, #tpu.memory_space<semaphore_mem>>
        %dma_start3A = arith.constant 0 : i32
        %dma_start3A_84 = arith.constant 0 : i32
        %dma_start3A_85 = tpu.memref_slice %arg8[%dma_start3A, %dma_start3A_84] : memref<128x128xf32, #tpu.memory_space<vmem>> -> memref<128x128xf32, #tpu.memory_space<vmem>>
        %dma_start3A_86 = arith.constant 0 : i32
        %dma_start3A_87 = tpu.memref_slice %arg16[%add3A_75, %dma_start3A_86] : memref<10000x128xf32, #tpu.memory_space<vmem_shared>> -> memref<128x128xf32, #tpu.memory_space<vmem_shared>>
        %dma_start3A_88 = arith.constant 0 : i32
        %dma_start3A_89 = tpu.memref_slice %arg16[%add3A_75, %dma_start3A_88] : memref<10000x128xf32, #tpu.memory_space<vmem_shared>> -> memref<128x128xf32, #tpu.memory_space<vmem_shared>>
        %dma_start3A_90 = arith.constant 0 : i32
        %dma_start3A_91 = arith.constant 0 : i32
        %dma_start3A_92 = tpu.memref_slice %arg8[%dma_start3A_90, %dma_start3A_91] : memref<128x128xf32, #tpu.memory_space<vmem>> -> memref<128x128xf32, #tpu.memory_space<vmem>>
        tpu.enqueue_dma source(%dma_start3A_92 : memref<128x128xf32, #tpu.memory_space<vmem>>) target(%dma_start3A_89 : memref<128x128xf32, #tpu.memory_space<vmem_shared>>) target_semaphore(%run_scoped3A : memref<!tpu.dma_semaphore, #tpu.memory_space<semaphore_mem>>)
        %dma_wait3A = arith.constant 0 : i32
        %dma_wait3A_93 = arith.constant 0 : i32
        %dma_wait3A_94 = tpu.memref_slice %arg8[%dma_wait3A, %dma_wait3A_93] : memref<128x128xf32, #tpu.memory_space<vmem>> -> memref<128x128xf32, #tpu.memory_space<vmem>>
        %dma_wait3A_95 = arith.constant 0 : i32
        %dma_wait3A_96 = tpu.memref_slice %arg16[%add3A_75, %dma_wait3A_95] : memref<10000x128xf32, #tpu.memory_space<vmem_shared>> -> memref<128x128xf32, #tpu.memory_space<vmem_shared>>
        %dma_wait3A_97 = arith.constant 0 : i32
        %dma_wait3A_98 = tpu.memref_slice %arg16[%add3A_75, %dma_wait3A_97] : memref<10000x128xf32, #tpu.memory_space<vmem_shared>> -> memref<128x128xf32, #tpu.memory_space<vmem_shared>>
        %dma_wait3A_99 = arith.constant 0 : i32
        %dma_wait3A_100 = arith.constant 0 : i32
        %dma_wait3A_101 = tpu.memref_slice %arg8[%dma_wait3A_99, %dma_wait3A_100] : memref<128x128xf32, #tpu.memory_space<vmem>> -> memref<128x128xf32, #tpu.memory_space<vmem>>
        tpu.wait_dma2 semaphore(%run_scoped3A : memref<!tpu.dma_semaphore, #tpu.memory_space<semaphore_mem>>) src(%dma_wait3A_101 : memref<128x128xf32, #tpu.memory_space<vmem>>) dst(%dma_wait3A_98 : memref<128x128xf32, #tpu.memory_space<vmem_shared>>)
        tpu.yield
      }) : () -> ()
      %add3A_76 = arith.constant 128 : i32
      %add3A_77 = arith.addi %mul3A_2, %add3A_76 : i32
      "tpu.region"() ({
        %run_scoped3A = tpu.sem_alloc : memref<!tpu.dma_semaphore, #tpu.memory_space<semaphore_mem>>
        %dma_start3A = arith.constant 0 : i32
        %dma_start3A_84 = arith.constant 0 : i32
        %dma_start3A_85 = tpu.memref_slice %arg8[%dma_start3A, %dma_start3A_84] : memref<128x128xf32, #tpu.memory_space<vmem>> -> memref<128x128xf32, #tpu.memory_space<vmem>>
        %dma_start3A_86 = arith.constant 0 : i32
        %dma_start3A_87 = tpu.memref_slice %arg16[%add3A_77, %dma_start3A_86] : memref<10000x128xf32, #tpu.memory_space<vmem_shared>> -> memref<128x128xf32, #tpu.memory_space<vmem_shared>>
        %dma_start3A_88 = arith.constant 0 : i32
        %dma_start3A_89 = tpu.memref_slice %arg16[%add3A_77, %dma_start3A_88] : memref<10000x128xf32, #tpu.memory_space<vmem_shared>> -> memref<128x128xf32, #tpu.memory_space<vmem_shared>>
        %dma_start3A_90 = arith.constant 0 : i32
        %dma_start3A_91 = arith.constant 0 : i32
        %dma_start3A_92 = tpu.memref_slice %arg8[%dma_start3A_90, %dma_start3A_91] : memref<128x128xf32, #tpu.memory_space<vmem>> -> memref<128x128xf32, #tpu.memory_space<vmem>>
        tpu.enqueue_dma source(%dma_start3A_92 : memref<128x128xf32, #tpu.memory_space<vmem>>) target(%dma_start3A_89 : memref<128x128xf32, #tpu.memory_space<vmem_shared>>) target_semaphore(%run_scoped3A : memref<!tpu.dma_semaphore, #tpu.memory_space<semaphore_mem>>)
        %dma_wait3A = arith.constant 0 : i32
        %dma_wait3A_93 = arith.constant 0 : i32
        %dma_wait3A_94 = tpu.memref_slice %arg8[%dma_wait3A, %dma_wait3A_93] : memref<128x128xf32, #tpu.memory_space<vmem>> -> memref<128x128xf32, #tpu.memory_space<vmem>>
        %dma_wait3A_95 = arith.constant 0 : i32
        %dma_wait3A_96 = tpu.memref_slice %arg16[%add3A_77, %dma_wait3A_95] : memref<10000x128xf32, #tpu.memory_space<vmem_shared>> -> memref<128x128xf32, #tpu.memory_space<vmem_shared>>
        %dma_wait3A_97 = arith.constant 0 : i32
        %dma_wait3A_98 = tpu.memref_slice %arg16[%add3A_77, %dma_wait3A_97] : memref<10000x128xf32, #tpu.memory_space<vmem_shared>> -> memref<128x128xf32, #tpu.memory_space<vmem_shared>>
        %dma_wait3A_99 = arith.constant 0 : i32
        %dma_wait3A_100 = arith.constant 0 : i32
        %dma_wait3A_101 = tpu.memref_slice %arg8[%dma_wait3A_99, %dma_wait3A_100] : memref<128x128xf32, #tpu.memory_space<vmem>> -> memref<128x128xf32, #tpu.memory_space<vmem>>
        tpu.wait_dma2 semaphore(%run_scoped3A : memref<!tpu.dma_semaphore, #tpu.memory_space<semaphore_mem>>) src(%dma_wait3A_101 : memref<128x128xf32, #tpu.memory_space<vmem>>) dst(%dma_wait3A_98 : memref<128x128xf32, #tpu.memory_space<vmem_shared>>)
        tpu.yield
      }) : () -> ()
      %add3A_78 = arith.constant 256 : i32
      %add3A_79 = arith.addi %mul3A_2, %add3A_78 : i32
      "tpu.region"() ({
        %run_scoped3A = tpu.sem_alloc : memref<!tpu.dma_semaphore, #tpu.memory_space<semaphore_mem>>
        %dma_start3A = arith.constant 0 : i32
        %dma_start3A_84 = arith.constant 0 : i32
        %dma_start3A_85 = tpu.memref_slice %arg8[%dma_start3A, %dma_start3A_84] : memref<128x128xf32, #tpu.memory_space<vmem>> -> memref<128x128xf32, #tpu.memory_space<vmem>>
        %dma_start3A_86 = arith.constant 0 : i32
        %dma_start3A_87 = tpu.memref_slice %arg16[%add3A_79, %dma_start3A_86] : memref<10000x128xf32, #tpu.memory_space<vmem_shared>> -> memref<128x128xf32, #tpu.memory_space<vmem_shared>>
        %dma_start3A_88 = arith.constant 0 : i32
        %dma_start3A_89 = tpu.memref_slice %arg16[%add3A_79, %dma_start3A_88] : memref<10000x128xf32, #tpu.memory_space<vmem_shared>> -> memref<128x128xf32, #tpu.memory_space<vmem_shared>>
        %dma_start3A_90 = arith.constant 0 : i32
        %dma_start3A_91 = arith.constant 0 : i32
        %dma_start3A_92 = tpu.memref_slice %arg8[%dma_start3A_90, %dma_start3A_91] : memref<128x128xf32, #tpu.memory_space<vmem>> -> memref<128x128xf32, #tpu.memory_space<vmem>>
        tpu.enqueue_dma source(%dma_start3A_92 : memref<128x128xf32, #tpu.memory_space<vmem>>) target(%dma_start3A_89 : memref<128x128xf32, #tpu.memory_space<vmem_shared>>) target_semaphore(%run_scoped3A : memref<!tpu.dma_semaphore, #tpu.memory_space<semaphore_mem>>)
        %dma_wait3A = arith.constant 0 : i32
        %dma_wait3A_93 = arith.constant 0 : i32
        %dma_wait3A_94 = tpu.memref_slice %arg8[%dma_wait3A, %dma_wait3A_93] : memref<128x128xf32, #tpu.memory_space<vmem>> -> memref<128x128xf32, #tpu.memory_space<vmem>>
        %dma_wait3A_95 = arith.constant 0 : i32
        %dma_wait3A_96 = tpu.memref_slice %arg16[%add3A_79, %dma_wait3A_95] : memref<10000x128xf32, #tpu.memory_space<vmem_shared>> -> memref<128x128xf32, #tpu.memory_space<vmem_shared>>
        %dma_wait3A_97 = arith.constant 0 : i32
        %dma_wait3A_98 = tpu.memref_slice %arg16[%add3A_79, %dma_wait3A_97] : memref<10000x128xf32, #tpu.memory_space<vmem_shared>> -> memref<128x128xf32, #tpu.memory_space<vmem_shared>>
        %dma_wait3A_99 = arith.constant 0 : i32
        %dma_wait3A_100 = arith.constant 0 : i32
        %dma_wait3A_101 = tpu.memref_slice %arg8[%dma_wait3A_99, %dma_wait3A_100] : memref<128x128xf32, #tpu.memory_space<vmem>> -> memref<128x128xf32, #tpu.memory_space<vmem>>
        tpu.wait_dma2 semaphore(%run_scoped3A : memref<!tpu.dma_semaphore, #tpu.memory_space<semaphore_mem>>) src(%dma_wait3A_101 : memref<128x128xf32, #tpu.memory_space<vmem>>) dst(%dma_wait3A_98 : memref<128x128xf32, #tpu.memory_space<vmem_shared>>)
        tpu.yield
      }) : () -> ()
      %add3A_80 = arith.constant 384 : i32
      %add3A_81 = arith.addi %mul3A_2, %add3A_80 : i32
      "tpu.region"() ({
        %run_scoped3A = tpu.sem_alloc : memref<!tpu.dma_semaphore, #tpu.memory_space<semaphore_mem>>
        %dma_start3A = arith.constant 0 : i32
        %dma_start3A_84 = arith.constant 0 : i32
        %dma_start3A_85 = tpu.memref_slice %arg8[%dma_start3A, %dma_start3A_84] : memref<128x128xf32, #tpu.memory_space<vmem>> -> memref<128x128xf32, #tpu.memory_space<vmem>>
        %dma_start3A_86 = arith.constant 0 : i32
        %dma_start3A_87 = tpu.memref_slice %arg16[%add3A_81, %dma_start3A_86] : memref<10000x128xf32, #tpu.memory_space<vmem_shared>> -> memref<128x128xf32, #tpu.memory_space<vmem_shared>>
        %dma_start3A_88 = arith.constant 0 : i32
        %dma_start3A_89 = tpu.memref_slice %arg16[%add3A_81, %dma_start3A_88] : memref<10000x128xf32, #tpu.memory_space<vmem_shared>> -> memref<128x128xf32, #tpu.memory_space<vmem_shared>>
        %dma_start3A_90 = arith.constant 0 : i32
        %dma_start3A_91 = arith.constant 0 : i32
        %dma_start3A_92 = tpu.memref_slice %arg8[%dma_start3A_90, %dma_start3A_91] : memref<128x128xf32, #tpu.memory_space<vmem>> -> memref<128x128xf32, #tpu.memory_space<vmem>>
        tpu.enqueue_dma source(%dma_start3A_92 : memref<128x128xf32, #tpu.memory_space<vmem>>) target(%dma_start3A_89 : memref<128x128xf32, #tpu.memory_space<vmem_shared>>) target_semaphore(%run_scoped3A : memref<!tpu.dma_semaphore, #tpu.memory_space<semaphore_mem>>)
        %dma_wait3A = arith.constant 0 : i32
        %dma_wait3A_93 = arith.constant 0 : i32
        %dma_wait3A_94 = tpu.memref_slice %arg8[%dma_wait3A, %dma_wait3A_93] : memref<128x128xf32, #tpu.memory_space<vmem>> -> memref<128x128xf32, #tpu.memory_space<vmem>>
        %dma_wait3A_95 = arith.constant 0 : i32
        %dma_wait3A_96 = tpu.memref_slice %arg16[%add3A_81, %dma_wait3A_95] : memref<10000x128xf32, #tpu.memory_space<vmem_shared>> -> memref<128x128xf32, #tpu.memory_space<vmem_shared>>
        %dma_wait3A_97 = arith.constant 0 : i32
        %dma_wait3A_98 = tpu.memref_slice %arg16[%add3A_81, %dma_wait3A_97] : memref<10000x128xf32, #tpu.memory_space<vmem_shared>> -> memref<128x128xf32, #tpu.memory_space<vmem_shared>>
        %dma_wait3A_99 = arith.constant 0 : i32
        %dma_wait3A_100 = arith.constant 0 : i32
        %dma_wait3A_101 = tpu.memref_slice %arg8[%dma_wait3A_99, %dma_wait3A_100] : memref<128x128xf32, #tpu.memory_space<vmem>> -> memref<128x128xf32, #tpu.memory_space<vmem>>
        tpu.wait_dma2 semaphore(%run_scoped3A : memref<!tpu.dma_semaphore, #tpu.memory_space<semaphore_mem>>) src(%dma_wait3A_101 : memref<128x128xf32, #tpu.memory_space<vmem>>) dst(%dma_wait3A_98 : memref<128x128xf32, #tpu.memory_space<vmem_shared>>)
        tpu.yield
      }) : () -> ()
      %add3A_82 = arith.constant 512 : i32
      %add3A_83 = arith.addi %mul3A_2, %add3A_82 : i32
      "tpu.region"() ({
        %run_scoped3A = tpu.sem_alloc : memref<!tpu.dma_semaphore, #tpu.memory_space<semaphore_mem>>
        %dma_start3A = arith.constant 0 : i32
        %dma_start3A_84 = arith.constant 0 : i32
        %dma_start3A_85 = tpu.memref_slice %arg8[%dma_start3A, %dma_start3A_84] : memref<128x128xf32, #tpu.memory_space<vmem>> -> memref<8x128xf32, #tpu.memory_space<vmem>>
        %dma_start3A_86 = arith.constant 0 : i32
        %dma_start3A_87 = tpu.memref_slice %arg16[%add3A_83, %dma_start3A_86] : memref<10000x128xf32, #tpu.memory_space<vmem_shared>> -> memref<8x128xf32, #tpu.memory_space<vmem_shared>>
        %dma_start3A_88 = arith.constant 0 : i32
        %dma_start3A_89 = tpu.memref_slice %arg16[%add3A_83, %dma_start3A_88] : memref<10000x128xf32, #tpu.memory_space<vmem_shared>> -> memref<8x128xf32, #tpu.memory_space<vmem_shared>>
        %dma_start3A_90 = arith.constant 0 : i32
        %dma_start3A_91 = arith.constant 0 : i32
        %dma_start3A_92 = tpu.memref_slice %arg8[%dma_start3A_90, %dma_start3A_91] : memref<128x128xf32, #tpu.memory_space<vmem>> -> memref<8x128xf32, #tpu.memory_space<vmem>>
        tpu.enqueue_dma source(%dma_start3A_92 : memref<8x128xf32, #tpu.memory_space<vmem>>) target(%dma_start3A_89 : memref<8x128xf32, #tpu.memory_space<vmem_shared>>) target_semaphore(%run_scoped3A : memref<!tpu.dma_semaphore, #tpu.memory_space<semaphore_mem>>)
        %dma_wait3A = arith.constant 0 : i32
        %dma_wait3A_93 = arith.constant 0 : i32
        %dma_wait3A_94 = tpu.memref_slice %arg8[%dma_wait3A, %dma_wait3A_93] : memref<128x128xf32, #tpu.memory_space<vmem>> -> memref<8x128xf32, #tpu.memory_space<vmem>>
        %dma_wait3A_95 = arith.constant 0 : i32
        %dma_wait3A_96 = tpu.memref_slice %arg16[%add3A_83, %dma_wait3A_95] : memref<10000x128xf32, #tpu.memory_space<vmem_shared>> -> memref<8x128xf32, #tpu.memory_space<vmem_shared>>
        %dma_wait3A_97 = arith.constant 0 : i32
        %dma_wait3A_98 = tpu.memref_slice %arg16[%add3A_83, %dma_wait3A_97] : memref<10000x128xf32, #tpu.memory_space<vmem_shared>> -> memref<8x128xf32, #tpu.memory_space<vmem_shared>>
        %dma_wait3A_99 = arith.constant 0 : i32
        %dma_wait3A_100 = arith.constant 0 : i32
        %dma_wait3A_101 = tpu.memref_slice %arg8[%dma_wait3A_99, %dma_wait3A_100] : memref<128x128xf32, #tpu.memory_space<vmem>> -> memref<8x128xf32, #tpu.memory_space<vmem>>
        tpu.wait_dma2 semaphore(%run_scoped3A : memref<!tpu.dma_semaphore, #tpu.memory_space<semaphore_mem>>) src(%dma_wait3A_101 : memref<8x128xf32, #tpu.memory_space<vmem>>) dst(%dma_wait3A_98 : memref<8x128xf32, #tpu.memory_space<vmem_shared>>)
        tpu.yield
      }) : () -> ()
      "tpu.region"() ({
        %run_scoped3A = tpu.sem_alloc : memref<!tpu.dma_semaphore, #tpu.memory_space<semaphore_mem>>
        %dma_start3A = arith.constant 0 : i32
        %dma_start3A_84 = tpu.memref_slice %arg15[%dma_start3A] : memref<640xf32, #tpu.memory_space<vmem>> -> memref<520xf32, #tpu.memory_space<vmem>>
        %dma_start3A_85 = tpu.memref_slice %arg17[%mul3A_2] : memref<10000xf32, #tpu.memory_space<vmem_shared>> -> memref<520xf32, #tpu.memory_space<vmem_shared>>
        %dma_start3A_86 = tpu.memref_slice %arg17[%mul3A_2] : memref<10000xf32, #tpu.memory_space<vmem_shared>> -> memref<520xf32, #tpu.memory_space<vmem_shared>>
        %dma_start3A_87 = arith.constant 0 : i32
        %dma_start3A_88 = tpu.memref_slice %arg15[%dma_start3A_87] : memref<640xf32, #tpu.memory_space<vmem>> -> memref<520xf32, #tpu.memory_space<vmem>>
        tpu.enqueue_dma source(%dma_start3A_88 : memref<520xf32, #tpu.memory_space<vmem>>) target(%dma_start3A_86 : memref<520xf32, #tpu.memory_space<vmem_shared>>) target_semaphore(%run_scoped3A : memref<!tpu.dma_semaphore, #tpu.memory_space<semaphore_mem>>)
        %dma_wait3A = arith.constant 0 : i32
        %dma_wait3A_89 = tpu.memref_slice %arg15[%dma_wait3A] : memref<640xf32, #tpu.memory_space<vmem>> -> memref<520xf32, #tpu.memory_space<vmem>>
        %dma_wait3A_90 = tpu.memref_slice %arg17[%mul3A_2] : memref<10000xf32, #tpu.memory_space<vmem_shared>> -> memref<520xf32, #tpu.memory_space<vmem_shared>>
        %dma_wait3A_91 = tpu.memref_slice %arg17[%mul3A_2] : memref<10000xf32, #tpu.memory_space<vmem_shared>> -> memref<520xf32, #tpu.memory_space<vmem_shared>>
        %dma_wait3A_92 = arith.constant 0 : i32
        %dma_wait3A_93 = tpu.memref_slice %arg15[%dma_wait3A_92] : memref<640xf32, #tpu.memory_space<vmem>> -> memref<520xf32, #tpu.memory_space<vmem>>
        tpu.wait_dma2 semaphore(%run_scoped3A : memref<!tpu.dma_semaphore, #tpu.memory_space<semaphore_mem>>) src(%dma_wait3A_93 : memref<520xf32, #tpu.memory_space<vmem>>) dst(%dma_wait3A_91 : memref<520xf32, #tpu.memory_space<vmem_shared>>)
        tpu.yield
      }) : () -> ()
    } else {
    }
    %barrier3A = arith.constant 0 : index
    tpu.barrier barrier_id(%barrier3A)
    %add3A_30 = arith.constant 0 : i32
    %add3A_31 = arith.addi %add3A, %add3A_30 : i32
    %lt3A_32 = arith.constant 2500 : i32
    %lt3A_33 = arith.cmpi slt, %add3A_31, %lt3A_32 : i32
    %convert_element_type3A_34 = arith.extui %lt3A_33 : i1 to i32
    %cond3A_35 = arith.constant 0 : i32
    %cond3A_36 = arith.cmpi ne, %convert_element_type3A_34, %cond3A_35 : i32
    scf.if %cond3A_36 {
      %add3A_74 = arith.constant 0 : i32
      %add3A_75 = arith.addi %add3A, %add3A_74 : i32
      %mul3A_76 = arith.constant 128 : i32
      %mul3A_77 = arith.muli %add3A_75, %mul3A_76 : i32
      %dma_start3A = arith.constant 0 : i32
      %dma_start3A_78 = tpu.memref_slice %arg3[%dma_start3A, %mul3A_77] : memref<2x320000xi32, #tpu.memory_space<hbm>> -> memref<2x128xi32, #tpu.memory_space<hbm>>
      %dma_start3A_79 = arith.constant 0 : i32
      %dma_start3A_80 = tpu.memref_slice %arg3[%dma_start3A_79, %mul3A_77] : memref<2x320000xi32, #tpu.memory_space<hbm>> -> memref<2x128xi32, #tpu.memory_space<hbm>>
      tpu.enqueue_dma source(%dma_start3A_80 : memref<2x128xi32, #tpu.memory_space<hbm>>) target(%arg6 : memref<2x128xi32, #tpu.memory_space<vmem>>) target_semaphore(%arg12 : memref<!tpu.dma_semaphore, #tpu.memory_space<semaphore_mem>>)
    } else {
    }
    %add3A_37 = arith.constant 32 : i32
    %add3A_38 = arith.addi %add3A, %add3A_37 : i32
    %lt3A_39 = arith.constant 2500 : i32
    %lt3A_40 = arith.cmpi slt, %add3A_38, %lt3A_39 : i32
    %convert_element_type3A_41 = arith.extui %lt3A_40 : i1 to i32
    %cond3A_42 = arith.constant 0 : i32
    %cond3A_43 = arith.cmpi ne, %convert_element_type3A_41, %cond3A_42 : i32
    scf.if %cond3A_43 {
      %add3A_74 = arith.constant 32 : i32
      %add3A_75 = arith.addi %add3A, %add3A_74 : i32
      %mul3A_76 = arith.constant 128 : i32
      %mul3A_77 = arith.muli %add3A_75, %mul3A_76 : i32
      %dma_start3A = arith.constant 0 : i32
      %dma_start3A_78 = tpu.memref_slice %arg3[%dma_start3A, %mul3A_77] : memref<2x320000xi32, #tpu.memory_space<hbm>> -> memref<2x128xi32, #tpu.memory_space<hbm>>
      %dma_start3A_79 = arith.constant 0 : i32
      %dma_start3A_80 = tpu.memref_slice %arg3[%dma_start3A_79, %mul3A_77] : memref<2x320000xi32, #tpu.memory_space<hbm>> -> memref<2x128xi32, #tpu.memory_space<hbm>>
      tpu.enqueue_dma source(%dma_start3A_80 : memref<2x128xi32, #tpu.memory_space<hbm>>) target(%arg7 : memref<2x128xi32, #tpu.memory_space<vmem>>) target_semaphore(%arg13 : memref<!tpu.dma_semaphore, #tpu.memory_space<semaphore_mem>>)
    } else {
    }
    %lt3A_44 = arith.constant 2500 : i32
    %lt3A_45 = arith.cmpi slt, %add3A, %lt3A_44 : i32
    %convert_element_type3A_46 = arith.extui %lt3A_45 : i1 to i32
    %cond3A_47 = arith.constant 0 : i32
    %cond3A_48 = arith.cmpi ne, %convert_element_type3A_46, %cond3A_47 : i32
    scf.if %cond3A_48 {
      %add3A_74 = arith.constant 0 : i32
      %add3A_75 = arith.addi %add3A, %add3A_74 : i32
      %mul3A_76 = arith.constant 128 : i32
      %mul3A_77 = arith.muli %add3A_75, %mul3A_76 : i32
      %dma_wait3A = arith.constant 0 : i32
      %dma_wait3A_78 = tpu.memref_slice %arg3[%dma_wait3A, %mul3A_77] : memref<2x320000xi32, #tpu.memory_space<hbm>> -> memref<2x128xi32, #tpu.memory_space<hbm>>
      %dma_wait3A_79 = arith.constant 0 : i32
      %dma_wait3A_80 = tpu.memref_slice %arg3[%dma_wait3A_79, %mul3A_77] : memref<2x320000xi32, #tpu.memory_space<hbm>> -> memref<2x128xi32, #tpu.memory_space<hbm>>
      tpu.wait_dma2 semaphore(%arg12 : memref<!tpu.dma_semaphore, #tpu.memory_space<semaphore_mem>>) src(%dma_wait3A_80 : memref<2x128xi32, #tpu.memory_space<hbm>>) dst(%arg6 : memref<2x128xi32, #tpu.memory_space<vmem>>)
      %dma_start3A = arith.constant 0 : i32
      %dma_start3A_81 = arith.constant 0 : i32
      %dma_start3A_82 = tpu.memref_slice %arg6[%dma_start3A, %dma_start3A_81] : memref<2x128xi32, #tpu.memory_space<vmem>> -> memref<1x128xi32, #tpu.memory_space<vmem>>
      %dma_start3A_83 = tpu.memref_squeeze %dma_start3A_82 : memref<1x128xi32, #tpu.memory_space<vmem>> -> memref<128xi32, #tpu.memory_space<vmem>>
      %dma_start3A_84 = arith.constant 0 : i32
      %dma_start3A_85 = arith.constant 0 : i32
      %dma_start3A_86 = tpu.memref_slice %arg2[%dma_start3A_84, %dma_start3A_85] : memref<10000x128xf32, #tpu.memory_space<hbm>> -> memref<10000x128xf32, #tpu.memory_space<hbm>>
      tpu.enqueue_indirect_dma source(%dma_start3A_86 : memref<10000x128xf32, #tpu.memory_space<hbm>>) target(%arg8 : memref<128x128xf32, #tpu.memory_space<vmem>>) offsets(%dma_start3A_83 : memref<128xi32, #tpu.memory_space<vmem>>) semaphore(%arg10 : memref<!tpu.dma_semaphore, #tpu.memory_space<semaphore_mem>>)
    } else {
    }
    %scan3A_49 = arith.constant 0 : i32
    %scan3A_50 = arith.constant 0 : i32
    %scan3A_51 = arith.constant 39 : i32
    %scan3A_52 = arith.addi %scan3A_50, %scan3A_51 : i32
    %scan3A_53 = arith.constant 1 : i32
    %scan3A_54 = scf.for %scan3A_74 = %scan3A_50 to %scan3A_52 step %scan3A_53 iter_args(%scan3A_75 = %scan3A_49) -> (i32)  : i32 {
      %mul3A_76 = arith.constant 2 : i32
      %mul3A_77 = arith.muli %scan3A_74, %mul3A_76 : i32
      %add3A_78 = arith.constant 0 : i32
      %add3A_79 = arith.addi %mul3A_77, %add3A_78 : i32
      %mul3A_80 = arith.constant 32 : i32
      %mul3A_81 = arith.muli %mul3A_80, %add3A_79 : i32
      %add3A_82 = arith.addi %add3A, %mul3A_81 : i32
      %add3A_83 = arith.constant 1 : i32
      %add3A_84 = arith.addi %add3A_79, %add3A_83 : i32
      %lt3A_85 = arith.constant 79 : i32
      %lt3A_86 = arith.cmpi slt, %add3A_84, %lt3A_85 : i32
      %add3A_87 = arith.constant 32 : i32
      %add3A_88 = arith.addi %add3A_82, %add3A_87 : i32
      %lt3A_89 = arith.constant 2500 : i32
      %lt3A_90 = arith.cmpi slt, %add3A_88, %lt3A_89 : i32
      %and3A = arith.andi %lt3A_86, %lt3A_90 : i1
      %add3A_91 = arith.constant 1 : i32
      %add3A_92 = arith.addi %add3A_79, %add3A_91 : i32
      %convert_element_type3A_93 = arith.extui %and3A : i1 to i32
      %cond3A_94 = arith.constant 0 : i32
      %cond3A_95 = arith.cmpi ne, %convert_element_type3A_93, %cond3A_94 : i32
      scf.if %cond3A_95 {
        %mul3A_156 = arith.constant 32 : i32
        %mul3A_157 = arith.muli %mul3A_156, %add3A_92 : i32
        %add3A_158 = arith.addi %add3A, %mul3A_157 : i32
        %mul3A_159 = arith.constant 128 : i32
        %mul3A_160 = arith.muli %add3A_158, %mul3A_159 : i32
        %dma_wait3A = arith.constant 0 : i32
        %dma_wait3A_161 = tpu.memref_slice %arg3[%dma_wait3A, %mul3A_160] : memref<2x320000xi32, #tpu.memory_space<hbm>> -> memref<2x128xi32, #tpu.memory_space<hbm>>
        %dma_wait3A_162 = arith.constant 0 : i32
        %dma_wait3A_163 = tpu.memref_slice %arg3[%dma_wait3A_162, %mul3A_160] : memref<2x320000xi32, #tpu.memory_space<hbm>> -> memref<2x128xi32, #tpu.memory_space<hbm>>
        tpu.wait_dma2 semaphore(%arg13 : memref<!tpu.dma_semaphore, #tpu.memory_space<semaphore_mem>>) src(%dma_wait3A_163 : memref<2x128xi32, #tpu.memory_space<hbm>>) dst(%arg7 : memref<2x128xi32, #tpu.memory_space<vmem>>)
        %dma_start3A = arith.constant 0 : i32
        %dma_start3A_164 = arith.constant 0 : i32
        %dma_start3A_165 = tpu.memref_slice %arg7[%dma_start3A, %dma_start3A_164] : memref<2x128xi32, #tpu.memory_space<vmem>> -> memref<1x128xi32, #tpu.memory_space<vmem>>
        %dma_start3A_166 = tpu.memref_squeeze %dma_start3A_165 : memref<1x128xi32, #tpu.memory_space<vmem>> -> memref<128xi32, #tpu.memory_space<vmem>>
        %dma_start3A_167 = arith.constant 0 : i32
        %dma_start3A_168 = arith.constant 0 : i32
        %dma_start3A_169 = tpu.memref_slice %arg2[%dma_start3A_167, %dma_start3A_168] : memref<10000x128xf32, #tpu.memory_space<hbm>> -> memref<10000x128xf32, #tpu.memory_space<hbm>>
        tpu.enqueue_indirect_dma source(%dma_start3A_169 : memref<10000x128xf32, #tpu.memory_space<hbm>>) target(%arg9 : memref<128x128xf32, #tpu.memory_space<vmem>>) offsets(%dma_start3A_166 : memref<128xi32, #tpu.memory_space<vmem>>) semaphore(%arg11 : memref<!tpu.dma_semaphore, #tpu.memory_space<semaphore_mem>>)
      } else {
      }
      %lt3A_96 = arith.constant 2500 : i32
      %lt3A_97 = arith.cmpi slt, %add3A_82, %lt3A_96 : i32
      %convert_element_type3A_98 = arith.extui %lt3A_97 : i1 to i32
      %cond3A_99 = arith.constant 0 : i32
      %cond3A_100 = arith.cmpi ne, %convert_element_type3A_98, %cond3A_99 : i32
      scf.if %cond3A_100 {
        %dma_wait3A = arith.constant 0 : i32
        %dma_wait3A_156 = arith.constant 0 : i32
        %dma_wait3A_157 = tpu.memref_slice %arg6[%dma_wait3A, %dma_wait3A_156] : memref<2x128xi32, #tpu.memory_space<vmem>> -> memref<1x128xi32, #tpu.memory_space<vmem>>
        %dma_wait3A_158 = tpu.memref_squeeze %dma_wait3A_157 : memref<1x128xi32, #tpu.memory_space<vmem>> -> memref<128xi32, #tpu.memory_space<vmem>>
        %dma_wait3A_159 = arith.constant 0 : i32
        %dma_wait3A_160 = arith.constant 0 : i32
        %dma_wait3A_161 = tpu.memref_slice %arg2[%dma_wait3A_159, %dma_wait3A_160] : memref<10000x128xf32, #tpu.memory_space<hbm>> -> memref<10000x128xf32, #tpu.memory_space<hbm>>
        tpu.wait_indirect_dma semaphore(%arg10 : memref<!tpu.dma_semaphore, #tpu.memory_space<semaphore_mem>>) src(%dma_wait3A_161 : memref<10000x128xf32, #tpu.memory_space<hbm>>) dst(%arg8 : memref<128x128xf32, #tpu.memory_space<vmem>>)
        %run_scoped3A = arith.constant 1 : i32
        "tpu.region"() ({
          %run_scoped3A_163 = tpu.sem_alloc : memref<!tpu.dma_semaphore, #tpu.memory_space<semaphore_mem>>
          %dma_start3A = arith.constant 0 : i32
          %dma_start3A_164 = tpu.memref_slice %arg6[%run_scoped3A, %dma_start3A] : memref<2x128xi32, #tpu.memory_space<vmem>> -> memref<1x128xi32, #tpu.memory_space<vmem>>
          %dma_start3A_165 = tpu.memref_squeeze %dma_start3A_164 : memref<1x128xi32, #tpu.memory_space<vmem>> -> memref<128xi32, #tpu.memory_space<vmem>>
          %dma_start3A_166 = arith.constant 0 : i32
          %dma_start3A_167 = arith.constant 0 : i32
          %dma_start3A_168 = tpu.memref_slice %arg16[%dma_start3A_166, %dma_start3A_167] : memref<10000x128xf32, #tpu.memory_space<vmem_shared>> -> memref<10000x128xf32, #tpu.memory_space<vmem_shared>>
          tpu.enqueue_indirect_dma source(%arg8 : memref<128x128xf32, #tpu.memory_space<vmem>>) target(%dma_start3A_168 : memref<10000x128xf32, #tpu.memory_space<vmem_shared>>) offsets(%dma_start3A_165 : memref<128xi32, #tpu.memory_space<vmem>>) semaphore(%run_scoped3A_163 : memref<!tpu.dma_semaphore, #tpu.memory_space<semaphore_mem>>) {add = true}
          %dma_wait3A_169 = arith.constant 0 : i32
          %dma_wait3A_170 = tpu.memref_slice %arg6[%run_scoped3A, %dma_wait3A_169] : memref<2x128xi32, #tpu.memory_space<vmem>> -> memref<1x128xi32, #tpu.memory_space<vmem>>
          %dma_wait3A_171 = tpu.memref_squeeze %dma_wait3A_170 : memref<1x128xi32, #tpu.memory_space<vmem>> -> memref<128xi32, #tpu.memory_space<vmem>>
          %dma_wait3A_172 = arith.constant 0 : i32
          %dma_wait3A_173 = arith.constant 0 : i32
          %dma_wait3A_174 = tpu.memref_slice %arg16[%dma_wait3A_172, %dma_wait3A_173] : memref<10000x128xf32, #tpu.memory_space<vmem_shared>> -> memref<10000x128xf32, #tpu.memory_space<vmem_shared>>
          tpu.wait_indirect_dma semaphore(%run_scoped3A_163 : memref<!tpu.dma_semaphore, #tpu.memory_space<semaphore_mem>>) src(%arg8 : memref<128x128xf32, #tpu.memory_space<vmem>>) dst(%dma_wait3A_174 : memref<10000x128xf32, #tpu.memory_space<vmem_shared>>)
          tpu.yield
        }) : () -> ()
        %run_scoped3A_162 = arith.constant 1 : i32
        "tpu.region"() ({
          %run_scoped3A_163 = tpu.sem_alloc : memref<!tpu.dma_semaphore, #tpu.memory_space<semaphore_mem>>
          %dma_start3A = arith.constant 0 : i32
          %dma_start3A_164 = tpu.memref_slice %arg6[%run_scoped3A_162, %dma_start3A] : memref<2x128xi32, #tpu.memory_space<vmem>> -> memref<1x128xi32, #tpu.memory_space<vmem>>
          %dma_start3A_165 = tpu.memref_squeeze %dma_start3A_164 : memref<1x128xi32, #tpu.memory_space<vmem>> -> memref<128xi32, #tpu.memory_space<vmem>>
          %dma_start3A_166 = arith.constant 0 : i32
          %dma_start3A_167 = tpu.memref_slice %arg17[%dma_start3A_166] : memref<10000xf32, #tpu.memory_space<vmem_shared>> -> memref<10000xf32, #tpu.memory_space<vmem_shared>>
          tpu.enqueue_indirect_dma source(%arg14 : memref<128xf32, #tpu.memory_space<vmem>>) target(%dma_start3A_167 : memref<10000xf32, #tpu.memory_space<vmem_shared>>) offsets(%dma_start3A_165 : memref<128xi32, #tpu.memory_space<vmem>>) semaphore(%run_scoped3A_163 : memref<!tpu.dma_semaphore, #tpu.memory_space<semaphore_mem>>) {add = true}
          %dma_wait3A_168 = arith.constant 0 : i32
          %dma_wait3A_169 = tpu.memref_slice %arg6[%run_scoped3A_162, %dma_wait3A_168] : memref<2x128xi32, #tpu.memory_space<vmem>> -> memref<1x128xi32, #tpu.memory_space<vmem>>
          %dma_wait3A_170 = tpu.memref_squeeze %dma_wait3A_169 : memref<1x128xi32, #tpu.memory_space<vmem>> -> memref<128xi32, #tpu.memory_space<vmem>>
          %dma_wait3A_171 = arith.constant 0 : i32
          %dma_wait3A_172 = tpu.memref_slice %arg17[%dma_wait3A_171] : memref<10000xf32, #tpu.memory_space<vmem_shared>> -> memref<10000xf32, #tpu.memory_space<vmem_shared>>
          tpu.wait_indirect_dma semaphore(%run_scoped3A_163 : memref<!tpu.dma_semaphore, #tpu.memory_space<semaphore_mem>>) src(%arg14 : memref<128xf32, #tpu.memory_space<vmem>>) dst(%dma_wait3A_172 : memref<10000xf32, #tpu.memory_space<vmem_shared>>)
          tpu.yield
        }) : () -> ()
      } else {
      }
      %add3A_101 = arith.constant 2 : i32
      %add3A_102 = arith.addi %add3A_79, %add3A_101 : i32
      %lt3A_103 = arith.constant 79 : i32
      %lt3A_104 = arith.cmpi slt, %add3A_102, %lt3A_103 : i32
      %add3A_105 = arith.constant 64 : i32
      %add3A_106 = arith.addi %add3A_82, %add3A_105 : i32
      %lt3A_107 = arith.constant 2500 : i32
      %lt3A_108 = arith.cmpi slt, %add3A_106, %lt3A_107 : i32
      %and3A_109 = arith.andi %lt3A_104, %lt3A_108 : i1
      %add3A_110 = arith.constant 2 : i32
      %add3A_111 = arith.addi %add3A_79, %add3A_110 : i32
      %convert_element_type3A_112 = arith.extui %and3A_109 : i1 to i32
      %cond3A_113 = arith.constant 0 : i32
      %cond3A_114 = arith.cmpi ne, %convert_element_type3A_112, %cond3A_113 : i32
      scf.if %cond3A_114 {
        %mul3A_156 = arith.constant 32 : i32
        %mul3A_157 = arith.muli %mul3A_156, %add3A_111 : i32
        %add3A_158 = arith.addi %add3A, %mul3A_157 : i32
        %mul3A_159 = arith.constant 128 : i32
        %mul3A_160 = arith.muli %add3A_158, %mul3A_159 : i32
        %dma_start3A = arith.constant 0 : i32
        %dma_start3A_161 = tpu.memref_slice %arg3[%dma_start3A, %mul3A_160] : memref<2x320000xi32, #tpu.memory_space<hbm>> -> memref<2x128xi32, #tpu.memory_space<hbm>>
        %dma_start3A_162 = arith.constant 0 : i32
        %dma_start3A_163 = tpu.memref_slice %arg3[%dma_start3A_162, %mul3A_160] : memref<2x320000xi32, #tpu.memory_space<hbm>> -> memref<2x128xi32, #tpu.memory_space<hbm>>
        tpu.enqueue_dma source(%dma_start3A_163 : memref<2x128xi32, #tpu.memory_space<hbm>>) target(%arg6 : memref<2x128xi32, #tpu.memory_space<vmem>>) target_semaphore(%arg12 : memref<!tpu.dma_semaphore, #tpu.memory_space<semaphore_mem>>)
      } else {
      }
      %mul3A_115 = arith.constant 2 : i32
      %mul3A_116 = arith.muli %scan3A_74, %mul3A_115 : i32
      %add3A_117 = arith.constant 1 : i32
      %add3A_118 = arith.addi %mul3A_116, %add3A_117 : i32
      %mul3A_119 = arith.constant 32 : i32
      %mul3A_120 = arith.muli %mul3A_119, %add3A_118 : i32
      %add3A_121 = arith.addi %add3A, %mul3A_120 : i32
      %add3A_122 = arith.constant 1 : i32
      %add3A_123 = arith.addi %add3A_118, %add3A_122 : i32
      %lt3A_124 = arith.constant 79 : i32
      %lt3A_125 = arith.cmpi slt, %add3A_123, %lt3A_124 : i32
      %add3A_126 = arith.constant 32 : i32
      %add3A_127 = arith.addi %add3A_121, %add3A_126 : i32
      %lt3A_128 = arith.constant 2500 : i32
      %lt3A_129 = arith.cmpi slt, %add3A_127, %lt3A_128 : i32
      %and3A_130 = arith.andi %lt3A_125, %lt3A_129 : i1
      %add3A_131 = arith.constant 1 : i32
      %add3A_132 = arith.addi %add3A_118, %add3A_131 : i32
      %convert_element_type3A_133 = arith.extui %and3A_130 : i1 to i32
      %cond3A_134 = arith.constant 0 : i32
      %cond3A_135 = arith.cmpi ne, %convert_element_type3A_133, %cond3A_134 : i32
      scf.if %cond3A_135 {
        %mul3A_156 = arith.constant 32 : i32
        %mul3A_157 = arith.muli %mul3A_156, %add3A_132 : i32
        %add3A_158 = arith.addi %add3A, %mul3A_157 : i32
        %mul3A_159 = arith.constant 128 : i32
        %mul3A_160 = arith.muli %add3A_158, %mul3A_159 : i32
        %dma_wait3A = arith.constant 0 : i32
        %dma_wait3A_161 = tpu.memref_slice %arg3[%dma_wait3A, %mul3A_160] : memref<2x320000xi32, #tpu.memory_space<hbm>> -> memref<2x128xi32, #tpu.memory_space<hbm>>
        %dma_wait3A_162 = arith.constant 0 : i32
        %dma_wait3A_163 = tpu.memref_slice %arg3[%dma_wait3A_162, %mul3A_160] : memref<2x320000xi32, #tpu.memory_space<hbm>> -> memref<2x128xi32, #tpu.memory_space<hbm>>
        tpu.wait_dma2 semaphore(%arg12 : memref<!tpu.dma_semaphore, #tpu.memory_space<semaphore_mem>>) src(%dma_wait3A_163 : memref<2x128xi32, #tpu.memory_space<hbm>>) dst(%arg6 : memref<2x128xi32, #tpu.memory_space<vmem>>)
        %dma_start3A = arith.constant 0 : i32
        %dma_start3A_164 = arith.constant 0 : i32
        %dma_start3A_165 = tpu.memref_slice %arg6[%dma_start3A, %dma_start3A_164] : memref<2x128xi32, #tpu.memory_space<vmem>> -> memref<1x128xi32, #tpu.memory_space<vmem>>
        %dma_start3A_166 = tpu.memref_squeeze %dma_start3A_165 : memref<1x128xi32, #tpu.memory_space<vmem>> -> memref<128xi32, #tpu.memory_space<vmem>>
        %dma_start3A_167 = arith.constant 0 : i32
        %dma_start3A_168 = arith.constant 0 : i32
        %dma_start3A_169 = tpu.memref_slice %arg2[%dma_start3A_167, %dma_start3A_168] : memref<10000x128xf32, #tpu.memory_space<hbm>> -> memref<10000x128xf32, #tpu.memory_space<hbm>>
        tpu.enqueue_indirect_dma source(%dma_start3A_169 : memref<10000x128xf32, #tpu.memory_space<hbm>>) target(%arg8 : memref<128x128xf32, #tpu.memory_space<vmem>>) offsets(%dma_start3A_166 : memref<128xi32, #tpu.memory_space<vmem>>) semaphore(%arg10 : memref<!tpu.dma_semaphore, #tpu.memory_space<semaphore_mem>>)
      } else {
      }
      %lt3A_136 = arith.constant 2500 : i32
      %lt3A_137 = arith.cmpi slt, %add3A_121, %lt3A_136 : i32
      %convert_element_type3A_138 = arith.extui %lt3A_137 : i1 to i32
      %cond3A_139 = arith.constant 0 : i32
      %cond3A_140 = arith.cmpi ne, %convert_element_type3A_138, %cond3A_139 : i32
      scf.if %cond3A_140 {
        %dma_wait3A = arith.constant 0 : i32
        %dma_wait3A_156 = arith.constant 0 : i32
        %dma_wait3A_157 = tpu.memref_slice %arg7[%dma_wait3A, %dma_wait3A_156] : memref<2x128xi32, #tpu.memory_space<vmem>> -> memref<1x128xi32, #tpu.memory_space<vmem>>
        %dma_wait3A_158 = tpu.memref_squeeze %dma_wait3A_157 : memref<1x128xi32, #tpu.memory_space<vmem>> -> memref<128xi32, #tpu.memory_space<vmem>>
        %dma_wait3A_159 = arith.constant 0 : i32
        %dma_wait3A_160 = arith.constant 0 : i32
        %dma_wait3A_161 = tpu.memref_slice %arg2[%dma_wait3A_159, %dma_wait3A_160] : memref<10000x128xf32, #tpu.memory_space<hbm>> -> memref<10000x128xf32, #tpu.memory_space<hbm>>
        tpu.wait_indirect_dma semaphore(%arg11 : memref<!tpu.dma_semaphore, #tpu.memory_space<semaphore_mem>>) src(%dma_wait3A_161 : memref<10000x128xf32, #tpu.memory_space<hbm>>) dst(%arg9 : memref<128x128xf32, #tpu.memory_space<vmem>>)
        %run_scoped3A = arith.constant 1 : i32
        "tpu.region"() ({
          %run_scoped3A_163 = tpu.sem_alloc : memref<!tpu.dma_semaphore, #tpu.memory_space<semaphore_mem>>
          %dma_start3A = arith.constant 0 : i32
          %dma_start3A_164 = tpu.memref_slice %arg7[%run_scoped3A, %dma_start3A] : memref<2x128xi32, #tpu.memory_space<vmem>> -> memref<1x128xi32, #tpu.memory_space<vmem>>
          %dma_start3A_165 = tpu.memref_squeeze %dma_start3A_164 : memref<1x128xi32, #tpu.memory_space<vmem>> -> memref<128xi32, #tpu.memory_space<vmem>>
          %dma_start3A_166 = arith.constant 0 : i32
          %dma_start3A_167 = arith.constant 0 : i32
          %dma_start3A_168 = tpu.memref_slice %arg16[%dma_start3A_166, %dma_start3A_167] : memref<10000x128xf32, #tpu.memory_space<vmem_shared>> -> memref<10000x128xf32, #tpu.memory_space<vmem_shared>>
          tpu.enqueue_indirect_dma source(%arg9 : memref<128x128xf32, #tpu.memory_space<vmem>>) target(%dma_start3A_168 : memref<10000x128xf32, #tpu.memory_space<vmem_shared>>) offsets(%dma_start3A_165 : memref<128xi32, #tpu.memory_space<vmem>>) semaphore(%run_scoped3A_163 : memref<!tpu.dma_semaphore, #tpu.memory_space<semaphore_mem>>) {add = true}
          %dma_wait3A_169 = arith.constant 0 : i32
          %dma_wait3A_170 = tpu.memref_slice %arg7[%run_scoped3A, %dma_wait3A_169] : memref<2x128xi32, #tpu.memory_space<vmem>> -> memref<1x128xi32, #tpu.memory_space<vmem>>
          %dma_wait3A_171 = tpu.memref_squeeze %dma_wait3A_170 : memref<1x128xi32, #tpu.memory_space<vmem>> -> memref<128xi32, #tpu.memory_space<vmem>>
          %dma_wait3A_172 = arith.constant 0 : i32
          %dma_wait3A_173 = arith.constant 0 : i32
          %dma_wait3A_174 = tpu.memref_slice %arg16[%dma_wait3A_172, %dma_wait3A_173] : memref<10000x128xf32, #tpu.memory_space<vmem_shared>> -> memref<10000x128xf32, #tpu.memory_space<vmem_shared>>
          tpu.wait_indirect_dma semaphore(%run_scoped3A_163 : memref<!tpu.dma_semaphore, #tpu.memory_space<semaphore_mem>>) src(%arg9 : memref<128x128xf32, #tpu.memory_space<vmem>>) dst(%dma_wait3A_174 : memref<10000x128xf32, #tpu.memory_space<vmem_shared>>)
          tpu.yield
        }) : () -> ()
        %run_scoped3A_162 = arith.constant 1 : i32
        "tpu.region"() ({
          %run_scoped3A_163 = tpu.sem_alloc : memref<!tpu.dma_semaphore, #tpu.memory_space<semaphore_mem>>
          %dma_start3A = arith.constant 0 : i32
          %dma_start3A_164 = tpu.memref_slice %arg7[%run_scoped3A_162, %dma_start3A] : memref<2x128xi32, #tpu.memory_space<vmem>> -> memref<1x128xi32, #tpu.memory_space<vmem>>
          %dma_start3A_165 = tpu.memref_squeeze %dma_start3A_164 : memref<1x128xi32, #tpu.memory_space<vmem>> -> memref<128xi32, #tpu.memory_space<vmem>>
          %dma_start3A_166 = arith.constant 0 : i32
          %dma_start3A_167 = tpu.memref_slice %arg17[%dma_start3A_166] : memref<10000xf32, #tpu.memory_space<vmem_shared>> -> memref<10000xf32, #tpu.memory_space<vmem_shared>>
          tpu.enqueue_indirect_dma source(%arg14 : memref<128xf32, #tpu.memory_space<vmem>>) target(%dma_start3A_167 : memref<10000xf32, #tpu.memory_space<vmem_shared>>) offsets(%dma_start3A_165 : memref<128xi32, #tpu.memory_space<vmem>>) semaphore(%run_scoped3A_163 : memref<!tpu.dma_semaphore, #tpu.memory_space<semaphore_mem>>) {add = true}
          %dma_wait3A_168 = arith.constant 0 : i32
          %dma_wait3A_169 = tpu.memref_slice %arg7[%run_scoped3A_162, %dma_wait3A_168] : memref<2x128xi32, #tpu.memory_space<vmem>> -> memref<1x128xi32, #tpu.memory_space<vmem>>
          %dma_wait3A_170 = tpu.memref_squeeze %dma_wait3A_169 : memref<1x128xi32, #tpu.memory_space<vmem>> -> memref<128xi32, #tpu.memory_space<vmem>>
          %dma_wait3A_171 = arith.constant 0 : i32
          %dma_wait3A_172 = tpu.memref_slice %arg17[%dma_wait3A_171] : memref<10000xf32, #tpu.memory_space<vmem_shared>> -> memref<10000xf32, #tpu.memory_space<vmem_shared>>
          tpu.wait_indirect_dma semaphore(%run_scoped3A_163 : memref<!tpu.dma_semaphore, #tpu.memory_space<semaphore_mem>>) src(%arg14 : memref<128xf32, #tpu.memory_space<vmem>>) dst(%dma_wait3A_172 : memref<10000xf32, #tpu.memory_space<vmem_shared>>)
          tpu.yield
        }) : () -> ()
      } else {
      }
      %add3A_141 = arith.constant 2 : i32
      %add3A_142 = arith.addi %add3A_118, %add3A_141 : i32
      %lt3A_143 = arith.constant 79 : i32
      %lt3A_144 = arith.cmpi slt, %add3A_142, %lt3A_143 : i32
      %add3A_145 = arith.constant 64 : i32
      %add3A_146 = arith.addi %add3A_121, %add3A_145 : i32
      %lt3A_147 = arith.constant 2500 : i32
      %lt3A_148 = arith.cmpi slt, %add3A_146, %lt3A_147 : i32
      %and3A_149 = arith.andi %lt3A_144, %lt3A_148 : i1
      %add3A_150 = arith.constant 2 : i32
      %add3A_151 = arith.addi %add3A_118, %add3A_150 : i32
      %convert_element_type3A_152 = arith.extui %and3A_149 : i1 to i32
      %cond3A_153 = arith.constant 0 : i32
      %cond3A_154 = arith.cmpi ne, %convert_element_type3A_152, %cond3A_153 : i32
      scf.if %cond3A_154 {
        %mul3A_156 = arith.constant 32 : i32
        %mul3A_157 = arith.muli %mul3A_156, %add3A_151 : i32
        %add3A_158 = arith.addi %add3A, %mul3A_157 : i32
        %mul3A_159 = arith.constant 128 : i32
        %mul3A_160 = arith.muli %add3A_158, %mul3A_159 : i32
        %dma_start3A = arith.constant 0 : i32
        %dma_start3A_161 = tpu.memref_slice %arg3[%dma_start3A, %mul3A_160] : memref<2x320000xi32, #tpu.memory_space<hbm>> -> memref<2x128xi32, #tpu.memory_space<hbm>>
        %dma_start3A_162 = arith.constant 0 : i32
        %dma_start3A_163 = tpu.memref_slice %arg3[%dma_start3A_162, %mul3A_160] : memref<2x320000xi32, #tpu.memory_space<hbm>> -> memref<2x128xi32, #tpu.memory_space<hbm>>
        tpu.enqueue_dma source(%dma_start3A_163 : memref<2x128xi32, #tpu.memory_space<hbm>>) target(%arg7 : memref<2x128xi32, #tpu.memory_space<vmem>>) target_semaphore(%arg13 : memref<!tpu.dma_semaphore, #tpu.memory_space<semaphore_mem>>)
      } else {
      }
      %scan3A_155 = arith.constant 0 : i32
      scf.yield %scan3A_155 : i32
    }
    %scan3A_55 = arith.constant 39 : i32
    %add3A_56 = arith.constant 2496 : i32
    %add3A_57 = arith.addi %add3A, %add3A_56 : i32
    %lt3A_58 = arith.constant 2500 : i32
    %lt3A_59 = arith.cmpi slt, %add3A_57, %lt3A_58 : i32
    %convert_element_type3A_60 = arith.extui %lt3A_59 : i1 to i32
    %cond3A_61 = arith.constant 0 : i32
    %cond3A_62 = arith.cmpi ne, %convert_element_type3A_60, %cond3A_61 : i32
    scf.if %cond3A_62 {
      %dma_wait3A = arith.constant 0 : i32
      %dma_wait3A_74 = arith.constant 0 : i32
      %dma_wait3A_75 = tpu.memref_slice %arg6[%dma_wait3A, %dma_wait3A_74] : memref<2x128xi32, #tpu.memory_space<vmem>> -> memref<1x128xi32, #tpu.memory_space<vmem>>
      %dma_wait3A_76 = tpu.memref_squeeze %dma_wait3A_75 : memref<1x128xi32, #tpu.memory_space<vmem>> -> memref<128xi32, #tpu.memory_space<vmem>>
      %dma_wait3A_77 = arith.constant 0 : i32
      %dma_wait3A_78 = arith.constant 0 : i32
      %dma_wait3A_79 = tpu.memref_slice %arg2[%dma_wait3A_77, %dma_wait3A_78] : memref<10000x128xf32, #tpu.memory_space<hbm>> -> memref<10000x128xf32, #tpu.memory_space<hbm>>
      tpu.wait_indirect_dma semaphore(%arg10 : memref<!tpu.dma_semaphore, #tpu.memory_space<semaphore_mem>>) src(%dma_wait3A_79 : memref<10000x128xf32, #tpu.memory_space<hbm>>) dst(%arg8 : memref<128x128xf32, #tpu.memory_space<vmem>>)
      %run_scoped3A = arith.constant 1 : i32
      "tpu.region"() ({
        %run_scoped3A_81 = tpu.sem_alloc : memref<!tpu.dma_semaphore, #tpu.memory_space<semaphore_mem>>
        %dma_start3A = arith.constant 0 : i32
        %dma_start3A_82 = tpu.memref_slice %arg6[%run_scoped3A, %dma_start3A] : memref<2x128xi32, #tpu.memory_space<vmem>> -> memref<1x128xi32, #tpu.memory_space<vmem>>
        %dma_start3A_83 = tpu.memref_squeeze %dma_start3A_82 : memref<1x128xi32, #tpu.memory_space<vmem>> -> memref<128xi32, #tpu.memory_space<vmem>>
        %dma_start3A_84 = arith.constant 0 : i32
        %dma_start3A_85 = arith.constant 0 : i32
        %dma_start3A_86 = tpu.memref_slice %arg16[%dma_start3A_84, %dma_start3A_85] : memref<10000x128xf32, #tpu.memory_space<vmem_shared>> -> memref<10000x128xf32, #tpu.memory_space<vmem_shared>>
        tpu.enqueue_indirect_dma source(%arg8 : memref<128x128xf32, #tpu.memory_space<vmem>>) target(%dma_start3A_86 : memref<10000x128xf32, #tpu.memory_space<vmem_shared>>) offsets(%dma_start3A_83 : memref<128xi32, #tpu.memory_space<vmem>>) semaphore(%run_scoped3A_81 : memref<!tpu.dma_semaphore, #tpu.memory_space<semaphore_mem>>) {add = true}
        %dma_wait3A_87 = arith.constant 0 : i32
        %dma_wait3A_88 = tpu.memref_slice %arg6[%run_scoped3A, %dma_wait3A_87] : memref<2x128xi32, #tpu.memory_space<vmem>> -> memref<1x128xi32, #tpu.memory_space<vmem>>
        %dma_wait3A_89 = tpu.memref_squeeze %dma_wait3A_88 : memref<1x128xi32, #tpu.memory_space<vmem>> -> memref<128xi32, #tpu.memory_space<vmem>>
        %dma_wait3A_90 = arith.constant 0 : i32
        %dma_wait3A_91 = arith.constant 0 : i32
        %dma_wait3A_92 = tpu.memref_slice %arg16[%dma_wait3A_90, %dma_wait3A_91] : memref<10000x128xf32, #tpu.memory_space<vmem_shared>> -> memref<10000x128xf32, #tpu.memory_space<vmem_shared>>
        tpu.wait_indirect_dma semaphore(%run_scoped3A_81 : memref<!tpu.dma_semaphore, #tpu.memory_space<semaphore_mem>>) src(%arg8 : memref<128x128xf32, #tpu.memory_space<vmem>>) dst(%dma_wait3A_92 : memref<10000x128xf32, #tpu.memory_space<vmem_shared>>)
        tpu.yield
      }) : () -> ()
      %run_scoped3A_80 = arith.constant 1 : i32
      "tpu.region"() ({
        %run_scoped3A_81 = tpu.sem_alloc : memref<!tpu.dma_semaphore, #tpu.memory_space<semaphore_mem>>
        %dma_start3A = arith.constant 0 : i32
        %dma_start3A_82 = tpu.memref_slice %arg6[%run_scoped3A_80, %dma_start3A] : memref<2x128xi32, #tpu.memory_space<vmem>> -> memref<1x128xi32, #tpu.memory_space<vmem>>
        %dma_start3A_83 = tpu.memref_squeeze %dma_start3A_82 : memref<1x128xi32, #tpu.memory_space<vmem>> -> memref<128xi32, #tpu.memory_space<vmem>>
        %dma_start3A_84 = arith.constant 0 : i32
        %dma_start3A_85 = tpu.memref_slice %arg17[%dma_start3A_84] : memref<10000xf32, #tpu.memory_space<vmem_shared>> -> memref<10000xf32, #tpu.memory_space<vmem_shared>>
        tpu.enqueue_indirect_dma source(%arg14 : memref<128xf32, #tpu.memory_space<vmem>>) target(%dma_start3A_85 : memref<10000xf32, #tpu.memory_space<vmem_shared>>) offsets(%dma_start3A_83 : memref<128xi32, #tpu.memory_space<vmem>>) semaphore(%run_scoped3A_81 : memref<!tpu.dma_semaphore, #tpu.memory_space<semaphore_mem>>) {add = true}
        %dma_wait3A_86 = arith.constant 0 : i32
        %dma_wait3A_87 = tpu.memref_slice %arg6[%run_scoped3A_80, %dma_wait3A_86] : memref<2x128xi32, #tpu.memory_space<vmem>> -> memref<1x128xi32, #tpu.memory_space<vmem>>
        %dma_wait3A_88 = tpu.memref_squeeze %dma_wait3A_87 : memref<1x128xi32, #tpu.memory_space<vmem>> -> memref<128xi32, #tpu.memory_space<vmem>>
        %dma_wait3A_89 = arith.constant 0 : i32
        %dma_wait3A_90 = tpu.memref_slice %arg17[%dma_wait3A_89] : memref<10000xf32, #tpu.memory_space<vmem_shared>> -> memref<10000xf32, #tpu.memory_space<vmem_shared>>
        tpu.wait_indirect_dma semaphore(%run_scoped3A_81 : memref<!tpu.dma_semaphore, #tpu.memory_space<semaphore_mem>>) src(%arg14 : memref<128xf32, #tpu.memory_space<vmem>>) dst(%dma_wait3A_90 : memref<10000xf32, #tpu.memory_space<vmem_shared>>)
        tpu.yield
      }) : () -> ()
    } else {
    }
    %barrier3A_63 = arith.constant 0 : index
    tpu.barrier barrier_id(%barrier3A_63)
    %lt3A_64 = arith.constant 15 : i32
    %lt3A_65 = arith.cmpi slt, %arg1, %lt3A_64 : i32
    %convert_element_type3A_66 = arith.extui %lt3A_65 : i1 to i32
    %cond3A_67 = arith.constant 0 : i32
    %cond3A_68 = arith.cmpi ne, %convert_element_type3A_66, %cond3A_67 : i32
    scf.if %cond3A_68 {
      "tpu.region"() ({
        %run_scoped3A = tpu.sem_alloc : memref<!tpu.dma_semaphore, #tpu.memory_space<semaphore_mem>>
        %dma_start3A = arith.constant 0 : i32
        %dma_start3A_77 = tpu.memref_slice %arg4[%arg0, %mul3A_2, %dma_start3A] : memref<2x10000x128xf32, #tpu.memory_space<hbm>> -> memref<1x632x128xf32, #tpu.memory_space<hbm>>
        %dma_start3A_78 = tpu.memref_squeeze %dma_start3A_77 : memref<1x632x128xf32, #tpu.memory_space<hbm>> -> memref<632x128xf32, #tpu.memory_space<hbm>>
        %dma_start3A_79 = arith.constant 0 : i32
        %dma_start3A_80 = tpu.memref_slice %arg16[%mul3A_2, %dma_start3A_79] : memref<10000x128xf32, #tpu.memory_space<vmem_shared>> -> memref<632x128xf32, #tpu.memory_space<vmem_shared>>
        tpu.enqueue_dma source(%dma_start3A_80 : memref<632x128xf32, #tpu.memory_space<vmem_shared>>) target(%dma_start3A_78 : memref<632x128xf32, #tpu.memory_space<hbm>>) target_semaphore(%run_scoped3A : memref<!tpu.dma_semaphore, #tpu.memory_space<semaphore_mem>>)
        %dma_wait3A = arith.constant 0 : i32
        %dma_wait3A_81 = tpu.memref_slice %arg4[%arg0, %mul3A_2, %dma_wait3A] : memref<2x10000x128xf32, #tpu.memory_space<hbm>> -> memref<1x632x128xf32, #tpu.memory_space<hbm>>
        %dma_wait3A_82 = tpu.memref_squeeze %dma_wait3A_81 : memref<1x632x128xf32, #tpu.memory_space<hbm>> -> memref<632x128xf32, #tpu.memory_space<hbm>>
        %dma_wait3A_83 = arith.constant 0 : i32
        %dma_wait3A_84 = tpu.memref_slice %arg16[%mul3A_2, %dma_wait3A_83] : memref<10000x128xf32, #tpu.memory_space<vmem_shared>> -> memref<632x128xf32, #tpu.memory_space<vmem_shared>>
        tpu.wait_dma2 semaphore(%run_scoped3A : memref<!tpu.dma_semaphore, #tpu.memory_space<semaphore_mem>>) src(%dma_wait3A_84 : memref<632x128xf32, #tpu.memory_space<vmem_shared>>) dst(%dma_wait3A_82 : memref<632x128xf32, #tpu.memory_space<hbm>>)
        tpu.yield
      }) : () -> ()
      "tpu.region"() ({
        %run_scoped3A = tpu.sem_alloc : memref<!tpu.dma_semaphore, #tpu.memory_space<semaphore_mem>>
        %dma_start3A = arith.constant 0 : i32
        %dma_start3A_77 = tpu.memref_slice %arg15[%dma_start3A] : memref<640xf32, #tpu.memory_space<vmem>> -> memref<632xf32, #tpu.memory_space<vmem>>
        %dma_start3A_78 = tpu.memref_slice %arg17[%mul3A_2] : memref<10000xf32, #tpu.memory_space<vmem_shared>> -> memref<632xf32, #tpu.memory_space<vmem_shared>>
        %dma_start3A_79 = arith.constant 0 : i32
        %dma_start3A_80 = tpu.memref_slice %arg15[%dma_start3A_79] : memref<640xf32, #tpu.memory_space<vmem>> -> memref<632xf32, #tpu.memory_space<vmem>>
        %dma_start3A_81 = tpu.memref_slice %arg17[%mul3A_2] : memref<10000xf32, #tpu.memory_space<vmem_shared>> -> memref<632xf32, #tpu.memory_space<vmem_shared>>
        tpu.enqueue_dma source(%dma_start3A_81 : memref<632xf32, #tpu.memory_space<vmem_shared>>) target(%dma_start3A_80 : memref<632xf32, #tpu.memory_space<vmem>>) target_semaphore(%run_scoped3A : memref<!tpu.dma_semaphore, #tpu.memory_space<semaphore_mem>>)
        %dma_wait3A = arith.constant 0 : i32
        %dma_wait3A_82 = tpu.memref_slice %arg15[%dma_wait3A] : memref<640xf32, #tpu.memory_space<vmem>> -> memref<632xf32, #tpu.memory_space<vmem>>
        %dma_wait3A_83 = tpu.memref_slice %arg17[%mul3A_2] : memref<10000xf32, #tpu.memory_space<vmem_shared>> -> memref<632xf32, #tpu.memory_space<vmem_shared>>
        %dma_wait3A_84 = arith.constant 0 : i32
        %dma_wait3A_85 = tpu.memref_slice %arg15[%dma_wait3A_84] : memref<640xf32, #tpu.memory_space<vmem>> -> memref<632xf32, #tpu.memory_space<vmem>>
        %dma_wait3A_86 = tpu.memref_slice %arg17[%mul3A_2] : memref<10000xf32, #tpu.memory_space<vmem_shared>> -> memref<632xf32, #tpu.memory_space<vmem_shared>>
        tpu.wait_dma2 semaphore(%run_scoped3A : memref<!tpu.dma_semaphore, #tpu.memory_space<semaphore_mem>>) src(%dma_wait3A_86 : memref<632xf32, #tpu.memory_space<vmem_shared>>) dst(%dma_wait3A_85 : memref<632xf32, #tpu.memory_space<vmem>>)
        tpu.yield
      }) : () -> ()
      %mul3A_74 = arith.constant 10000 : i32
      %mul3A_75 = arith.muli %arg0, %mul3A_74 : i32
      %add3A_76 = arith.addi %mul3A_75, %mul3A_2 : i32
      "tpu.region"() ({
        %run_scoped3A = tpu.sem_alloc : memref<!tpu.dma_semaphore, #tpu.memory_space<semaphore_mem>>
        %dma_start3A = arith.constant 0 : i32
        %dma_start3A_77 = tpu.memref_slice %arg15[%dma_start3A] : memref<640xf32, #tpu.memory_space<vmem>> -> memref<632xf32, #tpu.memory_space<vmem>>
        %dma_start3A_78 = tpu.memref_slice %arg5[%add3A_76] : memref<20000xf32, #tpu.memory_space<hbm>> -> memref<632xf32, #tpu.memory_space<hbm>>
        %dma_start3A_79 = tpu.memref_slice %arg5[%add3A_76] : memref<20000xf32, #tpu.memory_space<hbm>> -> memref<632xf32, #tpu.memory_space<hbm>>
        %dma_start3A_80 = arith.constant 0 : i32
        %dma_start3A_81 = tpu.memref_slice %arg15[%dma_start3A_80] : memref<640xf32, #tpu.memory_space<vmem>> -> memref<632xf32, #tpu.memory_space<vmem>>
        tpu.enqueue_dma source(%dma_start3A_81 : memref<632xf32, #tpu.memory_space<vmem>>) target(%dma_start3A_79 : memref<632xf32, #tpu.memory_space<hbm>>) target_semaphore(%run_scoped3A : memref<!tpu.dma_semaphore, #tpu.memory_space<semaphore_mem>>)
        %dma_wait3A = arith.constant 0 : i32
        %dma_wait3A_82 = tpu.memref_slice %arg15[%dma_wait3A] : memref<640xf32, #tpu.memory_space<vmem>> -> memref<632xf32, #tpu.memory_space<vmem>>
        %dma_wait3A_83 = tpu.memref_slice %arg5[%add3A_76] : memref<20000xf32, #tpu.memory_space<hbm>> -> memref<632xf32, #tpu.memory_space<hbm>>
        %dma_wait3A_84 = tpu.memref_slice %arg5[%add3A_76] : memref<20000xf32, #tpu.memory_space<hbm>> -> memref<632xf32, #tpu.memory_space<hbm>>
        %dma_wait3A_85 = arith.constant 0 : i32
        %dma_wait3A_86 = tpu.memref_slice %arg15[%dma_wait3A_85] : memref<640xf32, #tpu.memory_space<vmem>> -> memref<632xf32, #tpu.memory_space<vmem>>
        tpu.wait_dma2 semaphore(%run_scoped3A : memref<!tpu.dma_semaphore, #tpu.memory_space<semaphore_mem>>) src(%dma_wait3A_86 : memref<632xf32, #tpu.memory_space<vmem>>) dst(%dma_wait3A_84 : memref<632xf32, #tpu.memory_space<hbm>>)
        tpu.yield
      }) : () -> ()
    } else {
    }
    %eq3A_69 = arith.constant 15 : i32
    %eq3A_70 = arith.cmpi eq, %arg1, %eq3A_69 : i32
    %convert_element_type3A_71 = arith.extui %eq3A_70 : i1 to i32
    %cond3A_72 = arith.constant 0 : i32
    %cond3A_73 = arith.cmpi ne, %convert_element_type3A_71, %cond3A_72 : i32
    scf.if %cond3A_73 {
      "tpu.region"() ({
        %run_scoped3A = tpu.sem_alloc : memref<!tpu.dma_semaphore, #tpu.memory_space<semaphore_mem>>
        %dma_start3A = arith.constant 0 : i32
        %dma_start3A_77 = tpu.memref_slice %arg4[%arg0, %mul3A_2, %dma_start3A] : memref<2x10000x128xf32, #tpu.memory_space<hbm>> -> memref<1x520x128xf32, #tpu.memory_space<hbm>>
        %dma_start3A_78 = tpu.memref_squeeze %dma_start3A_77 : memref<1x520x128xf32, #tpu.memory_space<hbm>> -> memref<520x128xf32, #tpu.memory_space<hbm>>
        %dma_start3A_79 = arith.constant 0 : i32
        %dma_start3A_80 = tpu.memref_slice %arg16[%mul3A_2, %dma_start3A_79] : memref<10000x128xf32, #tpu.memory_space<vmem_shared>> -> memref<520x128xf32, #tpu.memory_space<vmem_shared>>
        tpu.enqueue_dma source(%dma_start3A_80 : memref<520x128xf32, #tpu.memory_space<vmem_shared>>) target(%dma_start3A_78 : memref<520x128xf32, #tpu.memory_space<hbm>>) target_semaphore(%run_scoped3A : memref<!tpu.dma_semaphore, #tpu.memory_space<semaphore_mem>>)
        %dma_wait3A = arith.constant 0 : i32
        %dma_wait3A_81 = tpu.memref_slice %arg4[%arg0, %mul3A_2, %dma_wait3A] : memref<2x10000x128xf32, #tpu.memory_space<hbm>> -> memref<1x520x128xf32, #tpu.memory_space<hbm>>
        %dma_wait3A_82 = tpu.memref_squeeze %dma_wait3A_81 : memref<1x520x128xf32, #tpu.memory_space<hbm>> -> memref<520x128xf32, #tpu.memory_space<hbm>>
        %dma_wait3A_83 = arith.constant 0 : i32
        %dma_wait3A_84 = tpu.memref_slice %arg16[%mul3A_2, %dma_wait3A_83] : memref<10000x128xf32, #tpu.memory_space<vmem_shared>> -> memref<520x128xf32, #tpu.memory_space<vmem_shared>>
        tpu.wait_dma2 semaphore(%run_scoped3A : memref<!tpu.dma_semaphore, #tpu.memory_space<semaphore_mem>>) src(%dma_wait3A_84 : memref<520x128xf32, #tpu.memory_space<vmem_shared>>) dst(%dma_wait3A_82 : memref<520x128xf32, #tpu.memory_space<hbm>>)
        tpu.yield
      }) : () -> ()
      "tpu.region"() ({
        %run_scoped3A = tpu.sem_alloc : memref<!tpu.dma_semaphore, #tpu.memory_space<semaphore_mem>>
        %dma_start3A = arith.constant 0 : i32
        %dma_start3A_77 = tpu.memref_slice %arg15[%dma_start3A] : memref<640xf32, #tpu.memory_space<vmem>> -> memref<520xf32, #tpu.memory_space<vmem>>
        %dma_start3A_78 = tpu.memref_slice %arg17[%mul3A_2] : memref<10000xf32, #tpu.memory_space<vmem_shared>> -> memref<520xf32, #tpu.memory_space<vmem_shared>>
        %dma_start3A_79 = arith.constant 0 : i32
        %dma_start3A_80 = tpu.memref_slice %arg15[%dma_start3A_79] : memref<640xf32, #tpu.memory_space<vmem>> -> memref<520xf32, #tpu.memory_space<vmem>>
        %dma_start3A_81 = tpu.memref_slice %arg17[%mul3A_2] : memref<10000xf32, #tpu.memory_space<vmem_shared>> -> memref<520xf32, #tpu.memory_space<vmem_shared>>
        tpu.enqueue_dma source(%dma_start3A_81 : memref<520xf32, #tpu.memory_space<vmem_shared>>) target(%dma_start3A_80 : memref<520xf32, #tpu.memory_space<vmem>>) target_semaphore(%run_scoped3A : memref<!tpu.dma_semaphore, #tpu.memory_space<semaphore_mem>>)
        %dma_wait3A = arith.constant 0 : i32
        %dma_wait3A_82 = tpu.memref_slice %arg15[%dma_wait3A] : memref<640xf32, #tpu.memory_space<vmem>> -> memref<520xf32, #tpu.memory_space<vmem>>
        %dma_wait3A_83 = tpu.memref_slice %arg17[%mul3A_2] : memref<10000xf32, #tpu.memory_space<vmem_shared>> -> memref<520xf32, #tpu.memory_space<vmem_shared>>
        %dma_wait3A_84 = arith.constant 0 : i32
        %dma_wait3A_85 = tpu.memref_slice %arg15[%dma_wait3A_84] : memref<640xf32, #tpu.memory_space<vmem>> -> memref<520xf32, #tpu.memory_space<vmem>>
        %dma_wait3A_86 = tpu.memref_slice %arg17[%mul3A_2] : memref<10000xf32, #tpu.memory_space<vmem_shared>> -> memref<520xf32, #tpu.memory_space<vmem_shared>>
        tpu.wait_dma2 semaphore(%run_scoped3A : memref<!tpu.dma_semaphore, #tpu.memory_space<semaphore_mem>>) src(%dma_wait3A_86 : memref<520xf32, #tpu.memory_space<vmem_shared>>) dst(%dma_wait3A_85 : memref<520xf32, #tpu.memory_space<vmem>>)
        tpu.yield
      }) : () -> ()
      %mul3A_74 = arith.constant 10000 : i32
      %mul3A_75 = arith.muli %arg0, %mul3A_74 : i32
      %add3A_76 = arith.addi %mul3A_75, %mul3A_2 : i32
      "tpu.region"() ({
        %run_scoped3A = tpu.sem_alloc : memref<!tpu.dma_semaphore, #tpu.memory_space<semaphore_mem>>
        %dma_start3A = arith.constant 0 : i32
        %dma_start3A_77 = tpu.memref_slice %arg15[%dma_start3A] : memref<640xf32, #tpu.memory_space<vmem>> -> memref<520xf32, #tpu.memory_space<vmem>>
        %dma_start3A_78 = tpu.memref_slice %arg5[%add3A_76] : memref<20000xf32, #tpu.memory_space<hbm>> -> memref<520xf32, #tpu.memory_space<hbm>>
        %dma_start3A_79 = tpu.memref_slice %arg5[%add3A_76] : memref<20000xf32, #tpu.memory_space<hbm>> -> memref<520xf32, #tpu.memory_space<hbm>>
        %dma_start3A_80 = arith.constant 0 : i32
        %dma_start3A_81 = tpu.memref_slice %arg15[%dma_start3A_80] : memref<640xf32, #tpu.memory_space<vmem>> -> memref<520xf32, #tpu.memory_space<vmem>>
        tpu.enqueue_dma source(%dma_start3A_81 : memref<520xf32, #tpu.memory_space<vmem>>) target(%dma_start3A_79 : memref<520xf32, #tpu.memory_space<hbm>>) target_semaphore(%run_scoped3A : memref<!tpu.dma_semaphore, #tpu.memory_space<semaphore_mem>>)
        %dma_wait3A = arith.constant 0 : i32
        %dma_wait3A_82 = tpu.memref_slice %arg15[%dma_wait3A] : memref<640xf32, #tpu.memory_space<vmem>> -> memref<520xf32, #tpu.memory_space<vmem>>
        %dma_wait3A_83 = tpu.memref_slice %arg5[%add3A_76] : memref<20000xf32, #tpu.memory_space<hbm>> -> memref<520xf32, #tpu.memory_space<hbm>>
        %dma_wait3A_84 = tpu.memref_slice %arg5[%add3A_76] : memref<20000xf32, #tpu.memory_space<hbm>> -> memref<520xf32, #tpu.memory_space<hbm>>
        %dma_wait3A_85 = arith.constant 0 : i32
        %dma_wait3A_86 = tpu.memref_slice %arg15[%dma_wait3A_85] : memref<640xf32, #tpu.memory_space<vmem>> -> memref<520xf32, #tpu.memory_space<vmem>>
        tpu.wait_dma2 semaphore(%run_scoped3A : memref<!tpu.dma_semaphore, #tpu.memory_space<semaphore_mem>>) src(%dma_wait3A_86 : memref<520xf32, #tpu.memory_space<vmem>>) dst(%dma_wait3A_84 : memref<520xf32, #tpu.memory_space<hbm>>)
        tpu.yield
      }) : () -> ()
    } else {
    }
    return
  }
}

#map = affine_map<(d0, d1) -> (0, 0)>
#map1 = affine_map<(d0, d1) -> (0, 0, 0)>
module attributes {stable_mosaic.version = 14 : i64} {
  func.func @body(%arg0: i32, %arg1: i32, %arg2: memref<10000x128xf32, #tpu.memory_space<hbm>>, %arg3: memref<2x320000xi32, #tpu.memory_space<hbm>>, %arg4: memref<2x10000x128xf32, #tpu.memory_space<hbm>>, %arg5: memref<2x128xi32, #tpu.memory_space<vmem>>, %arg6: memref<2x128xi32, #tpu.memory_space<vmem>>, %arg7: memref<128x128xf32, #tpu.memory_space<vmem>>, %arg8: memref<128x128xf32, #tpu.memory_space<vmem>>, %arg9: memref<!tpu.dma_semaphore, #tpu.memory_space<semaphore_mem>>, %arg10: memref<!tpu.dma_semaphore, #tpu.memory_space<semaphore_mem>>, %arg11: memref<!tpu.dma_semaphore, #tpu.memory_space<semaphore_mem>>, %arg12: memref<!tpu.dma_semaphore, #tpu.memory_space<semaphore_mem>>, %arg13: memref<10000x128xf32, #tpu.memory_space<vmem_shared>>) attributes {dimension_semantics = [#tpu.dimension_semantics<core_parallel>, #tpu.dimension_semantics<subcore_parallel>], iteration_bounds = array<i64: 2, 16>, scalar_prefetch = 0 : i64, scratch_operands = 9 : i64, tpu.core_type = #tpu.core_type<sc_vector_subcore>, window_params = [{transform_indices = #map}, {transform_indices = #map}, {transform_indices = #map1}]} {
    %mul3A = arith.constant 2 : i32
    %mul3A_0 = arith.muli %arg1, %mul3A : i32
    %add3A = arith.addi %mul3A_0, %arg0 : i32
    %mul3A_1 = arith.constant 632 : i32
    %mul3A_2 = arith.muli %arg1, %mul3A_1 : i32
    %broadcast_in_dim3A = arith.constant 0.000000e+00 : f32
    %broadcast_in_dim3A_3 = vector.broadcast %broadcast_in_dim3A : f32 to vector<16xf32>
    %scan3A = arith.constant 0 : i32
    %scan3A_4 = arith.constant 0 : i32
    %scan3A_5 = arith.constant 128 : i32
    %scan3A_6 = arith.addi %scan3A_4, %scan3A_5 : i32
    %scan3A_7 = arith.constant 1 : i32
    %scan3A_8 = scf.for %scan3A_60 = %scan3A_4 to %scan3A_6 step %scan3A_7 iter_args(%scan3A_61 = %scan3A) -> (i32)  : i32 {
      %swap3A = arith.index_cast %scan3A_60 : i32 to index
      %swap3A_62 = arith.constant 0 : index
      %swap3A_63 = tpu.vector_load %arg7[%swap3A, %swap3A_62] {strides = array<i32>} : memref<128x128xf32, #tpu.memory_space<vmem>>, vector<1x16xf32>,
      %swap3A_64 = vector.shape_cast %swap3A_63 : vector<1x16xf32> to vector<16xf32>
      %swap3A_65 = vector.shape_cast %broadcast_in_dim3A_3 : vector<16xf32> to vector<1x16xf32>
      tpu.vector_store %arg7[%swap3A, %swap3A_62], %swap3A_65 {strides = array<i32>} : memref<128x128xf32, #tpu.memory_space<vmem>>, vector<1x16xf32>,
      %swap3A_66 = arith.index_cast %scan3A_60 : i32 to index
      %swap3A_67 = arith.constant 16 : index
      %swap3A_68 = tpu.vector_load %arg7[%swap3A_66, %swap3A_67] {strides = array<i32>} : memref<128x128xf32, #tpu.memory_space<vmem>>, vector<1x16xf32>,
      %swap3A_69 = vector.shape_cast %swap3A_68 : vector<1x16xf32> to vector<16xf32>
      %swap3A_70 = vector.shape_cast %broadcast_in_dim3A_3 : vector<16xf32> to vector<1x16xf32>
      tpu.vector_store %arg7[%swap3A_66, %swap3A_67], %swap3A_70 {strides = array<i32>} : memref<128x128xf32, #tpu.memory_space<vmem>>, vector<1x16xf32>,
      %swap3A_71 = arith.index_cast %scan3A_60 : i32 to index
      %swap3A_72 = arith.constant 32 : index
      %swap3A_73 = tpu.vector_load %arg7[%swap3A_71, %swap3A_72] {strides = array<i32>} : memref<128x128xf32, #tpu.memory_space<vmem>>, vector<1x16xf32>,
      %swap3A_74 = vector.shape_cast %swap3A_73 : vector<1x16xf32> to vector<16xf32>
      %swap3A_75 = vector.shape_cast %broadcast_in_dim3A_3 : vector<16xf32> to vector<1x16xf32>
      tpu.vector_store %arg7[%swap3A_71, %swap3A_72], %swap3A_75 {strides = array<i32>} : memref<128x128xf32, #tpu.memory_space<vmem>>, vector<1x16xf32>,
      %swap3A_76 = arith.index_cast %scan3A_60 : i32 to index
      %swap3A_77 = arith.constant 48 : index
      %swap3A_78 = tpu.vector_load %arg7[%swap3A_76, %swap3A_77] {strides = array<i32>} : memref<128x128xf32, #tpu.memory_space<vmem>>, vector<1x16xf32>,
      %swap3A_79 = vector.shape_cast %swap3A_78 : vector<1x16xf32> to vector<16xf32>
      %swap3A_80 = vector.shape_cast %broadcast_in_dim3A_3 : vector<16xf32> to vector<1x16xf32>
      tpu.vector_store %arg7[%swap3A_76, %swap3A_77], %swap3A_80 {strides = array<i32>} : memref<128x128xf32, #tpu.memory_space<vmem>>, vector<1x16xf32>,
      %swap3A_81 = arith.index_cast %scan3A_60 : i32 to index
      %swap3A_82 = arith.constant 64 : index
      %swap3A_83 = tpu.vector_load %arg7[%swap3A_81, %swap3A_82] {strides = array<i32>} : memref<128x128xf32, #tpu.memory_space<vmem>>, vector<1x16xf32>,
      %swap3A_84 = vector.shape_cast %swap3A_83 : vector<1x16xf32> to vector<16xf32>
      %swap3A_85 = vector.shape_cast %broadcast_in_dim3A_3 : vector<16xf32> to vector<1x16xf32>
      tpu.vector_store %arg7[%swap3A_81, %swap3A_82], %swap3A_85 {strides = array<i32>} : memref<128x128xf32, #tpu.memory_space<vmem>>, vector<1x16xf32>,
      %swap3A_86 = arith.index_cast %scan3A_60 : i32 to index
      %swap3A_87 = arith.constant 80 : index
      %swap3A_88 = tpu.vector_load %arg7[%swap3A_86, %swap3A_87] {strides = array<i32>} : memref<128x128xf32, #tpu.memory_space<vmem>>, vector<1x16xf32>,
      %swap3A_89 = vector.shape_cast %swap3A_88 : vector<1x16xf32> to vector<16xf32>
      %swap3A_90 = vector.shape_cast %broadcast_in_dim3A_3 : vector<16xf32> to vector<1x16xf32>
      tpu.vector_store %arg7[%swap3A_86, %swap3A_87], %swap3A_90 {strides = array<i32>} : memref<128x128xf32, #tpu.memory_space<vmem>>, vector<1x16xf32>,
      %swap3A_91 = arith.index_cast %scan3A_60 : i32 to index
      %swap3A_92 = arith.constant 96 : index
      %swap3A_93 = tpu.vector_load %arg7[%swap3A_91, %swap3A_92] {strides = array<i32>} : memref<128x128xf32, #tpu.memory_space<vmem>>, vector<1x16xf32>,
      %swap3A_94 = vector.shape_cast %swap3A_93 : vector<1x16xf32> to vector<16xf32>
      %swap3A_95 = vector.shape_cast %broadcast_in_dim3A_3 : vector<16xf32> to vector<1x16xf32>
      tpu.vector_store %arg7[%swap3A_91, %swap3A_92], %swap3A_95 {strides = array<i32>} : memref<128x128xf32, #tpu.memory_space<vmem>>, vector<1x16xf32>,
      %swap3A_96 = arith.index_cast %scan3A_60 : i32 to index
      %swap3A_97 = arith.constant 112 : index
      %swap3A_98 = tpu.vector_load %arg7[%swap3A_96, %swap3A_97] {strides = array<i32>} : memref<128x128xf32, #tpu.memory_space<vmem>>, vector<1x16xf32>,
      %swap3A_99 = vector.shape_cast %swap3A_98 : vector<1x16xf32> to vector<16xf32>
      %swap3A_100 = vector.shape_cast %broadcast_in_dim3A_3 : vector<16xf32> to vector<1x16xf32>
      tpu.vector_store %arg7[%swap3A_96, %swap3A_97], %swap3A_100 {strides = array<i32>} : memref<128x128xf32, #tpu.memory_space<vmem>>, vector<1x16xf32>,
      %scan3A_101 = arith.constant 0 : i32
      scf.yield %scan3A_101 : i32
    }
    %scan3A_9 = arith.constant 128 : i32
    %lt3A = arith.constant 15 : i32
    %lt3A_10 = arith.cmpi slt, %arg1, %lt3A : i32
    %convert_element_type3A = arith.extui %lt3A_10 : i1 to i32
    %cond3A = arith.constant 0 : i32
    %cond3A_11 = arith.cmpi ne, %convert_element_type3A, %cond3A : i32
    scf.if %cond3A_11 {
      %add3A_60 = arith.constant 0 : i32
      %add3A_61 = arith.addi %mul3A_2, %add3A_60 : i32
      "tpu.region"() ({
        %run_scoped3A = tpu.sem_alloc : memref<!tpu.dma_semaphore, #tpu.memory_space<semaphore_mem>>
        %dma_start3A = arith.constant 0 : i32
        %dma_start3A_70 = arith.constant 0 : i32
        %dma_start3A_71 = tpu.memref_slice %arg7[%dma_start3A, %dma_start3A_70] : memref<128x128xf32, #tpu.memory_space<vmem>> -> memref<128x128xf32, #tpu.memory_space<vmem>>
        %dma_start3A_72 = arith.constant 0 : i32
        %dma_start3A_73 = tpu.memref_slice %arg13[%add3A_61, %dma_start3A_72] : memref<10000x128xf32, #tpu.memory_space<vmem_shared>> -> memref<128x128xf32, #tpu.memory_space<vmem_shared>>
        %dma_start3A_74 = arith.constant 0 : i32
        %dma_start3A_75 = tpu.memref_slice %arg13[%add3A_61, %dma_start3A_74] : memref<10000x128xf32, #tpu.memory_space<vmem_shared>> -> memref<128x128xf32, #tpu.memory_space<vmem_shared>>
        %dma_start3A_76 = arith.constant 0 : i32
        %dma_start3A_77 = arith.constant 0 : i32
        %dma_start3A_78 = tpu.memref_slice %arg7[%dma_start3A_76, %dma_start3A_77] : memref<128x128xf32, #tpu.memory_space<vmem>> -> memref<128x128xf32, #tpu.memory_space<vmem>>
        tpu.enqueue_dma source(%dma_start3A_78 : memref<128x128xf32, #tpu.memory_space<vmem>>) target(%dma_start3A_75 : memref<128x128xf32, #tpu.memory_space<vmem_shared>>) target_semaphore(%run_scoped3A : memref<!tpu.dma_semaphore, #tpu.memory_space<semaphore_mem>>)
        %dma_wait3A = arith.constant 0 : i32
        %dma_wait3A_79 = arith.constant 0 : i32
        %dma_wait3A_80 = tpu.memref_slice %arg7[%dma_wait3A, %dma_wait3A_79] : memref<128x128xf32, #tpu.memory_space<vmem>> -> memref<128x128xf32, #tpu.memory_space<vmem>>
        %dma_wait3A_81 = arith.constant 0 : i32
        %dma_wait3A_82 = tpu.memref_slice %arg13[%add3A_61, %dma_wait3A_81] : memref<10000x128xf32, #tpu.memory_space<vmem_shared>> -> memref<128x128xf32, #tpu.memory_space<vmem_shared>>
        %dma_wait3A_83 = arith.constant 0 : i32
        %dma_wait3A_84 = tpu.memref_slice %arg13[%add3A_61, %dma_wait3A_83] : memref<10000x128xf32, #tpu.memory_space<vmem_shared>> -> memref<128x128xf32, #tpu.memory_space<vmem_shared>>
        %dma_wait3A_85 = arith.constant 0 : i32
        %dma_wait3A_86 = arith.constant 0 : i32
        %dma_wait3A_87 = tpu.memref_slice %arg7[%dma_wait3A_85, %dma_wait3A_86] : memref<128x128xf32, #tpu.memory_space<vmem>> -> memref<128x128xf32, #tpu.memory_space<vmem>>
        tpu.wait_dma2 semaphore(%run_scoped3A : memref<!tpu.dma_semaphore, #tpu.memory_space<semaphore_mem>>) src(%dma_wait3A_87 : memref<128x128xf32, #tpu.memory_space<vmem>>) dst(%dma_wait3A_84 : memref<128x128xf32, #tpu.memory_space<vmem_shared>>)
        tpu.yield
      }) : () -> ()
      %add3A_62 = arith.constant 128 : i32
      %add3A_63 = arith.addi %mul3A_2, %add3A_62 : i32
      "tpu.region"() ({
        %run_scoped3A = tpu.sem_alloc : memref<!tpu.dma_semaphore, #tpu.memory_space<semaphore_mem>>
        %dma_start3A = arith.constant 0 : i32
        %dma_start3A_70 = arith.constant 0 : i32
        %dma_start3A_71 = tpu.memref_slice %arg7[%dma_start3A, %dma_start3A_70] : memref<128x128xf32, #tpu.memory_space<vmem>> -> memref<128x128xf32, #tpu.memory_space<vmem>>
        %dma_start3A_72 = arith.constant 0 : i32
        %dma_start3A_73 = tpu.memref_slice %arg13[%add3A_63, %dma_start3A_72] : memref<10000x128xf32, #tpu.memory_space<vmem_shared>> -> memref<128x128xf32, #tpu.memory_space<vmem_shared>>
        %dma_start3A_74 = arith.constant 0 : i32
        %dma_start3A_75 = tpu.memref_slice %arg13[%add3A_63, %dma_start3A_74] : memref<10000x128xf32, #tpu.memory_space<vmem_shared>> -> memref<128x128xf32, #tpu.memory_space<vmem_shared>>
        %dma_start3A_76 = arith.constant 0 : i32
        %dma_start3A_77 = arith.constant 0 : i32
        %dma_start3A_78 = tpu.memref_slice %arg7[%dma_start3A_76, %dma_start3A_77] : memref<128x128xf32, #tpu.memory_space<vmem>> -> memref<128x128xf32, #tpu.memory_space<vmem>>
        tpu.enqueue_dma source(%dma_start3A_78 : memref<128x128xf32, #tpu.memory_space<vmem>>) target(%dma_start3A_75 : memref<128x128xf32, #tpu.memory_space<vmem_shared>>) target_semaphore(%run_scoped3A : memref<!tpu.dma_semaphore, #tpu.memory_space<semaphore_mem>>)
        %dma_wait3A = arith.constant 0 : i32
        %dma_wait3A_79 = arith.constant 0 : i32
        %dma_wait3A_80 = tpu.memref_slice %arg7[%dma_wait3A, %dma_wait3A_79] : memref<128x128xf32, #tpu.memory_space<vmem>> -> memref<128x128xf32, #tpu.memory_space<vmem>>
        %dma_wait3A_81 = arith.constant 0 : i32
        %dma_wait3A_82 = tpu.memref_slice %arg13[%add3A_63, %dma_wait3A_81] : memref<10000x128xf32, #tpu.memory_space<vmem_shared>> -> memref<128x128xf32, #tpu.memory_space<vmem_shared>>
        %dma_wait3A_83 = arith.constant 0 : i32
        %dma_wait3A_84 = tpu.memref_slice %arg13[%add3A_63, %dma_wait3A_83] : memref<10000x128xf32, #tpu.memory_space<vmem_shared>> -> memref<128x128xf32, #tpu.memory_space<vmem_shared>>
        %dma_wait3A_85 = arith.constant 0 : i32
        %dma_wait3A_86 = arith.constant 0 : i32
        %dma_wait3A_87 = tpu.memref_slice %arg7[%dma_wait3A_85, %dma_wait3A_86] : memref<128x128xf32, #tpu.memory_space<vmem>> -> memref<128x128xf32, #tpu.memory_space<vmem>>
        tpu.wait_dma2 semaphore(%run_scoped3A : memref<!tpu.dma_semaphore, #tpu.memory_space<semaphore_mem>>) src(%dma_wait3A_87 : memref<128x128xf32, #tpu.memory_space<vmem>>) dst(%dma_wait3A_84 : memref<128x128xf32, #tpu.memory_space<vmem_shared>>)
        tpu.yield
      }) : () -> ()
      %add3A_64 = arith.constant 256 : i32
      %add3A_65 = arith.addi %mul3A_2, %add3A_64 : i32
      "tpu.region"() ({
        %run_scoped3A = tpu.sem_alloc : memref<!tpu.dma_semaphore, #tpu.memory_space<semaphore_mem>>
        %dma_start3A = arith.constant 0 : i32
        %dma_start3A_70 = arith.constant 0 : i32
        %dma_start3A_71 = tpu.memref_slice %arg7[%dma_start3A, %dma_start3A_70] : memref<128x128xf32, #tpu.memory_space<vmem>> -> memref<128x128xf32, #tpu.memory_space<vmem>>
        %dma_start3A_72 = arith.constant 0 : i32
        %dma_start3A_73 = tpu.memref_slice %arg13[%add3A_65, %dma_start3A_72] : memref<10000x128xf32, #tpu.memory_space<vmem_shared>> -> memref<128x128xf32, #tpu.memory_space<vmem_shared>>
        %dma_start3A_74 = arith.constant 0 : i32
        %dma_start3A_75 = tpu.memref_slice %arg13[%add3A_65, %dma_start3A_74] : memref<10000x128xf32, #tpu.memory_space<vmem_shared>> -> memref<128x128xf32, #tpu.memory_space<vmem_shared>>
        %dma_start3A_76 = arith.constant 0 : i32
        %dma_start3A_77 = arith.constant 0 : i32
        %dma_start3A_78 = tpu.memref_slice %arg7[%dma_start3A_76, %dma_start3A_77] : memref<128x128xf32, #tpu.memory_space<vmem>> -> memref<128x128xf32, #tpu.memory_space<vmem>>
        tpu.enqueue_dma source(%dma_start3A_78 : memref<128x128xf32, #tpu.memory_space<vmem>>) target(%dma_start3A_75 : memref<128x128xf32, #tpu.memory_space<vmem_shared>>) target_semaphore(%run_scoped3A : memref<!tpu.dma_semaphore, #tpu.memory_space<semaphore_mem>>)
        %dma_wait3A = arith.constant 0 : i32
        %dma_wait3A_79 = arith.constant 0 : i32
        %dma_wait3A_80 = tpu.memref_slice %arg7[%dma_wait3A, %dma_wait3A_79] : memref<128x128xf32, #tpu.memory_space<vmem>> -> memref<128x128xf32, #tpu.memory_space<vmem>>
        %dma_wait3A_81 = arith.constant 0 : i32
        %dma_wait3A_82 = tpu.memref_slice %arg13[%add3A_65, %dma_wait3A_81] : memref<10000x128xf32, #tpu.memory_space<vmem_shared>> -> memref<128x128xf32, #tpu.memory_space<vmem_shared>>
        %dma_wait3A_83 = arith.constant 0 : i32
        %dma_wait3A_84 = tpu.memref_slice %arg13[%add3A_65, %dma_wait3A_83] : memref<10000x128xf32, #tpu.memory_space<vmem_shared>> -> memref<128x128xf32, #tpu.memory_space<vmem_shared>>
        %dma_wait3A_85 = arith.constant 0 : i32
        %dma_wait3A_86 = arith.constant 0 : i32
        %dma_wait3A_87 = tpu.memref_slice %arg7[%dma_wait3A_85, %dma_wait3A_86] : memref<128x128xf32, #tpu.memory_space<vmem>> -> memref<128x128xf32, #tpu.memory_space<vmem>>
        tpu.wait_dma2 semaphore(%run_scoped3A : memref<!tpu.dma_semaphore, #tpu.memory_space<semaphore_mem>>) src(%dma_wait3A_87 : memref<128x128xf32, #tpu.memory_space<vmem>>) dst(%dma_wait3A_84 : memref<128x128xf32, #tpu.memory_space<vmem_shared>>)
        tpu.yield
      }) : () -> ()
      %add3A_66 = arith.constant 384 : i32
      %add3A_67 = arith.addi %mul3A_2, %add3A_66 : i32
      "tpu.region"() ({
        %run_scoped3A = tpu.sem_alloc : memref<!tpu.dma_semaphore, #tpu.memory_space<semaphore_mem>>
        %dma_start3A = arith.constant 0 : i32
        %dma_start3A_70 = arith.constant 0 : i32
        %dma_start3A_71 = tpu.memref_slice %arg7[%dma_start3A, %dma_start3A_70] : memref<128x128xf32, #tpu.memory_space<vmem>> -> memref<128x128xf32, #tpu.memory_space<vmem>>
        %dma_start3A_72 = arith.constant 0 : i32
        %dma_start3A_73 = tpu.memref_slice %arg13[%add3A_67, %dma_start3A_72] : memref<10000x128xf32, #tpu.memory_space<vmem_shared>> -> memref<128x128xf32, #tpu.memory_space<vmem_shared>>
        %dma_start3A_74 = arith.constant 0 : i32
        %dma_start3A_75 = tpu.memref_slice %arg13[%add3A_67, %dma_start3A_74] : memref<10000x128xf32, #tpu.memory_space<vmem_shared>> -> memref<128x128xf32, #tpu.memory_space<vmem_shared>>
        %dma_start3A_76 = arith.constant 0 : i32
        %dma_start3A_77 = arith.constant 0 : i32
        %dma_start3A_78 = tpu.memref_slice %arg7[%dma_start3A_76, %dma_start3A_77] : memref<128x128xf32, #tpu.memory_space<vmem>> -> memref<128x128xf32, #tpu.memory_space<vmem>>
        tpu.enqueue_dma source(%dma_start3A_78 : memref<128x128xf32, #tpu.memory_space<vmem>>) target(%dma_start3A_75 : memref<128x128xf32, #tpu.memory_space<vmem_shared>>) target_semaphore(%run_scoped3A : memref<!tpu.dma_semaphore, #tpu.memory_space<semaphore_mem>>)
        %dma_wait3A = arith.constant 0 : i32
        %dma_wait3A_79 = arith.constant 0 : i32
        %dma_wait3A_80 = tpu.memref_slice %arg7[%dma_wait3A, %dma_wait3A_79] : memref<128x128xf32, #tpu.memory_space<vmem>> -> memref<128x128xf32, #tpu.memory_space<vmem>>
        %dma_wait3A_81 = arith.constant 0 : i32
        %dma_wait3A_82 = tpu.memref_slice %arg13[%add3A_67, %dma_wait3A_81] : memref<10000x128xf32, #tpu.memory_space<vmem_shared>> -> memref<128x128xf32, #tpu.memory_space<vmem_shared>>
        %dma_wait3A_83 = arith.constant 0 : i32
        %dma_wait3A_84 = tpu.memref_slice %arg13[%add3A_67, %dma_wait3A_83] : memref<10000x128xf32, #tpu.memory_space<vmem_shared>> -> memref<128x128xf32, #tpu.memory_space<vmem_shared>>
        %dma_wait3A_85 = arith.constant 0 : i32
        %dma_wait3A_86 = arith.constant 0 : i32
        %dma_wait3A_87 = tpu.memref_slice %arg7[%dma_wait3A_85, %dma_wait3A_86] : memref<128x128xf32, #tpu.memory_space<vmem>> -> memref<128x128xf32, #tpu.memory_space<vmem>>
        tpu.wait_dma2 semaphore(%run_scoped3A : memref<!tpu.dma_semaphore, #tpu.memory_space<semaphore_mem>>) src(%dma_wait3A_87 : memref<128x128xf32, #tpu.memory_space<vmem>>) dst(%dma_wait3A_84 : memref<128x128xf32, #tpu.memory_space<vmem_shared>>)
        tpu.yield
      }) : () -> ()
      %add3A_68 = arith.constant 512 : i32
      %add3A_69 = arith.addi %mul3A_2, %add3A_68 : i32
      "tpu.region"() ({
        %run_scoped3A = tpu.sem_alloc : memref<!tpu.dma_semaphore, #tpu.memory_space<semaphore_mem>>
        %dma_start3A = arith.constant 0 : i32
        %dma_start3A_70 = arith.constant 0 : i32
        %dma_start3A_71 = tpu.memref_slice %arg7[%dma_start3A, %dma_start3A_70] : memref<128x128xf32, #tpu.memory_space<vmem>> -> memref<120x128xf32, #tpu.memory_space<vmem>>
        %dma_start3A_72 = arith.constant 0 : i32
        %dma_start3A_73 = tpu.memref_slice %arg13[%add3A_69, %dma_start3A_72] : memref<10000x128xf32, #tpu.memory_space<vmem_shared>> -> memref<120x128xf32, #tpu.memory_space<vmem_shared>>
        %dma_start3A_74 = arith.constant 0 : i32
        %dma_start3A_75 = tpu.memref_slice %arg13[%add3A_69, %dma_start3A_74] : memref<10000x128xf32, #tpu.memory_space<vmem_shared>> -> memref<120x128xf32, #tpu.memory_space<vmem_shared>>
        %dma_start3A_76 = arith.constant 0 : i32
        %dma_start3A_77 = arith.constant 0 : i32
        %dma_start3A_78 = tpu.memref_slice %arg7[%dma_start3A_76, %dma_start3A_77] : memref<128x128xf32, #tpu.memory_space<vmem>> -> memref<120x128xf32, #tpu.memory_space<vmem>>
        tpu.enqueue_dma source(%dma_start3A_78 : memref<120x128xf32, #tpu.memory_space<vmem>>) target(%dma_start3A_75 : memref<120x128xf32, #tpu.memory_space<vmem_shared>>) target_semaphore(%run_scoped3A : memref<!tpu.dma_semaphore, #tpu.memory_space<semaphore_mem>>)
        %dma_wait3A = arith.constant 0 : i32
        %dma_wait3A_79 = arith.constant 0 : i32
        %dma_wait3A_80 = tpu.memref_slice %arg7[%dma_wait3A, %dma_wait3A_79] : memref<128x128xf32, #tpu.memory_space<vmem>> -> memref<120x128xf32, #tpu.memory_space<vmem>>
        %dma_wait3A_81 = arith.constant 0 : i32
        %dma_wait3A_82 = tpu.memref_slice %arg13[%add3A_69, %dma_wait3A_81] : memref<10000x128xf32, #tpu.memory_space<vmem_shared>> -> memref<120x128xf32, #tpu.memory_space<vmem_shared>>
        %dma_wait3A_83 = arith.constant 0 : i32
        %dma_wait3A_84 = tpu.memref_slice %arg13[%add3A_69, %dma_wait3A_83] : memref<10000x128xf32, #tpu.memory_space<vmem_shared>> -> memref<120x128xf32, #tpu.memory_space<vmem_shared>>
        %dma_wait3A_85 = arith.constant 0 : i32
        %dma_wait3A_86 = arith.constant 0 : i32
        %dma_wait3A_87 = tpu.memref_slice %arg7[%dma_wait3A_85, %dma_wait3A_86] : memref<128x128xf32, #tpu.memory_space<vmem>> -> memref<120x128xf32, #tpu.memory_space<vmem>>
        tpu.wait_dma2 semaphore(%run_scoped3A : memref<!tpu.dma_semaphore, #tpu.memory_space<semaphore_mem>>) src(%dma_wait3A_87 : memref<120x128xf32, #tpu.memory_space<vmem>>) dst(%dma_wait3A_84 : memref<120x128xf32, #tpu.memory_space<vmem_shared>>)
        tpu.yield
      }) : () -> ()
    } else {
    }
    %eq3A = arith.constant 15 : i32
    %eq3A_12 = arith.cmpi eq, %arg1, %eq3A : i32
    %convert_element_type3A_13 = arith.extui %eq3A_12 : i1 to i32
    %cond3A_14 = arith.constant 0 : i32
    %cond3A_15 = arith.cmpi ne, %convert_element_type3A_13, %cond3A_14 : i32
    scf.if %cond3A_15 {
      %add3A_60 = arith.constant 0 : i32
      %add3A_61 = arith.addi %mul3A_2, %add3A_60 : i32
      "tpu.region"() ({
        %run_scoped3A = tpu.sem_alloc : memref<!tpu.dma_semaphore, #tpu.memory_space<semaphore_mem>>
        %dma_start3A = arith.constant 0 : i32
        %dma_start3A_70 = arith.constant 0 : i32
        %dma_start3A_71 = tpu.memref_slice %arg7[%dma_start3A, %dma_start3A_70] : memref<128x128xf32, #tpu.memory_space<vmem>> -> memref<128x128xf32, #tpu.memory_space<vmem>>
        %dma_start3A_72 = arith.constant 0 : i32
        %dma_start3A_73 = tpu.memref_slice %arg13[%add3A_61, %dma_start3A_72] : memref<10000x128xf32, #tpu.memory_space<vmem_shared>> -> memref<128x128xf32, #tpu.memory_space<vmem_shared>>
        %dma_start3A_74 = arith.constant 0 : i32
        %dma_start3A_75 = tpu.memref_slice %arg13[%add3A_61, %dma_start3A_74] : memref<10000x128xf32, #tpu.memory_space<vmem_shared>> -> memref<128x128xf32, #tpu.memory_space<vmem_shared>>
        %dma_start3A_76 = arith.constant 0 : i32
        %dma_start3A_77 = arith.constant 0 : i32
        %dma_start3A_78 = tpu.memref_slice %arg7[%dma_start3A_76, %dma_start3A_77] : memref<128x128xf32, #tpu.memory_space<vmem>> -> memref<128x128xf32, #tpu.memory_space<vmem>>
        tpu.enqueue_dma source(%dma_start3A_78 : memref<128x128xf32, #tpu.memory_space<vmem>>) target(%dma_start3A_75 : memref<128x128xf32, #tpu.memory_space<vmem_shared>>) target_semaphore(%run_scoped3A : memref<!tpu.dma_semaphore, #tpu.memory_space<semaphore_mem>>)
        %dma_wait3A = arith.constant 0 : i32
        %dma_wait3A_79 = arith.constant 0 : i32
        %dma_wait3A_80 = tpu.memref_slice %arg7[%dma_wait3A, %dma_wait3A_79] : memref<128x128xf32, #tpu.memory_space<vmem>> -> memref<128x128xf32, #tpu.memory_space<vmem>>
        %dma_wait3A_81 = arith.constant 0 : i32
        %dma_wait3A_82 = tpu.memref_slice %arg13[%add3A_61, %dma_wait3A_81] : memref<10000x128xf32, #tpu.memory_space<vmem_shared>> -> memref<128x128xf32, #tpu.memory_space<vmem_shared>>
        %dma_wait3A_83 = arith.constant 0 : i32
        %dma_wait3A_84 = tpu.memref_slice %arg13[%add3A_61, %dma_wait3A_83] : memref<10000x128xf32, #tpu.memory_space<vmem_shared>> -> memref<128x128xf32, #tpu.memory_space<vmem_shared>>
        %dma_wait3A_85 = arith.constant 0 : i32
        %dma_wait3A_86 = arith.constant 0 : i32
        %dma_wait3A_87 = tpu.memref_slice %arg7[%dma_wait3A_85, %dma_wait3A_86] : memref<128x128xf32, #tpu.memory_space<vmem>> -> memref<128x128xf32, #tpu.memory_space<vmem>>
        tpu.wait_dma2 semaphore(%run_scoped3A : memref<!tpu.dma_semaphore, #tpu.memory_space<semaphore_mem>>) src(%dma_wait3A_87 : memref<128x128xf32, #tpu.memory_space<vmem>>) dst(%dma_wait3A_84 : memref<128x128xf32, #tpu.memory_space<vmem_shared>>)
        tpu.yield
      }) : () -> ()
      %add3A_62 = arith.constant 128 : i32
      %add3A_63 = arith.addi %mul3A_2, %add3A_62 : i32
      "tpu.region"() ({
        %run_scoped3A = tpu.sem_alloc : memref<!tpu.dma_semaphore, #tpu.memory_space<semaphore_mem>>
        %dma_start3A = arith.constant 0 : i32
        %dma_start3A_70 = arith.constant 0 : i32
        %dma_start3A_71 = tpu.memref_slice %arg7[%dma_start3A, %dma_start3A_70] : memref<128x128xf32, #tpu.memory_space<vmem>> -> memref<128x128xf32, #tpu.memory_space<vmem>>
        %dma_start3A_72 = arith.constant 0 : i32
        %dma_start3A_73 = tpu.memref_slice %arg13[%add3A_63, %dma_start3A_72] : memref<10000x128xf32, #tpu.memory_space<vmem_shared>> -> memref<128x128xf32, #tpu.memory_space<vmem_shared>>
        %dma_start3A_74 = arith.constant 0 : i32
        %dma_start3A_75 = tpu.memref_slice %arg13[%add3A_63, %dma_start3A_74] : memref<10000x128xf32, #tpu.memory_space<vmem_shared>> -> memref<128x128xf32, #tpu.memory_space<vmem_shared>>
        %dma_start3A_76 = arith.constant 0 : i32
        %dma_start3A_77 = arith.constant 0 : i32
        %dma_start3A_78 = tpu.memref_slice %arg7[%dma_start3A_76, %dma_start3A_77] : memref<128x128xf32, #tpu.memory_space<vmem>> -> memref<128x128xf32, #tpu.memory_space<vmem>>
        tpu.enqueue_dma source(%dma_start3A_78 : memref<128x128xf32, #tpu.memory_space<vmem>>) target(%dma_start3A_75 : memref<128x128xf32, #tpu.memory_space<vmem_shared>>) target_semaphore(%run_scoped3A : memref<!tpu.dma_semaphore, #tpu.memory_space<semaphore_mem>>)
        %dma_wait3A = arith.constant 0 : i32
        %dma_wait3A_79 = arith.constant 0 : i32
        %dma_wait3A_80 = tpu.memref_slice %arg7[%dma_wait3A, %dma_wait3A_79] : memref<128x128xf32, #tpu.memory_space<vmem>> -> memref<128x128xf32, #tpu.memory_space<vmem>>
        %dma_wait3A_81 = arith.constant 0 : i32
        %dma_wait3A_82 = tpu.memref_slice %arg13[%add3A_63, %dma_wait3A_81] : memref<10000x128xf32, #tpu.memory_space<vmem_shared>> -> memref<128x128xf32, #tpu.memory_space<vmem_shared>>
        %dma_wait3A_83 = arith.constant 0 : i32
        %dma_wait3A_84 = tpu.memref_slice %arg13[%add3A_63, %dma_wait3A_83] : memref<10000x128xf32, #tpu.memory_space<vmem_shared>> -> memref<128x128xf32, #tpu.memory_space<vmem_shared>>
        %dma_wait3A_85 = arith.constant 0 : i32
        %dma_wait3A_86 = arith.constant 0 : i32
        %dma_wait3A_87 = tpu.memref_slice %arg7[%dma_wait3A_85, %dma_wait3A_86] : memref<128x128xf32, #tpu.memory_space<vmem>> -> memref<128x128xf32, #tpu.memory_space<vmem>>
        tpu.wait_dma2 semaphore(%run_scoped3A : memref<!tpu.dma_semaphore, #tpu.memory_space<semaphore_mem>>) src(%dma_wait3A_87 : memref<128x128xf32, #tpu.memory_space<vmem>>) dst(%dma_wait3A_84 : memref<128x128xf32, #tpu.memory_space<vmem_shared>>)
        tpu.yield
      }) : () -> ()
      %add3A_64 = arith.constant 256 : i32
      %add3A_65 = arith.addi %mul3A_2, %add3A_64 : i32
      "tpu.region"() ({
        %run_scoped3A = tpu.sem_alloc : memref<!tpu.dma_semaphore, #tpu.memory_space<semaphore_mem>>
        %dma_start3A = arith.constant 0 : i32
        %dma_start3A_70 = arith.constant 0 : i32
        %dma_start3A_71 = tpu.memref_slice %arg7[%dma_start3A, %dma_start3A_70] : memref<128x128xf32, #tpu.memory_space<vmem>> -> memref<128x128xf32, #tpu.memory_space<vmem>>
        %dma_start3A_72 = arith.constant 0 : i32
        %dma_start3A_73 = tpu.memref_slice %arg13[%add3A_65, %dma_start3A_72] : memref<10000x128xf32, #tpu.memory_space<vmem_shared>> -> memref<128x128xf32, #tpu.memory_space<vmem_shared>>
        %dma_start3A_74 = arith.constant 0 : i32
        %dma_start3A_75 = tpu.memref_slice %arg13[%add3A_65, %dma_start3A_74] : memref<10000x128xf32, #tpu.memory_space<vmem_shared>> -> memref<128x128xf32, #tpu.memory_space<vmem_shared>>
        %dma_start3A_76 = arith.constant 0 : i32
        %dma_start3A_77 = arith.constant 0 : i32
        %dma_start3A_78 = tpu.memref_slice %arg7[%dma_start3A_76, %dma_start3A_77] : memref<128x128xf32, #tpu.memory_space<vmem>> -> memref<128x128xf32, #tpu.memory_space<vmem>>
        tpu.enqueue_dma source(%dma_start3A_78 : memref<128x128xf32, #tpu.memory_space<vmem>>) target(%dma_start3A_75 : memref<128x128xf32, #tpu.memory_space<vmem_shared>>) target_semaphore(%run_scoped3A : memref<!tpu.dma_semaphore, #tpu.memory_space<semaphore_mem>>)
        %dma_wait3A = arith.constant 0 : i32
        %dma_wait3A_79 = arith.constant 0 : i32
        %dma_wait3A_80 = tpu.memref_slice %arg7[%dma_wait3A, %dma_wait3A_79] : memref<128x128xf32, #tpu.memory_space<vmem>> -> memref<128x128xf32, #tpu.memory_space<vmem>>
        %dma_wait3A_81 = arith.constant 0 : i32
        %dma_wait3A_82 = tpu.memref_slice %arg13[%add3A_65, %dma_wait3A_81] : memref<10000x128xf32, #tpu.memory_space<vmem_shared>> -> memref<128x128xf32, #tpu.memory_space<vmem_shared>>
        %dma_wait3A_83 = arith.constant 0 : i32
        %dma_wait3A_84 = tpu.memref_slice %arg13[%add3A_65, %dma_wait3A_83] : memref<10000x128xf32, #tpu.memory_space<vmem_shared>> -> memref<128x128xf32, #tpu.memory_space<vmem_shared>>
        %dma_wait3A_85 = arith.constant 0 : i32
        %dma_wait3A_86 = arith.constant 0 : i32
        %dma_wait3A_87 = tpu.memref_slice %arg7[%dma_wait3A_85, %dma_wait3A_86] : memref<128x128xf32, #tpu.memory_space<vmem>> -> memref<128x128xf32, #tpu.memory_space<vmem>>
        tpu.wait_dma2 semaphore(%run_scoped3A : memref<!tpu.dma_semaphore, #tpu.memory_space<semaphore_mem>>) src(%dma_wait3A_87 : memref<128x128xf32, #tpu.memory_space<vmem>>) dst(%dma_wait3A_84 : memref<128x128xf32, #tpu.memory_space<vmem_shared>>)
        tpu.yield
      }) : () -> ()
      %add3A_66 = arith.constant 384 : i32
      %add3A_67 = arith.addi %mul3A_2, %add3A_66 : i32
      "tpu.region"() ({
        %run_scoped3A = tpu.sem_alloc : memref<!tpu.dma_semaphore, #tpu.memory_space<semaphore_mem>>
        %dma_start3A = arith.constant 0 : i32
        %dma_start3A_70 = arith.constant 0 : i32
        %dma_start3A_71 = tpu.memref_slice %arg7[%dma_start3A, %dma_start3A_70] : memref<128x128xf32, #tpu.memory_space<vmem>> -> memref<128x128xf32, #tpu.memory_space<vmem>>
        %dma_start3A_72 = arith.constant 0 : i32
        %dma_start3A_73 = tpu.memref_slice %arg13[%add3A_67, %dma_start3A_72] : memref<10000x128xf32, #tpu.memory_space<vmem_shared>> -> memref<128x128xf32, #tpu.memory_space<vmem_shared>>
        %dma_start3A_74 = arith.constant 0 : i32
        %dma_start3A_75 = tpu.memref_slice %arg13[%add3A_67, %dma_start3A_74] : memref<10000x128xf32, #tpu.memory_space<vmem_shared>> -> memref<128x128xf32, #tpu.memory_space<vmem_shared>>
        %dma_start3A_76 = arith.constant 0 : i32
        %dma_start3A_77 = arith.constant 0 : i32
        %dma_start3A_78 = tpu.memref_slice %arg7[%dma_start3A_76, %dma_start3A_77] : memref<128x128xf32, #tpu.memory_space<vmem>> -> memref<128x128xf32, #tpu.memory_space<vmem>>
        tpu.enqueue_dma source(%dma_start3A_78 : memref<128x128xf32, #tpu.memory_space<vmem>>) target(%dma_start3A_75 : memref<128x128xf32, #tpu.memory_space<vmem_shared>>) target_semaphore(%run_scoped3A : memref<!tpu.dma_semaphore, #tpu.memory_space<semaphore_mem>>)
        %dma_wait3A = arith.constant 0 : i32
        %dma_wait3A_79 = arith.constant 0 : i32
        %dma_wait3A_80 = tpu.memref_slice %arg7[%dma_wait3A, %dma_wait3A_79] : memref<128x128xf32, #tpu.memory_space<vmem>> -> memref<128x128xf32, #tpu.memory_space<vmem>>
        %dma_wait3A_81 = arith.constant 0 : i32
        %dma_wait3A_82 = tpu.memref_slice %arg13[%add3A_67, %dma_wait3A_81] : memref<10000x128xf32, #tpu.memory_space<vmem_shared>> -> memref<128x128xf32, #tpu.memory_space<vmem_shared>>
        %dma_wait3A_83 = arith.constant 0 : i32
        %dma_wait3A_84 = tpu.memref_slice %arg13[%add3A_67, %dma_wait3A_83] : memref<10000x128xf32, #tpu.memory_space<vmem_shared>> -> memref<128x128xf32, #tpu.memory_space<vmem_shared>>
        %dma_wait3A_85 = arith.constant 0 : i32
        %dma_wait3A_86 = arith.constant 0 : i32
        %dma_wait3A_87 = tpu.memref_slice %arg7[%dma_wait3A_85, %dma_wait3A_86] : memref<128x128xf32, #tpu.memory_space<vmem>> -> memref<128x128xf32, #tpu.memory_space<vmem>>
        tpu.wait_dma2 semaphore(%run_scoped3A : memref<!tpu.dma_semaphore, #tpu.memory_space<semaphore_mem>>) src(%dma_wait3A_87 : memref<128x128xf32, #tpu.memory_space<vmem>>) dst(%dma_wait3A_84 : memref<128x128xf32, #tpu.memory_space<vmem_shared>>)
        tpu.yield
      }) : () -> ()
      %add3A_68 = arith.constant 512 : i32
      %add3A_69 = arith.addi %mul3A_2, %add3A_68 : i32
      "tpu.region"() ({
        %run_scoped3A = tpu.sem_alloc : memref<!tpu.dma_semaphore, #tpu.memory_space<semaphore_mem>>
        %dma_start3A = arith.constant 0 : i32
        %dma_start3A_70 = arith.constant 0 : i32
        %dma_start3A_71 = tpu.memref_slice %arg7[%dma_start3A, %dma_start3A_70] : memref<128x128xf32, #tpu.memory_space<vmem>> -> memref<8x128xf32, #tpu.memory_space<vmem>>
        %dma_start3A_72 = arith.constant 0 : i32
        %dma_start3A_73 = tpu.memref_slice %arg13[%add3A_69, %dma_start3A_72] : memref<10000x128xf32, #tpu.memory_space<vmem_shared>> -> memref<8x128xf32, #tpu.memory_space<vmem_shared>>
        %dma_start3A_74 = arith.constant 0 : i32
        %dma_start3A_75 = tpu.memref_slice %arg13[%add3A_69, %dma_start3A_74] : memref<10000x128xf32, #tpu.memory_space<vmem_shared>> -> memref<8x128xf32, #tpu.memory_space<vmem_shared>>
        %dma_start3A_76 = arith.constant 0 : i32
        %dma_start3A_77 = arith.constant 0 : i32
        %dma_start3A_78 = tpu.memref_slice %arg7[%dma_start3A_76, %dma_start3A_77] : memref<128x128xf32, #tpu.memory_space<vmem>> -> memref<8x128xf32, #tpu.memory_space<vmem>>
        tpu.enqueue_dma source(%dma_start3A_78 : memref<8x128xf32, #tpu.memory_space<vmem>>) target(%dma_start3A_75 : memref<8x128xf32, #tpu.memory_space<vmem_shared>>) target_semaphore(%run_scoped3A : memref<!tpu.dma_semaphore, #tpu.memory_space<semaphore_mem>>)
        %dma_wait3A = arith.constant 0 : i32
        %dma_wait3A_79 = arith.constant 0 : i32
        %dma_wait3A_80 = tpu.memref_slice %arg7[%dma_wait3A, %dma_wait3A_79] : memref<128x128xf32, #tpu.memory_space<vmem>> -> memref<8x128xf32, #tpu.memory_space<vmem>>
        %dma_wait3A_81 = arith.constant 0 : i32
        %dma_wait3A_82 = tpu.memref_slice %arg13[%add3A_69, %dma_wait3A_81] : memref<10000x128xf32, #tpu.memory_space<vmem_shared>> -> memref<8x128xf32, #tpu.memory_space<vmem_shared>>
        %dma_wait3A_83 = arith.constant 0 : i32
        %dma_wait3A_84 = tpu.memref_slice %arg13[%add3A_69, %dma_wait3A_83] : memref<10000x128xf32, #tpu.memory_space<vmem_shared>> -> memref<8x128xf32, #tpu.memory_space<vmem_shared>>
        %dma_wait3A_85 = arith.constant 0 : i32
        %dma_wait3A_86 = arith.constant 0 : i32
        %dma_wait3A_87 = tpu.memref_slice %arg7[%dma_wait3A_85, %dma_wait3A_86] : memref<128x128xf32, #tpu.memory_space<vmem>> -> memref<8x128xf32, #tpu.memory_space<vmem>>
        tpu.wait_dma2 semaphore(%run_scoped3A : memref<!tpu.dma_semaphore, #tpu.memory_space<semaphore_mem>>) src(%dma_wait3A_87 : memref<8x128xf32, #tpu.memory_space<vmem>>) dst(%dma_wait3A_84 : memref<8x128xf32, #tpu.memory_space<vmem_shared>>)
        tpu.yield
      }) : () -> ()
    } else {
    }
    %barrier3A = arith.constant 0 : index
    tpu.barrier barrier_id(%barrier3A)
    %add3A_16 = arith.constant 0 : i32
    %add3A_17 = arith.addi %add3A, %add3A_16 : i32
    %lt3A_18 = arith.constant 2500 : i32
    %lt3A_19 = arith.cmpi slt, %add3A_17, %lt3A_18 : i32
    %convert_element_type3A_20 = arith.extui %lt3A_19 : i1 to i32
    %cond3A_21 = arith.constant 0 : i32
    %cond3A_22 = arith.cmpi ne, %convert_element_type3A_20, %cond3A_21 : i32
    scf.if %cond3A_22 {
      %add3A_60 = arith.constant 0 : i32
      %add3A_61 = arith.addi %add3A, %add3A_60 : i32
      %mul3A_62 = arith.constant 128 : i32
      %mul3A_63 = arith.muli %add3A_61, %mul3A_62 : i32
      %dma_start3A = arith.constant 0 : i32
      %dma_start3A_64 = tpu.memref_slice %arg3[%dma_start3A, %mul3A_63] : memref<2x320000xi32, #tpu.memory_space<hbm>> -> memref<2x128xi32, #tpu.memory_space<hbm>>
      %dma_start3A_65 = arith.constant 0 : i32
      %dma_start3A_66 = tpu.memref_slice %arg3[%dma_start3A_65, %mul3A_63] : memref<2x320000xi32, #tpu.memory_space<hbm>> -> memref<2x128xi32, #tpu.memory_space<hbm>>
      tpu.enqueue_dma source(%dma_start3A_66 : memref<2x128xi32, #tpu.memory_space<hbm>>) target(%arg5 : memref<2x128xi32, #tpu.memory_space<vmem>>) target_semaphore(%arg11 : memref<!tpu.dma_semaphore, #tpu.memory_space<semaphore_mem>>)
    } else {
    }
    %add3A_23 = arith.constant 32 : i32
    %add3A_24 = arith.addi %add3A, %add3A_23 : i32
    %lt3A_25 = arith.constant 2500 : i32
    %lt3A_26 = arith.cmpi slt, %add3A_24, %lt3A_25 : i32
    %convert_element_type3A_27 = arith.extui %lt3A_26 : i1 to i32
    %cond3A_28 = arith.constant 0 : i32
    %cond3A_29 = arith.cmpi ne, %convert_element_type3A_27, %cond3A_28 : i32
    scf.if %cond3A_29 {
      %add3A_60 = arith.constant 32 : i32
      %add3A_61 = arith.addi %add3A, %add3A_60 : i32
      %mul3A_62 = arith.constant 128 : i32
      %mul3A_63 = arith.muli %add3A_61, %mul3A_62 : i32
      %dma_start3A = arith.constant 0 : i32
      %dma_start3A_64 = tpu.memref_slice %arg3[%dma_start3A, %mul3A_63] : memref<2x320000xi32, #tpu.memory_space<hbm>> -> memref<2x128xi32, #tpu.memory_space<hbm>>
      %dma_start3A_65 = arith.constant 0 : i32
      %dma_start3A_66 = tpu.memref_slice %arg3[%dma_start3A_65, %mul3A_63] : memref<2x320000xi32, #tpu.memory_space<hbm>> -> memref<2x128xi32, #tpu.memory_space<hbm>>
      tpu.enqueue_dma source(%dma_start3A_66 : memref<2x128xi32, #tpu.memory_space<hbm>>) target(%arg6 : memref<2x128xi32, #tpu.memory_space<vmem>>) target_semaphore(%arg12 : memref<!tpu.dma_semaphore, #tpu.memory_space<semaphore_mem>>)
    } else {
    }
    %lt3A_30 = arith.constant 2500 : i32
    %lt3A_31 = arith.cmpi slt, %add3A, %lt3A_30 : i32
    %convert_element_type3A_32 = arith.extui %lt3A_31 : i1 to i32
    %cond3A_33 = arith.constant 0 : i32
    %cond3A_34 = arith.cmpi ne, %convert_element_type3A_32, %cond3A_33 : i32
    scf.if %cond3A_34 {
      %add3A_60 = arith.constant 0 : i32
      %add3A_61 = arith.addi %add3A, %add3A_60 : i32
      %mul3A_62 = arith.constant 128 : i32
      %mul3A_63 = arith.muli %add3A_61, %mul3A_62 : i32
      %dma_wait3A = arith.constant 0 : i32
      %dma_wait3A_64 = tpu.memref_slice %arg3[%dma_wait3A, %mul3A_63] : memref<2x320000xi32, #tpu.memory_space<hbm>> -> memref<2x128xi32, #tpu.memory_space<hbm>>
      %dma_wait3A_65 = arith.constant 0 : i32
      %dma_wait3A_66 = tpu.memref_slice %arg3[%dma_wait3A_65, %mul3A_63] : memref<2x320000xi32, #tpu.memory_space<hbm>> -> memref<2x128xi32, #tpu.memory_space<hbm>>
      tpu.wait_dma2 semaphore(%arg11 : memref<!tpu.dma_semaphore, #tpu.memory_space<semaphore_mem>>) src(%dma_wait3A_66 : memref<2x128xi32, #tpu.memory_space<hbm>>) dst(%arg5 : memref<2x128xi32, #tpu.memory_space<vmem>>)
      %dma_start3A = arith.constant 0 : i32
      %dma_start3A_67 = arith.constant 0 : i32
      %dma_start3A_68 = tpu.memref_slice %arg5[%dma_start3A, %dma_start3A_67] : memref<2x128xi32, #tpu.memory_space<vmem>> -> memref<1x128xi32, #tpu.memory_space<vmem>>
      %dma_start3A_69 = tpu.memref_squeeze %dma_start3A_68 : memref<1x128xi32, #tpu.memory_space<vmem>> -> memref<128xi32, #tpu.memory_space<vmem>>
      %dma_start3A_70 = arith.constant 0 : i32
      %dma_start3A_71 = arith.constant 0 : i32
      %dma_start3A_72 = tpu.memref_slice %arg2[%dma_start3A_70, %dma_start3A_71] : memref<10000x128xf32, #tpu.memory_space<hbm>> -> memref<10000x128xf32, #tpu.memory_space<hbm>>
      tpu.enqueue_indirect_dma source(%dma_start3A_72 : memref<10000x128xf32, #tpu.memory_space<hbm>>) target(%arg7 : memref<128x128xf32, #tpu.memory_space<vmem>>) offsets(%dma_start3A_69 : memref<128xi32, #tpu.memory_space<vmem>>) semaphore(%arg9 : memref<!tpu.dma_semaphore, #tpu.memory_space<semaphore_mem>>)
    } else {
    }
    %scan3A_35 = arith.constant 0 : i32
    %scan3A_36 = arith.constant 0 : i32
    %scan3A_37 = arith.constant 39 : i32
    %scan3A_38 = arith.addi %scan3A_36, %scan3A_37 : i32
    %scan3A_39 = arith.constant 1 : i32
    %scan3A_40 = scf.for %scan3A_60 = %scan3A_36 to %scan3A_38 step %scan3A_39 iter_args(%scan3A_61 = %scan3A_35) -> (i32)  : i32 {
      %mul3A_62 = arith.constant 2 : i32
      %mul3A_63 = arith.muli %scan3A_60, %mul3A_62 : i32
      %add3A_64 = arith.constant 0 : i32
      %add3A_65 = arith.addi %mul3A_63, %add3A_64 : i32
      %mul3A_66 = arith.constant 32 : i32
      %mul3A_67 = arith.muli %mul3A_66, %add3A_65 : i32
      %add3A_68 = arith.addi %add3A, %mul3A_67 : i32
      %add3A_69 = arith.constant 1 : i32
      %add3A_70 = arith.addi %add3A_65, %add3A_69 : i32
      %lt3A_71 = arith.constant 79 : i32
      %lt3A_72 = arith.cmpi slt, %add3A_70, %lt3A_71 : i32
      %add3A_73 = arith.constant 32 : i32
      %add3A_74 = arith.addi %add3A_68, %add3A_73 : i32
      %lt3A_75 = arith.constant 2500 : i32
      %lt3A_76 = arith.cmpi slt, %add3A_74, %lt3A_75 : i32
      %and3A = arith.andi %lt3A_72, %lt3A_76 : i1
      %add3A_77 = arith.constant 1 : i32
      %add3A_78 = arith.addi %add3A_65, %add3A_77 : i32
      %convert_element_type3A_79 = arith.extui %and3A : i1 to i32
      %cond3A_80 = arith.constant 0 : i32
      %cond3A_81 = arith.cmpi ne, %convert_element_type3A_79, %cond3A_80 : i32
      scf.if %cond3A_81 {
        %mul3A_142 = arith.constant 32 : i32
        %mul3A_143 = arith.muli %mul3A_142, %add3A_78 : i32
        %add3A_144 = arith.addi %add3A, %mul3A_143 : i32
        %mul3A_145 = arith.constant 128 : i32
        %mul3A_146 = arith.muli %add3A_144, %mul3A_145 : i32
        %dma_wait3A = arith.constant 0 : i32
        %dma_wait3A_147 = tpu.memref_slice %arg3[%dma_wait3A, %mul3A_146] : memref<2x320000xi32, #tpu.memory_space<hbm>> -> memref<2x128xi32, #tpu.memory_space<hbm>>
        %dma_wait3A_148 = arith.constant 0 : i32
        %dma_wait3A_149 = tpu.memref_slice %arg3[%dma_wait3A_148, %mul3A_146] : memref<2x320000xi32, #tpu.memory_space<hbm>> -> memref<2x128xi32, #tpu.memory_space<hbm>>
        tpu.wait_dma2 semaphore(%arg12 : memref<!tpu.dma_semaphore, #tpu.memory_space<semaphore_mem>>) src(%dma_wait3A_149 : memref<2x128xi32, #tpu.memory_space<hbm>>) dst(%arg6 : memref<2x128xi32, #tpu.memory_space<vmem>>)
        %dma_start3A = arith.constant 0 : i32
        %dma_start3A_150 = arith.constant 0 : i32
        %dma_start3A_151 = tpu.memref_slice %arg6[%dma_start3A, %dma_start3A_150] : memref<2x128xi32, #tpu.memory_space<vmem>> -> memref<1x128xi32, #tpu.memory_space<vmem>>
        %dma_start3A_152 = tpu.memref_squeeze %dma_start3A_151 : memref<1x128xi32, #tpu.memory_space<vmem>> -> memref<128xi32, #tpu.memory_space<vmem>>
        %dma_start3A_153 = arith.constant 0 : i32
        %dma_start3A_154 = arith.constant 0 : i32
        %dma_start3A_155 = tpu.memref_slice %arg2[%dma_start3A_153, %dma_start3A_154] : memref<10000x128xf32, #tpu.memory_space<hbm>> -> memref<10000x128xf32, #tpu.memory_space<hbm>>
        tpu.enqueue_indirect_dma source(%dma_start3A_155 : memref<10000x128xf32, #tpu.memory_space<hbm>>) target(%arg8 : memref<128x128xf32, #tpu.memory_space<vmem>>) offsets(%dma_start3A_152 : memref<128xi32, #tpu.memory_space<vmem>>) semaphore(%arg10 : memref<!tpu.dma_semaphore, #tpu.memory_space<semaphore_mem>>)
      } else {
      }
      %lt3A_82 = arith.constant 2500 : i32
      %lt3A_83 = arith.cmpi slt, %add3A_68, %lt3A_82 : i32
      %convert_element_type3A_84 = arith.extui %lt3A_83 : i1 to i32
      %cond3A_85 = arith.constant 0 : i32
      %cond3A_86 = arith.cmpi ne, %convert_element_type3A_84, %cond3A_85 : i32
      scf.if %cond3A_86 {
        %dma_wait3A = arith.constant 0 : i32
        %dma_wait3A_142 = arith.constant 0 : i32
        %dma_wait3A_143 = tpu.memref_slice %arg5[%dma_wait3A, %dma_wait3A_142] : memref<2x128xi32, #tpu.memory_space<vmem>> -> memref<1x128xi32, #tpu.memory_space<vmem>>
        %dma_wait3A_144 = tpu.memref_squeeze %dma_wait3A_143 : memref<1x128xi32, #tpu.memory_space<vmem>> -> memref<128xi32, #tpu.memory_space<vmem>>
        %dma_wait3A_145 = arith.constant 0 : i32
        %dma_wait3A_146 = arith.constant 0 : i32
        %dma_wait3A_147 = tpu.memref_slice %arg2[%dma_wait3A_145, %dma_wait3A_146] : memref<10000x128xf32, #tpu.memory_space<hbm>> -> memref<10000x128xf32, #tpu.memory_space<hbm>>
        tpu.wait_indirect_dma semaphore(%arg9 : memref<!tpu.dma_semaphore, #tpu.memory_space<semaphore_mem>>) src(%dma_wait3A_147 : memref<10000x128xf32, #tpu.memory_space<hbm>>) dst(%arg7 : memref<128x128xf32, #tpu.memory_space<vmem>>)
        %run_scoped3A = arith.constant 1 : i32
        "tpu.region"() ({
          %run_scoped3A_148 = tpu.sem_alloc : memref<!tpu.dma_semaphore, #tpu.memory_space<semaphore_mem>>
          %dma_start3A = arith.constant 0 : i32
          %dma_start3A_149 = tpu.memref_slice %arg5[%run_scoped3A, %dma_start3A] : memref<2x128xi32, #tpu.memory_space<vmem>> -> memref<1x128xi32, #tpu.memory_space<vmem>>
          %dma_start3A_150 = tpu.memref_squeeze %dma_start3A_149 : memref<1x128xi32, #tpu.memory_space<vmem>> -> memref<128xi32, #tpu.memory_space<vmem>>
          %dma_start3A_151 = arith.constant 0 : i32
          %dma_start3A_152 = arith.constant 0 : i32
          %dma_start3A_153 = tpu.memref_slice %arg13[%dma_start3A_151, %dma_start3A_152] : memref<10000x128xf32, #tpu.memory_space<vmem_shared>> -> memref<10000x128xf32, #tpu.memory_space<vmem_shared>>
          tpu.enqueue_indirect_dma source(%arg7 : memref<128x128xf32, #tpu.memory_space<vmem>>) target(%dma_start3A_153 : memref<10000x128xf32, #tpu.memory_space<vmem_shared>>) offsets(%dma_start3A_150 : memref<128xi32, #tpu.memory_space<vmem>>) semaphore(%run_scoped3A_148 : memref<!tpu.dma_semaphore, #tpu.memory_space<semaphore_mem>>) {add = true}
          %dma_wait3A_154 = arith.constant 0 : i32
          %dma_wait3A_155 = tpu.memref_slice %arg5[%run_scoped3A, %dma_wait3A_154] : memref<2x128xi32, #tpu.memory_space<vmem>> -> memref<1x128xi32, #tpu.memory_space<vmem>>
          %dma_wait3A_156 = tpu.memref_squeeze %dma_wait3A_155 : memref<1x128xi32, #tpu.memory_space<vmem>> -> memref<128xi32, #tpu.memory_space<vmem>>
          %dma_wait3A_157 = arith.constant 0 : i32
          %dma_wait3A_158 = arith.constant 0 : i32
          %dma_wait3A_159 = tpu.memref_slice %arg13[%dma_wait3A_157, %dma_wait3A_158] : memref<10000x128xf32, #tpu.memory_space<vmem_shared>> -> memref<10000x128xf32, #tpu.memory_space<vmem_shared>>
          tpu.wait_indirect_dma semaphore(%run_scoped3A_148 : memref<!tpu.dma_semaphore, #tpu.memory_space<semaphore_mem>>) src(%arg7 : memref<128x128xf32, #tpu.memory_space<vmem>>) dst(%dma_wait3A_159 : memref<10000x128xf32, #tpu.memory_space<vmem_shared>>)
          tpu.yield
        }) : () -> ()
      } else {
      }
      %add3A_87 = arith.constant 2 : i32
      %add3A_88 = arith.addi %add3A_65, %add3A_87 : i32
      %lt3A_89 = arith.constant 79 : i32
      %lt3A_90 = arith.cmpi slt, %add3A_88, %lt3A_89 : i32
      %add3A_91 = arith.constant 64 : i32
      %add3A_92 = arith.addi %add3A_68, %add3A_91 : i32
      %lt3A_93 = arith.constant 2500 : i32
      %lt3A_94 = arith.cmpi slt, %add3A_92, %lt3A_93 : i32
      %and3A_95 = arith.andi %lt3A_90, %lt3A_94 : i1
      %add3A_96 = arith.constant 2 : i32
      %add3A_97 = arith.addi %add3A_65, %add3A_96 : i32
      %convert_element_type3A_98 = arith.extui %and3A_95 : i1 to i32
      %cond3A_99 = arith.constant 0 : i32
      %cond3A_100 = arith.cmpi ne, %convert_element_type3A_98, %cond3A_99 : i32
      scf.if %cond3A_100 {
        %mul3A_142 = arith.constant 32 : i32
        %mul3A_143 = arith.muli %mul3A_142, %add3A_97 : i32
        %add3A_144 = arith.addi %add3A, %mul3A_143 : i32
        %mul3A_145 = arith.constant 128 : i32
        %mul3A_146 = arith.muli %add3A_144, %mul3A_145 : i32
        %dma_start3A = arith.constant 0 : i32
        %dma_start3A_147 = tpu.memref_slice %arg3[%dma_start3A, %mul3A_146] : memref<2x320000xi32, #tpu.memory_space<hbm>> -> memref<2x128xi32, #tpu.memory_space<hbm>>
        %dma_start3A_148 = arith.constant 0 : i32
        %dma_start3A_149 = tpu.memref_slice %arg3[%dma_start3A_148, %mul3A_146] : memref<2x320000xi32, #tpu.memory_space<hbm>> -> memref<2x128xi32, #tpu.memory_space<hbm>>
        tpu.enqueue_dma source(%dma_start3A_149 : memref<2x128xi32, #tpu.memory_space<hbm>>) target(%arg5 : memref<2x128xi32, #tpu.memory_space<vmem>>) target_semaphore(%arg11 : memref<!tpu.dma_semaphore, #tpu.memory_space<semaphore_mem>>)
      } else {
      }
      %mul3A_101 = arith.constant 2 : i32
      %mul3A_102 = arith.muli %scan3A_60, %mul3A_101 : i32
      %add3A_103 = arith.constant 1 : i32
      %add3A_104 = arith.addi %mul3A_102, %add3A_103 : i32
      %mul3A_105 = arith.constant 32 : i32
      %mul3A_106 = arith.muli %mul3A_105, %add3A_104 : i32
      %add3A_107 = arith.addi %add3A, %mul3A_106 : i32
      %add3A_108 = arith.constant 1 : i32
      %add3A_109 = arith.addi %add3A_104, %add3A_108 : i32
      %lt3A_110 = arith.constant 79 : i32
      %lt3A_111 = arith.cmpi slt, %add3A_109, %lt3A_110 : i32
      %add3A_112 = arith.constant 32 : i32
      %add3A_113 = arith.addi %add3A_107, %add3A_112 : i32
      %lt3A_114 = arith.constant 2500 : i32
      %lt3A_115 = arith.cmpi slt, %add3A_113, %lt3A_114 : i32
      %and3A_116 = arith.andi %lt3A_111, %lt3A_115 : i1
      %add3A_117 = arith.constant 1 : i32
      %add3A_118 = arith.addi %add3A_104, %add3A_117 : i32
      %convert_element_type3A_119 = arith.extui %and3A_116 : i1 to i32
      %cond3A_120 = arith.constant 0 : i32
      %cond3A_121 = arith.cmpi ne, %convert_element_type3A_119, %cond3A_120 : i32
      scf.if %cond3A_121 {
        %mul3A_142 = arith.constant 32 : i32
        %mul3A_143 = arith.muli %mul3A_142, %add3A_118 : i32
        %add3A_144 = arith.addi %add3A, %mul3A_143 : i32
        %mul3A_145 = arith.constant 128 : i32
        %mul3A_146 = arith.muli %add3A_144, %mul3A_145 : i32
        %dma_wait3A = arith.constant 0 : i32
        %dma_wait3A_147 = tpu.memref_slice %arg3[%dma_wait3A, %mul3A_146] : memref<2x320000xi32, #tpu.memory_space<hbm>> -> memref<2x128xi32, #tpu.memory_space<hbm>>
        %dma_wait3A_148 = arith.constant 0 : i32
        %dma_wait3A_149 = tpu.memref_slice %arg3[%dma_wait3A_148, %mul3A_146] : memref<2x320000xi32, #tpu.memory_space<hbm>> -> memref<2x128xi32, #tpu.memory_space<hbm>>
        tpu.wait_dma2 semaphore(%arg11 : memref<!tpu.dma_semaphore, #tpu.memory_space<semaphore_mem>>) src(%dma_wait3A_149 : memref<2x128xi32, #tpu.memory_space<hbm>>) dst(%arg5 : memref<2x128xi32, #tpu.memory_space<vmem>>)
        %dma_start3A = arith.constant 0 : i32
        %dma_start3A_150 = arith.constant 0 : i32
        %dma_start3A_151 = tpu.memref_slice %arg5[%dma_start3A, %dma_start3A_150] : memref<2x128xi32, #tpu.memory_space<vmem>> -> memref<1x128xi32, #tpu.memory_space<vmem>>
        %dma_start3A_152 = tpu.memref_squeeze %dma_start3A_151 : memref<1x128xi32, #tpu.memory_space<vmem>> -> memref<128xi32, #tpu.memory_space<vmem>>
        %dma_start3A_153 = arith.constant 0 : i32
        %dma_start3A_154 = arith.constant 0 : i32
        %dma_start3A_155 = tpu.memref_slice %arg2[%dma_start3A_153, %dma_start3A_154] : memref<10000x128xf32, #tpu.memory_space<hbm>> -> memref<10000x128xf32, #tpu.memory_space<hbm>>
        tpu.enqueue_indirect_dma source(%dma_start3A_155 : memref<10000x128xf32, #tpu.memory_space<hbm>>) target(%arg7 : memref<128x128xf32, #tpu.memory_space<vmem>>) offsets(%dma_start3A_152 : memref<128xi32, #tpu.memory_space<vmem>>) semaphore(%arg9 : memref<!tpu.dma_semaphore, #tpu.memory_space<semaphore_mem>>)
      } else {
      }
      %lt3A_122 = arith.constant 2500 : i32
      %lt3A_123 = arith.cmpi slt, %add3A_107, %lt3A_122 : i32
      %convert_element_type3A_124 = arith.extui %lt3A_123 : i1 to i32
      %cond3A_125 = arith.constant 0 : i32
      %cond3A_126 = arith.cmpi ne, %convert_element_type3A_124, %cond3A_125 : i32
      scf.if %cond3A_126 {
        %dma_wait3A = arith.constant 0 : i32
        %dma_wait3A_142 = arith.constant 0 : i32
        %dma_wait3A_143 = tpu.memref_slice %arg6[%dma_wait3A, %dma_wait3A_142] : memref<2x128xi32, #tpu.memory_space<vmem>> -> memref<1x128xi32, #tpu.memory_space<vmem>>
        %dma_wait3A_144 = tpu.memref_squeeze %dma_wait3A_143 : memref<1x128xi32, #tpu.memory_space<vmem>> -> memref<128xi32, #tpu.memory_space<vmem>>
        %dma_wait3A_145 = arith.constant 0 : i32
        %dma_wait3A_146 = arith.constant 0 : i32
        %dma_wait3A_147 = tpu.memref_slice %arg2[%dma_wait3A_145, %dma_wait3A_146] : memref<10000x128xf32, #tpu.memory_space<hbm>> -> memref<10000x128xf32, #tpu.memory_space<hbm>>
        tpu.wait_indirect_dma semaphore(%arg10 : memref<!tpu.dma_semaphore, #tpu.memory_space<semaphore_mem>>) src(%dma_wait3A_147 : memref<10000x128xf32, #tpu.memory_space<hbm>>) dst(%arg8 : memref<128x128xf32, #tpu.memory_space<vmem>>)
        %run_scoped3A = arith.constant 1 : i32
        "tpu.region"() ({
          %run_scoped3A_148 = tpu.sem_alloc : memref<!tpu.dma_semaphore, #tpu.memory_space<semaphore_mem>>
          %dma_start3A = arith.constant 0 : i32
          %dma_start3A_149 = tpu.memref_slice %arg6[%run_scoped3A, %dma_start3A] : memref<2x128xi32, #tpu.memory_space<vmem>> -> memref<1x128xi32, #tpu.memory_space<vmem>>
          %dma_start3A_150 = tpu.memref_squeeze %dma_start3A_149 : memref<1x128xi32, #tpu.memory_space<vmem>> -> memref<128xi32, #tpu.memory_space<vmem>>
          %dma_start3A_151 = arith.constant 0 : i32
          %dma_start3A_152 = arith.constant 0 : i32
          %dma_start3A_153 = tpu.memref_slice %arg13[%dma_start3A_151, %dma_start3A_152] : memref<10000x128xf32, #tpu.memory_space<vmem_shared>> -> memref<10000x128xf32, #tpu.memory_space<vmem_shared>>
          tpu.enqueue_indirect_dma source(%arg8 : memref<128x128xf32, #tpu.memory_space<vmem>>) target(%dma_start3A_153 : memref<10000x128xf32, #tpu.memory_space<vmem_shared>>) offsets(%dma_start3A_150 : memref<128xi32, #tpu.memory_space<vmem>>) semaphore(%run_scoped3A_148 : memref<!tpu.dma_semaphore, #tpu.memory_space<semaphore_mem>>) {add = true}
          %dma_wait3A_154 = arith.constant 0 : i32
          %dma_wait3A_155 = tpu.memref_slice %arg6[%run_scoped3A, %dma_wait3A_154] : memref<2x128xi32, #tpu.memory_space<vmem>> -> memref<1x128xi32, #tpu.memory_space<vmem>>
          %dma_wait3A_156 = tpu.memref_squeeze %dma_wait3A_155 : memref<1x128xi32, #tpu.memory_space<vmem>> -> memref<128xi32, #tpu.memory_space<vmem>>
          %dma_wait3A_157 = arith.constant 0 : i32
          %dma_wait3A_158 = arith.constant 0 : i32
          %dma_wait3A_159 = tpu.memref_slice %arg13[%dma_wait3A_157, %dma_wait3A_158] : memref<10000x128xf32, #tpu.memory_space<vmem_shared>> -> memref<10000x128xf32, #tpu.memory_space<vmem_shared>>
          tpu.wait_indirect_dma semaphore(%run_scoped3A_148 : memref<!tpu.dma_semaphore, #tpu.memory_space<semaphore_mem>>) src(%arg8 : memref<128x128xf32, #tpu.memory_space<vmem>>) dst(%dma_wait3A_159 : memref<10000x128xf32, #tpu.memory_space<vmem_shared>>)
          tpu.yield
        }) : () -> ()
      } else {
      }
      %add3A_127 = arith.constant 2 : i32
      %add3A_128 = arith.addi %add3A_104, %add3A_127 : i32
      %lt3A_129 = arith.constant 79 : i32
      %lt3A_130 = arith.cmpi slt, %add3A_128, %lt3A_129 : i32
      %add3A_131 = arith.constant 64 : i32
      %add3A_132 = arith.addi %add3A_107, %add3A_131 : i32
      %lt3A_133 = arith.constant 2500 : i32
      %lt3A_134 = arith.cmpi slt, %add3A_132, %lt3A_133 : i32
      %and3A_135 = arith.andi %lt3A_130, %lt3A_134 : i1
      %add3A_136 = arith.constant 2 : i32
      %add3A_137 = arith.addi %add3A_104, %add3A_136 : i32
      %convert_element_type3A_138 = arith.extui %and3A_135 : i1 to i32
      %cond3A_139 = arith.constant 0 : i32
      %cond3A_140 = arith.cmpi ne, %convert_element_type3A_138, %cond3A_139 : i32
      scf.if %cond3A_140 {
        %mul3A_142 = arith.constant 32 : i32
        %mul3A_143 = arith.muli %mul3A_142, %add3A_137 : i32
        %add3A_144 = arith.addi %add3A, %mul3A_143 : i32
        %mul3A_145 = arith.constant 128 : i32
        %mul3A_146 = arith.muli %add3A_144, %mul3A_145 : i32
        %dma_start3A = arith.constant 0 : i32
        %dma_start3A_147 = tpu.memref_slice %arg3[%dma_start3A, %mul3A_146] : memref<2x320000xi32, #tpu.memory_space<hbm>> -> memref<2x128xi32, #tpu.memory_space<hbm>>
        %dma_start3A_148 = arith.constant 0 : i32
        %dma_start3A_149 = tpu.memref_slice %arg3[%dma_start3A_148, %mul3A_146] : memref<2x320000xi32, #tpu.memory_space<hbm>> -> memref<2x128xi32, #tpu.memory_space<hbm>>
        tpu.enqueue_dma source(%dma_start3A_149 : memref<2x128xi32, #tpu.memory_space<hbm>>) target(%arg6 : memref<2x128xi32, #tpu.memory_space<vmem>>) target_semaphore(%arg12 : memref<!tpu.dma_semaphore, #tpu.memory_space<semaphore_mem>>)
      } else {
      }
      %scan3A_141 = arith.constant 0 : i32
      scf.yield %scan3A_141 : i32
    }
    %scan3A_41 = arith.constant 39 : i32
    %add3A_42 = arith.constant 2496 : i32
    %add3A_43 = arith.addi %add3A, %add3A_42 : i32
    %lt3A_44 = arith.constant 2500 : i32
    %lt3A_45 = arith.cmpi slt, %add3A_43, %lt3A_44 : i32
    %convert_element_type3A_46 = arith.extui %lt3A_45 : i1 to i32
    %cond3A_47 = arith.constant 0 : i32
    %cond3A_48 = arith.cmpi ne, %convert_element_type3A_46, %cond3A_47 : i32
    scf.if %cond3A_48 {
      %dma_wait3A = arith.constant 0 : i32
      %dma_wait3A_60 = arith.constant 0 : i32
      %dma_wait3A_61 = tpu.memref_slice %arg5[%dma_wait3A, %dma_wait3A_60] : memref<2x128xi32, #tpu.memory_space<vmem>> -> memref<1x128xi32, #tpu.memory_space<vmem>>
      %dma_wait3A_62 = tpu.memref_squeeze %dma_wait3A_61 : memref<1x128xi32, #tpu.memory_space<vmem>> -> memref<128xi32, #tpu.memory_space<vmem>>
      %dma_wait3A_63 = arith.constant 0 : i32
      %dma_wait3A_64 = arith.constant 0 : i32
      %dma_wait3A_65 = tpu.memref_slice %arg2[%dma_wait3A_63, %dma_wait3A_64] : memref<10000x128xf32, #tpu.memory_space<hbm>> -> memref<10000x128xf32, #tpu.memory_space<hbm>>
      tpu.wait_indirect_dma semaphore(%arg9 : memref<!tpu.dma_semaphore, #tpu.memory_space<semaphore_mem>>) src(%dma_wait3A_65 : memref<10000x128xf32, #tpu.memory_space<hbm>>) dst(%arg7 : memref<128x128xf32, #tpu.memory_space<vmem>>)
      %run_scoped3A = arith.constant 1 : i32
      "tpu.region"() ({
        %run_scoped3A_66 = tpu.sem_alloc : memref<!tpu.dma_semaphore, #tpu.memory_space<semaphore_mem>>
        %dma_start3A = arith.constant 0 : i32
        %dma_start3A_67 = tpu.memref_slice %arg5[%run_scoped3A, %dma_start3A] : memref<2x128xi32, #tpu.memory_space<vmem>> -> memref<1x128xi32, #tpu.memory_space<vmem>>
        %dma_start3A_68 = tpu.memref_squeeze %dma_start3A_67 : memref<1x128xi32, #tpu.memory_space<vmem>> -> memref<128xi32, #tpu.memory_space<vmem>>
        %dma_start3A_69 = arith.constant 0 : i32
        %dma_start3A_70 = arith.constant 0 : i32
        %dma_start3A_71 = tpu.memref_slice %arg13[%dma_start3A_69, %dma_start3A_70] : memref<10000x128xf32, #tpu.memory_space<vmem_shared>> -> memref<10000x128xf32, #tpu.memory_space<vmem_shared>>
        tpu.enqueue_indirect_dma source(%arg7 : memref<128x128xf32, #tpu.memory_space<vmem>>) target(%dma_start3A_71 : memref<10000x128xf32, #tpu.memory_space<vmem_shared>>) offsets(%dma_start3A_68 : memref<128xi32, #tpu.memory_space<vmem>>) semaphore(%run_scoped3A_66 : memref<!tpu.dma_semaphore, #tpu.memory_space<semaphore_mem>>) {add = true}
        %dma_wait3A_72 = arith.constant 0 : i32
        %dma_wait3A_73 = tpu.memref_slice %arg5[%run_scoped3A, %dma_wait3A_72] : memref<2x128xi32, #tpu.memory_space<vmem>> -> memref<1x128xi32, #tpu.memory_space<vmem>>
        %dma_wait3A_74 = tpu.memref_squeeze %dma_wait3A_73 : memref<1x128xi32, #tpu.memory_space<vmem>> -> memref<128xi32, #tpu.memory_space<vmem>>
        %dma_wait3A_75 = arith.constant 0 : i32
        %dma_wait3A_76 = arith.constant 0 : i32
        %dma_wait3A_77 = tpu.memref_slice %arg13[%dma_wait3A_75, %dma_wait3A_76] : memref<10000x128xf32, #tpu.memory_space<vmem_shared>> -> memref<10000x128xf32, #tpu.memory_space<vmem_shared>>
        tpu.wait_indirect_dma semaphore(%run_scoped3A_66 : memref<!tpu.dma_semaphore, #tpu.memory_space<semaphore_mem>>) src(%arg7 : memref<128x128xf32, #tpu.memory_space<vmem>>) dst(%dma_wait3A_77 : memref<10000x128xf32, #tpu.memory_space<vmem_shared>>)
        tpu.yield
      }) : () -> ()
    } else {
    }
    %barrier3A_49 = arith.constant 0 : index
    tpu.barrier barrier_id(%barrier3A_49)
    %lt3A_50 = arith.constant 15 : i32
    %lt3A_51 = arith.cmpi slt, %arg1, %lt3A_50 : i32
    %convert_element_type3A_52 = arith.extui %lt3A_51 : i1 to i32
    %cond3A_53 = arith.constant 0 : i32
    %cond3A_54 = arith.cmpi ne, %convert_element_type3A_52, %cond3A_53 : i32
    scf.if %cond3A_54 {
      "tpu.region"() ({
        %run_scoped3A = tpu.sem_alloc : memref<!tpu.dma_semaphore, #tpu.memory_space<semaphore_mem>>
        %dma_start3A = arith.constant 0 : i32
        %dma_start3A_60 = tpu.memref_slice %arg4[%arg0, %mul3A_2, %dma_start3A] : memref<2x10000x128xf32, #tpu.memory_space<hbm>> -> memref<1x632x128xf32, #tpu.memory_space<hbm>>
        %dma_start3A_61 = tpu.memref_squeeze %dma_start3A_60 : memref<1x632x128xf32, #tpu.memory_space<hbm>> -> memref<632x128xf32, #tpu.memory_space<hbm>>
        %dma_start3A_62 = arith.constant 0 : i32
        %dma_start3A_63 = tpu.memref_slice %arg13[%mul3A_2, %dma_start3A_62] : memref<10000x128xf32, #tpu.memory_space<vmem_shared>> -> memref<632x128xf32, #tpu.memory_space<vmem_shared>>
        tpu.enqueue_dma source(%dma_start3A_63 : memref<632x128xf32, #tpu.memory_space<vmem_shared>>) target(%dma_start3A_61 : memref<632x128xf32, #tpu.memory_space<hbm>>) target_semaphore(%run_scoped3A : memref<!tpu.dma_semaphore, #tpu.memory_space<semaphore_mem>>)
        %dma_wait3A = arith.constant 0 : i32
        %dma_wait3A_64 = tpu.memref_slice %arg4[%arg0, %mul3A_2, %dma_wait3A] : memref<2x10000x128xf32, #tpu.memory_space<hbm>> -> memref<1x632x128xf32, #tpu.memory_space<hbm>>
        %dma_wait3A_65 = tpu.memref_squeeze %dma_wait3A_64 : memref<1x632x128xf32, #tpu.memory_space<hbm>> -> memref<632x128xf32, #tpu.memory_space<hbm>>
        %dma_wait3A_66 = arith.constant 0 : i32
        %dma_wait3A_67 = tpu.memref_slice %arg13[%mul3A_2, %dma_wait3A_66] : memref<10000x128xf32, #tpu.memory_space<vmem_shared>> -> memref<632x128xf32, #tpu.memory_space<vmem_shared>>
        tpu.wait_dma2 semaphore(%run_scoped3A : memref<!tpu.dma_semaphore, #tpu.memory_space<semaphore_mem>>) src(%dma_wait3A_67 : memref<632x128xf32, #tpu.memory_space<vmem_shared>>) dst(%dma_wait3A_65 : memref<632x128xf32, #tpu.memory_space<hbm>>)
        tpu.yield
      }) : () -> ()
    } else {
    }
    %eq3A_55 = arith.constant 15 : i32
    %eq3A_56 = arith.cmpi eq, %arg1, %eq3A_55 : i32
    %convert_element_type3A_57 = arith.extui %eq3A_56 : i1 to i32
    %cond3A_58 = arith.constant 0 : i32
    %cond3A_59 = arith.cmpi ne, %convert_element_type3A_57, %cond3A_58 : i32
    scf.if %cond3A_59 {
      "tpu.region"() ({
        %run_scoped3A = tpu.sem_alloc : memref<!tpu.dma_semaphore, #tpu.memory_space<semaphore_mem>>
        %dma_start3A = arith.constant 0 : i32
        %dma_start3A_60 = tpu.memref_slice %arg4[%arg0, %mul3A_2, %dma_start3A] : memref<2x10000x128xf32, #tpu.memory_space<hbm>> -> memref<1x520x128xf32, #tpu.memory_space<hbm>>
        %dma_start3A_61 = tpu.memref_squeeze %dma_start3A_60 : memref<1x520x128xf32, #tpu.memory_space<hbm>> -> memref<520x128xf32, #tpu.memory_space<hbm>>
        %dma_start3A_62 = arith.constant 0 : i32
        %dma_start3A_63 = tpu.memref_slice %arg13[%mul3A_2, %dma_start3A_62] : memref<10000x128xf32, #tpu.memory_space<vmem_shared>> -> memref<520x128xf32, #tpu.memory_space<vmem_shared>>
        tpu.enqueue_dma source(%dma_start3A_63 : memref<520x128xf32, #tpu.memory_space<vmem_shared>>) target(%dma_start3A_61 : memref<520x128xf32, #tpu.memory_space<hbm>>) target_semaphore(%run_scoped3A : memref<!tpu.dma_semaphore, #tpu.memory_space<semaphore_mem>>)
        %dma_wait3A = arith.constant 0 : i32
        %dma_wait3A_64 = tpu.memref_slice %arg4[%arg0, %mul3A_2, %dma_wait3A] : memref<2x10000x128xf32, #tpu.memory_space<hbm>> -> memref<1x520x128xf32, #tpu.memory_space<hbm>>
        %dma_wait3A_65 = tpu.memref_squeeze %dma_wait3A_64 : memref<1x520x128xf32, #tpu.memory_space<hbm>> -> memref<520x128xf32, #tpu.memory_space<hbm>>
        %dma_wait3A_66 = arith.constant 0 : i32
        %dma_wait3A_67 = tpu.memref_slice %arg13[%mul3A_2, %dma_wait3A_66] : memref<10000x128xf32, #tpu.memory_space<vmem_shared>> -> memref<520x128xf32, #tpu.memory_space<vmem_shared>>
        tpu.wait_dma2 semaphore(%run_scoped3A : memref<!tpu.dma_semaphore, #tpu.memory_space<semaphore_mem>>) src(%dma_wait3A_67 : memref<520x128xf32, #tpu.memory_space<vmem_shared>>) dst(%dma_wait3A_65 : memref<520x128xf32, #tpu.memory_space<hbm>>)
        tpu.yield
      }) : () -> ()
    } else {
    }
    return
  }
}

module attributes {stable_mosaic.version = 14 : i64} {
  func.func @_tc_sage_body(%arg0: i32, %arg1: memref<2x1000x128xf32, #tpu.memory_space<vmem>>, %arg2: memref<1000x2xf32, #tpu.memory_space<vmem>>, %arg3: memref<1000x128xf32, #tpu.memory_space<vmem>>, %arg4: memref<128x128xf32, #tpu.memory_space<vmem>>, %arg5: memref<1x128xf32, #tpu.memory_space<vmem>>, %arg6: memref<128x128xf32, #tpu.memory_space<vmem>>, %arg7: memref<1000x128xf32, #tpu.memory_space<vmem>>) attributes {dimension_semantics = [#tpu.dimension_semantics<arbitrary>], iteration_bounds = array<i64: 10>, scalar_prefetch = 0 : i64, scratch_operands = 0 : i64, tpu.core_type = #tpu.core_type<tc>, window_params = [{transform_indices = @transform_0, window_bounds = array<i64: 2, 1000, 128>}, {transform_indices = @transform_1, window_bounds = array<i64: 1000, 2>}, {transform_indices = @transform_2, window_bounds = array<i64: 1000, 128>}, {pipeline_mode = #tpu.pipeline_mode<synchronous>, transform_indices = @transform_3, window_bounds = array<i64: 128, 128>}, {pipeline_mode = #tpu.pipeline_mode<synchronous>, transform_indices = @transform_4, window_bounds = array<i64: 1, 128>}, {pipeline_mode = #tpu.pipeline_mode<synchronous>, transform_indices = @transform_5, window_bounds = array<i64: 128, 128>}, {transform_indices = @transform_6, window_bounds = array<i64: 1000, 128>}]} {
    %get3A = arith.constant 0 : index
    %get3A_0 = arith.constant 0 : index
    %get3A_1 = arith.constant 0 : index
    %get3A_2 = vector.load %arg1[%get3A, %get3A_0, %get3A_1] : memref<2x1000x128xf32, #tpu.memory_space<vmem>>, vector<1x1000x128xf32>
    %get3A_3 = vector.shape_cast %get3A_2 : vector<1x1000x128xf32> to vector<1000x128xf32>
    %get3A_4 = arith.constant 1 : index
    %get3A_5 = arith.constant 0 : index
    %get3A_6 = arith.constant 0 : index
    %get3A_7 = vector.load %arg1[%get3A_4, %get3A_5, %get3A_6] : memref<2x1000x128xf32, #tpu.memory_space<vmem>>, vector<1x1000x128xf32>
    %get3A_8 = vector.shape_cast %get3A_7 : vector<1x1000x128xf32> to vector<1000x128xf32>
    %add3A = arith.addf %get3A_3, %get3A_8 : vector<1000x128xf32>
    %get3A_9 = arith.constant 0 : index
    %get3A_10 = arith.constant 0 : index
    %get3A_11 = vector.load %arg2[%get3A_9, %get3A_10] : memref<1000x2xf32, #tpu.memory_space<vmem>>, vector<1000x1xf32>
    %get3A_12 = vector.shape_cast %get3A_11 : vector<1000x1xf32> to vector<1000xf32>
    %get3A_13 = arith.constant 0 : index
    %get3A_14 = arith.constant 1 : index
    %get3A_15 = vector.load %arg2[%get3A_13, %get3A_14] : memref<1000x2xf32, #tpu.memory_space<vmem>>, vector<1000x1xf32>
    %get3A_16 = vector.shape_cast %get3A_15 : vector<1000x1xf32> to vector<1000xf32>
    %add3A_17 = arith.addf %get3A_12, %get3A_16 : vector<1000xf32>
    %broadcast_in_dim3A = vector.shape_cast %add3A_17 : vector<1000xf32> to vector<1000x1xf32>
    %max3A = arith.constant 1.000000e+00 : f32
    %max3A_18 = vector.broadcast %max3A : f32 to vector<1000x1xf32>
    %max3A_19 = arith.maximumf %broadcast_in_dim3A, %max3A_18 : vector<1000x1xf32>
    %div3A = vector.broadcast %max3A_19 : vector<1000x1xf32> to vector<1000x128xf32>
    %div3A_20 = arith.divf %add3A, %div3A : vector<1000x128xf32>
    %get3A_21 = arith.constant 0 : index
    %get3A_22 = arith.constant 0 : index
    %get3A_23 = vector.load %arg4[%get3A_21, %get3A_22] : memref<128x128xf32, #tpu.memory_space<vmem>>, vector<128x128xf32>
    %dot_general3A = arith.constant dense<0.000000e+00> : vector<1000x128xf32>
    %dot_general3A_24 = tpu.matmul %div3A_20, %get3A_23, %dot_general3A {dimension_numbers = #tpu.dot_dimension_numbers<[1], [1], [0], [0], [0, 0, 1, 0], [], []>, transpose_lhs_hint = false} : vector<1000x128xf32>, vector<128x128xf32>, vector<1000x128xf32> -> vector<1000x128xf32>
    %get3A_25 = arith.constant 0 : index
    %get3A_26 = arith.constant 0 : index
    %get3A_27 = vector.load %arg5[%get3A_25, %get3A_26] : memref<1x128xf32, #tpu.memory_space<vmem>>, vector<1x128xf32>
    %add3A_28 = vector.broadcast %get3A_27 : vector<1x128xf32> to vector<1000x128xf32>
    %add3A_29 = arith.addf %dot_general3A_24, %add3A_28 : vector<1000x128xf32>
    %get3A_30 = arith.constant 0 : index
    %get3A_31 = arith.constant 0 : index
    %get3A_32 = vector.load %arg3[%get3A_30, %get3A_31] : memref<1000x128xf32, #tpu.memory_space<vmem>>, vector<1000x128xf32>
    %get3A_33 = arith.constant 0 : index
    %get3A_34 = arith.constant 0 : index
    %get3A_35 = vector.load %arg6[%get3A_33, %get3A_34] : memref<128x128xf32, #tpu.memory_space<vmem>>, vector<128x128xf32>
    %dot_general3A_36 = arith.constant dense<0.000000e+00> : vector<1000x128xf32>
    %dot_general3A_37 = tpu.matmul %get3A_32, %get3A_35, %dot_general3A_36 {dimension_numbers = #tpu.dot_dimension_numbers<[1], [1], [0], [0], [0, 0, 1, 0], [], []>, transpose_lhs_hint = false} : vector<1000x128xf32>, vector<128x128xf32>, vector<1000x128xf32> -> vector<1000x128xf32>
    %add3A_38 = arith.addf %add3A_29, %dot_general3A_37 : vector<1000x128xf32>
    %swap3A = arith.constant 0 : index
    %swap3A_39 = arith.constant 0 : index
    %swap3A_40 = vector.load %arg7[%swap3A, %swap3A_39] : memref<1000x128xf32, #tpu.memory_space<vmem>>, vector<1000x128xf32>
    tpu.vector_store %arg7[%swap3A, %swap3A_39], %add3A_38 {strides = array<i32>} : memref<1000x128xf32, #tpu.memory_space<vmem>>, vector<1000x128xf32>,
    return
  }
  func.func @transform_0(%arg0: i32) -> (i32, i32, i32) {
    %c0_i32 = arith.constant 0 : i32
    %c0_i32_0 = arith.constant 0 : i32
    %c0_i32_1 = arith.constant 0 : i32
    return %c0_i32, %arg0, %c0_i32_0 : i32, i32, i32
  }
  func.func @transform_1(%arg0: i32) -> (i32, i32) {
    %c0_i32 = arith.constant 0 : i32
    %c0_i32_0 = arith.constant 0 : i32
    return %arg0, %c0_i32 : i32, i32
  }
  func.func @transform_2(%arg0: i32) -> (i32, i32) {
    %c0_i32 = arith.constant 0 : i32
    %c0_i32_0 = arith.constant 0 : i32
    return %arg0, %c0_i32 : i32, i32
  }
  func.func @transform_3(%arg0: i32) -> (i32, i32) {
    %c0_i32 = arith.constant 0 : i32
    %c0_i32_0 = arith.constant 0 : i32
    %c0_i32_1 = arith.constant 0 : i32
    return %c0_i32, %c0_i32_0 : i32, i32
  }
  func.func @transform_4(%arg0: i32) -> (i32, i32) {
    %c0_i32 = arith.constant 0 : i32
    %c0_i32_0 = arith.constant 0 : i32
    %c0_i32_1 = arith.constant 0 : i32
    return %c0_i32, %c0_i32_0 : i32, i32
  }
  func.func @transform_5(%arg0: i32) -> (i32, i32) {
    %c0_i32 = arith.constant 0 : i32
    %c0_i32_0 = arith.constant 0 : i32
    %c0_i32_1 = arith.constant 0 : i32
    return %c0_i32, %c0_i32_0 : i32, i32
  }
  func.func @transform_6(%arg0: i32) -> (i32, i32) {
    %c0_i32 = arith.constant 0 : i32
    %c0_i32_0 = arith.constant 0 : i32
    return %arg0, %c0_i32 : i32, i32
  }
}

module attributes {stable_mosaic.version = 14 : i64} {
  func.func @_tc_sage_body(%arg0: i32, %arg1: memref<2x1000x128xf32, #tpu.memory_space<vmem>>, %arg2: memref<1000x2xf32, #tpu.memory_space<vmem>>, %arg3: memref<1000x128xf32, #tpu.memory_space<vmem>>, %arg4: memref<128x128xf32, #tpu.memory_space<vmem>>, %arg5: memref<1x128xf32, #tpu.memory_space<vmem>>, %arg6: memref<128x128xf32, #tpu.memory_space<vmem>>, %arg7: memref<1000x128xf32, #tpu.memory_space<vmem>>) attributes {dimension_semantics = [#tpu.dimension_semantics<arbitrary>], iteration_bounds = array<i64: 10>, scalar_prefetch = 0 : i64, scratch_operands = 0 : i64, tpu.core_type = #tpu.core_type<tc>, window_params = [{transform_indices = @transform_0, window_bounds = array<i64: 2, 1000, 128>}, {transform_indices = @transform_1, window_bounds = array<i64: 1000, 2>}, {transform_indices = @transform_2, window_bounds = array<i64: 1000, 128>}, {pipeline_mode = #tpu.pipeline_mode<synchronous>, transform_indices = @transform_3, window_bounds = array<i64: 128, 128>}, {pipeline_mode = #tpu.pipeline_mode<synchronous>, transform_indices = @transform_4, window_bounds = array<i64: 1, 128>}, {pipeline_mode = #tpu.pipeline_mode<synchronous>, transform_indices = @transform_5, window_bounds = array<i64: 128, 128>}, {transform_indices = @transform_6, window_bounds = array<i64: 1000, 128>}]} {
    %get3A = arith.constant 0 : index
    %get3A_0 = arith.constant 0 : index
    %get3A_1 = arith.constant 0 : index
    %get3A_2 = vector.load %arg1[%get3A, %get3A_0, %get3A_1] : memref<2x1000x128xf32, #tpu.memory_space<vmem>>, vector<1x1000x128xf32>
    %get3A_3 = vector.shape_cast %get3A_2 : vector<1x1000x128xf32> to vector<1000x128xf32>
    %get3A_4 = arith.constant 1 : index
    %get3A_5 = arith.constant 0 : index
    %get3A_6 = arith.constant 0 : index
    %get3A_7 = vector.load %arg1[%get3A_4, %get3A_5, %get3A_6] : memref<2x1000x128xf32, #tpu.memory_space<vmem>>, vector<1x1000x128xf32>
    %get3A_8 = vector.shape_cast %get3A_7 : vector<1x1000x128xf32> to vector<1000x128xf32>
    %add3A = arith.addf %get3A_3, %get3A_8 : vector<1000x128xf32>
    %get3A_9 = arith.constant 0 : index
    %get3A_10 = arith.constant 0 : index
    %get3A_11 = vector.load %arg2[%get3A_9, %get3A_10] : memref<1000x2xf32, #tpu.memory_space<vmem>>, vector<1000x1xf32>
    %get3A_12 = vector.shape_cast %get3A_11 : vector<1000x1xf32> to vector<1000xf32>
    %get3A_13 = arith.constant 0 : index
    %get3A_14 = arith.constant 1 : index
    %get3A_15 = vector.load %arg2[%get3A_13, %get3A_14] : memref<1000x2xf32, #tpu.memory_space<vmem>>, vector<1000x1xf32>
    %get3A_16 = vector.shape_cast %get3A_15 : vector<1000x1xf32> to vector<1000xf32>
    %add3A_17 = arith.addf %get3A_12, %get3A_16 : vector<1000xf32>
    %broadcast_in_dim3A = vector.shape_cast %add3A_17 : vector<1000xf32> to vector<1000x1xf32>
    %max3A = arith.constant 1.000000e+00 : f32
    %max3A_18 = vector.broadcast %max3A : f32 to vector<1000x1xf32>
    %max3A_19 = arith.maximumf %broadcast_in_dim3A, %max3A_18 : vector<1000x1xf32>
    %div3A = vector.broadcast %max3A_19 : vector<1000x1xf32> to vector<1000x128xf32>
    %div3A_20 = arith.divf %add3A, %div3A : vector<1000x128xf32>
    %get3A_21 = arith.constant 0 : index
    %get3A_22 = arith.constant 0 : index
    %get3A_23 = vector.load %arg4[%get3A_21, %get3A_22] : memref<128x128xf32, #tpu.memory_space<vmem>>, vector<128x128xf32>
    %dot_general3A = arith.constant dense<0.000000e+00> : vector<1000x128xf32>
    %dot_general3A_24 = tpu.matmul %div3A_20, %get3A_23, %dot_general3A {dimension_numbers = #tpu.dot_dimension_numbers<[1], [1], [0], [0], [0, 0, 1, 0], [], []>, transpose_lhs_hint = false} : vector<1000x128xf32>, vector<128x128xf32>, vector<1000x128xf32> -> vector<1000x128xf32>
    %get3A_25 = arith.constant 0 : index
    %get3A_26 = arith.constant 0 : index
    %get3A_27 = vector.load %arg5[%get3A_25, %get3A_26] : memref<1x128xf32, #tpu.memory_space<vmem>>, vector<1x128xf32>
    %add3A_28 = vector.broadcast %get3A_27 : vector<1x128xf32> to vector<1000x128xf32>
    %add3A_29 = arith.addf %dot_general3A_24, %add3A_28 : vector<1000x128xf32>
    %get3A_30 = arith.constant 0 : index
    %get3A_31 = arith.constant 0 : index
    %get3A_32 = vector.load %arg3[%get3A_30, %get3A_31] : memref<1000x128xf32, #tpu.memory_space<vmem>>, vector<1000x128xf32>
    %get3A_33 = arith.constant 0 : index
    %get3A_34 = arith.constant 0 : index
    %get3A_35 = vector.load %arg6[%get3A_33, %get3A_34] : memref<128x128xf32, #tpu.memory_space<vmem>>, vector<128x128xf32>
    %dot_general3A_36 = arith.constant dense<0.000000e+00> : vector<1000x128xf32>
    %dot_general3A_37 = tpu.matmul %get3A_32, %get3A_35, %dot_general3A_36 {dimension_numbers = #tpu.dot_dimension_numbers<[1], [1], [0], [0], [0, 0, 1, 0], [], []>, transpose_lhs_hint = false} : vector<1000x128xf32>, vector<128x128xf32>, vector<1000x128xf32> -> vector<1000x128xf32>
    %add3A_38 = arith.addf %add3A_29, %dot_general3A_37 : vector<1000x128xf32>
    %max3A_39 = arith.constant 0.000000e+00 : f32
    %max3A_40 = vector.broadcast %max3A_39 : f32 to vector<1000x128xf32>
    %max3A_41 = arith.maximumf %add3A_38, %max3A_40 : vector<1000x128xf32>
    %swap3A = arith.constant 0 : index
    %swap3A_42 = arith.constant 0 : index
    %swap3A_43 = vector.load %arg7[%swap3A, %swap3A_42] : memref<1000x128xf32, #tpu.memory_space<vmem>>, vector<1000x128xf32>
    tpu.vector_store %arg7[%swap3A, %swap3A_42], %max3A_41 {strides = array<i32>} : memref<1000x128xf32, #tpu.memory_space<vmem>>, vector<1000x128xf32>,
    return
  }
  func.func @transform_0(%arg0: i32) -> (i32, i32, i32) {
    %c0_i32 = arith.constant 0 : i32
    %c0_i32_0 = arith.constant 0 : i32
    %c0_i32_1 = arith.constant 0 : i32
    return %c0_i32, %arg0, %c0_i32_0 : i32, i32, i32
  }
  func.func @transform_1(%arg0: i32) -> (i32, i32) {
    %c0_i32 = arith.constant 0 : i32
    %c0_i32_0 = arith.constant 0 : i32
    return %arg0, %c0_i32 : i32, i32
  }
  func.func @transform_2(%arg0: i32) -> (i32, i32) {
    %c0_i32 = arith.constant 0 : i32
    %c0_i32_0 = arith.constant 0 : i32
    return %arg0, %c0_i32 : i32, i32
  }
  func.func @transform_3(%arg0: i32) -> (i32, i32) {
    %c0_i32 = arith.constant 0 : i32
    %c0_i32_0 = arith.constant 0 : i32
    %c0_i32_1 = arith.constant 0 : i32
    return %c0_i32, %c0_i32_0 : i32, i32
  }
  func.func @transform_4(%arg0: i32) -> (i32, i32) {
    %c0_i32 = arith.constant 0 : i32
    %c0_i32_0 = arith.constant 0 : i32
    %c0_i32_1 = arith.constant 0 : i32
    return %c0_i32, %c0_i32_0 : i32, i32
  }
  func.func @transform_5(%arg0: i32) -> (i32, i32) {
    %c0_i32 = arith.constant 0 : i32
    %c0_i32_0 = arith.constant 0 : i32
    %c0_i32_1 = arith.constant 0 : i32
    return %c0_i32, %c0_i32_0 : i32, i32
  }
  func.func @transform_6(%arg0: i32) -> (i32, i32) {
    %c0_i32 = arith.constant 0 : i32
    %c0_i32_0 = arith.constant 0 : i32
    return %arg0, %c0_i32 : i32, i32
  }
}

</mosaic_0001>

<sc_bundles>
// kernel: kernel.6.cloned.1.call-start
scs
__scs_entry_jumppad:
0x0: {  	(pc) =	sbr.rel $0x88, $3  }
0x1: {  	(tag) =	ssettag $0x0;
	lr =	simm.s32 $0x1  }
0x2: {  	[smem:$0x3F99] =	sst lr;
	_ =	strace $0xD0000000  }
0x3: {  	_ = 	snop  }
0x4: {  	_ = 	snop  }
0x5: {  	_ = 	snop  }
0x6: {  	_ = 	snop  }
0x7: {  	_ = 	snop  }
__scs_overlays_trampoline_lowered:
0x8: {  	[smem:$0x3FA8] =	sst s0  }
0x9: {  	[smem:$0x3FA9] =	sst s1  }
0xa: {  	[smem:$0x3FAA] =	sst s2  }
0xb: {  	[smem:$0x3FAB] =	sst s3  }
0xc: {  	[smem:$0x3FAC] =	sst s4  }
0xd: {  	[smem:$0x3FAD] =	sst s5  }
0xe: {  	[smem:$0x3FAE] =	sst s6  }
0xf: {  	[smem:$0x3FAF] =	sst s7  }
0x10: {  	[smem:$0x3FB0] =	sst s8  }
0x11: {  	[smem:$0x3FB1] =	sst s9;
	s0 =	simm.s32 @!p0 $0x0  }
0x12: {  	s1 =	sld [smem:$0x3F97];
	s0 =	simm.s32 @p0 $0x1  }
0x13: {  	[smem:$0x3FB2] =	sst s0;
	s0 =	simm.s32 @!p1 $0x0  }
0x14: {  	s2 =	sld [smem:$0x3F96];
	s0 =	simm.s32 @p1 $0x1  }
0x15: {  	[smem:$0x3FB3] =	sst s0;
	s0 =	simm.s32 @!p2 $0x0  }
0x16: {  	s3 =	sld [smem:$0x3FDB];
	s0 =	simm.s32 @p2 $0x1  }
0x17: {  	s4 =	simm.s32 $0x1BF5;
	[smem:$0x3FB5] =	sst s0  }
0x18: {  	s0 =	sld [smem:$0x3F98];
	_ =	swait.ge [sflag:s4], $0x0  }
0x19: {  	s7 =	sld [smem:$0x3F99]  }
0x1a: {  	s8 =	sadd.s32 $0xFFFFE003, lr  }
0x1b: {  	s9 =	sadd.s32 $0xFFFFFEF7, lr;
	s5 =	simm.s32 $0xFFFFFFFF;
	p2 =	slt.u32 s8, $0xFFFFF086  }
0x1c: {  	p1 =	slt.u32 s9, $0xF7A;
	s5 =	simm.s32 @!p2 $0x0  }
0x1d: {  	s5 =	simm.s32 @p1 $0x1;
	p0 =	seq.s32 s7, s2  }
0x1e: {  	s7 =	smul.u32 @!p0 $0xF7A, s2;
	p2 =	seq.s32 @!p0 s5, $0x0  }
0x1f: {  	s9 =	smul.u32 $0xF7A, s1;
	s8 =	simm.s32 @!p0 $0x1BF5;
	p2 =	por !p2, p0  }
0x20: {  	[sflag:s8] =	ssyncset.s32 @!p0 $0xFFFFF086;
	s6 =	sadd.s32 @!p0 s3, s7;
	s7 =	simm.s32 @!p0 $0x108  }
0x21: {  	s3 =	sadd.s32 s3, s9;
	s6 =	sadd.s32 @!p0 $0x88, s6;
	s7 =	simm.s32 @p2 $0x1082  }
0x22: {  	[simem:s7], [sflag:s8] =	dma.local @!p0 [hbm:s6], $0xF7A  }
0x23: {  	s9 =	sor.u32 $0xD0000000, s2;
	s6 =	simm.s32 $0x108;
	_ =	swait.ge @!p0 [sflag:s8], $0x0  }
0x24: {  	s3 =	sadd.s32 $0x88, s3;
	s6 =	simm.s32 @!p1 $0x1082;
	[sflag:s4] =	ssyncset.s32 $0xFFFFF086  }
0x25: {  	[simem:s6], [sflag:s4] =	dma.local [hbm:s3], $0xF7A  }
0x26: {  	[smem:$0x3F99] =	sst s1;
	(tag) =	ssettag s2;
	_ =	strace s9  }
0x27: {  	s1 =	sld [smem:$0x3FA9]  }
0x28: {  	s2 =	sld [smem:$0x3FAA]  }
0x29: {  	s4 =	sld [smem:$0x3FAC]  }
0x2a: {  	p0 =	seq.s32 s5, $0x0;
	s5 =	sld [smem:$0x3FAD]  }
0x2b: {  	s6 =	sld [smem:$0x3FAE]  }
0x2c: {  	s7 =	sld [smem:$0x3FAF]  }
0x2d: {  	s3 =	simm.s32 $0x108;
	s8 =	sld [smem:$0x3FB0]  }
0x2e: {  	s3 =	simm.s32 @!p0 $0x1082;
	s9 =	sld [smem:$0x3FB1]  }
0x2f: {  	lr =	sadd.s32 s0, s3;
	s0 =	sld [smem:$0x3FA8]  }
0x30: {  	s3 =	sld [smem:$0x3FAB]  }
0x31: {  	[smem:$0x3FB4] =	sst s10  }
0x32: {  	s10 =	sld [smem:$0x3FB2];
	_ =	sdelay $0x3  }
0x33: {  	p0 =	seq.s32 s10, $0x1;
	s10 =	sld [smem:$0x3FB4];
	_ =	sdelay $0x3  }
0x34: {  	[smem:$0x3FB4] =	sst s10  }
0x35: {  	s10 =	sld [smem:$0x3FB3];
	_ =	sdelay $0x3  }
0x36: {  	p1 =	seq.s32 s10, $0x1;
	s10 =	sld [smem:$0x3FB4];
	_ =	sdelay $0x3  }
0x37: {  	[smem:$0x3FB4] =	sst s10  }
0x38: {  	s10 =	sld [smem:$0x3FB5]  }
0x39: {  	_ = 	snop;
	(pc) =	sbr.ind lr, $3  }
0x3a: {  	_ = 	snop  }
0x3b: {  	_ = 	snop  }
0x3c: {  	p2 =	seq.s32 s10, $0x1;
	s10 =	sld [smem:$0x3FB4]  }
0x3d: {  	_ =	shalt  }
0x3e: {  	_ =	shalt  }
0x3f: {  	_ =	shalt  }
0x40: {  	_ =	shalt  }
0x41: {  	_ =	shalt  }
0x42: {  	_ =	shalt  }
0x43: {  	_ =	shalt  }
0x44: {  	_ =	shalt  }
0x45: {  	_ =	shalt  }
0x46: {  	_ =	shalt  }
0x47: {  	_ =	shalt  }
0x48: {  	_ =	shalt  }
0x49: {  	_ =	shalt  }
0x4a: {  	_ =	shalt  }
0x4b: {  	_ =	shalt  }
0x4c: {  	_ =	shalt  }
0x4d: {  	_ =	shalt  }
0x4e: {  	_ =	shalt  }
0x4f: {  	_ =	shalt  }
0x50: {  	_ =	shalt  }
0x51: {  	_ =	shalt  }
0x52: {  	_ =	shalt  }
0x53: {  	_ =	shalt  }
0x54: {  	_ =	shalt  }
0x55: {  	_ =	shalt  }
0x56: {  	_ =	shalt  }
0x57: {  	_ =	shalt  }
0x58: {  	_ =	shalt  }
0x59: {  	_ =	shalt  }
0x5a: {  	_ =	shalt  }
0x5b: {  	_ =	shalt  }
0x5c: {  	_ =	shalt  }
0x5d: {  	_ =	shalt  }
0x5e: {  	_ =	shalt  }
0x5f: {  	_ =	shalt  }
0x60: {  	_ =	shalt  }
0x61: {  	_ =	shalt  }
0x62: {  	_ =	shalt  }
0x63: {  	_ =	shalt  }
0x64: {  	_ =	shalt  }
0x65: {  	_ =	shalt  }
0x66: {  	_ =	shalt  }
0x67: {  	_ =	shalt  }
0x68: {  	_ =	shalt  }
0x69: {  	_ =	shalt  }
0x6a: {  	_ =	shalt  }
0x6b: {  	_ =	shalt  }
0x6c: {  	_ =	shalt  }
0x6d: {  	_ =	shalt  }
0x6e: {  	_ =	shalt  }
0x6f: {  	_ =	shalt  }
0x70: {  	_ =	shalt  }
0x71: {  	_ =	shalt  }
0x72: {  	_ =	shalt  }
0x73: {  	_ =	shalt  }
0x74: {  	_ =	shalt  }
0x75: {  	_ =	shalt  }
0x76: {  	_ =	shalt  }
0x77: {  	_ =	shalt  }
0x78: {  	_ =	shalt  }
0x79: {  	_ =	shalt  }
0x7a: {  	_ =	shalt  }
0x7b: {  	_ =	shalt  }
0x7c: {  	_ =	shalt  }
0x7d: {  	_ =	shalt  }
0x7e: {  	_ =	shalt  }
0x7f: {  	_ =	shalt  }
0x80: {  	_ =	shalt  }
0x81: {  	_ =	shalt  }
0x82: {  	_ =	shalt  }
0x83: {  	_ =	shalt  }
0x84: {  	_ =	shalt  }
0x85: {  	_ =	shalt  }
0x86: {  	_ =	shalt  }
0x87: {  	_ =	shalt  }
.Lfunc_end0:
.L_simem_size_0:
called_computation_lowered:
.L_overlay_start_0:
0x88: {  	s2 =	sld [smem:$0x3FD9]  }
0x89: {  	s3 =	sld [smem:$0x3FFE];
	_ =	sdelay $0x1  }
0x8a: {  	s1 =	srdreg.scid  }
0x8b: {  	s0 =	sand.u32 $0x1, s1  }
0x8c: {  	s17 =	sshll.u32 s0, $0xA;
	s2 =	sadd.s32 s3, s2  }
0x8d: {  	s2 =	sadd.s32 s2, s17  }
0x8e: {  	[smem:$0x3FC0] =	sst s2  }
0x8f: {  	_ = 	snop  }
0x90: {  	s2 =	sld [smem:$0x3FC9]  }
0x91: {  	s18 =	sld [smem:$0x3FC8]  }
0x92: {  	s4 =	sld [smem:$0x3FD0];
	(tm) =	ssettm $0x1  }
0x93: {  	s5 =	sld [smem:$0x3FFB];
	_ =	sdelay $0x3  }
0x94: {  	_ =	strace s5  }
0x95: {  	s5 =	sld [smem:$0x3FFC];
	_ =	sdelay $0x3  }
0x96: {  	_ =	strace s5  }
0x97: {  	s5 =	sld [smem:$0x3FFD];
	_ =	sdelay $0x3  }
0x98: {  	_ =	strace s5  }
0x99: {  	_ =	strace $0x8FFFFFFF  }
0x9a: {  	s19 =	sld [smem:$0x3FDB];
	_ =	sdelay $0x1  }
0x9b: {  	s6 =	simm.s32 $_scs_section_size  }
0x9c: {  	s7 =	simm.s32 $_size__tile_overlayer_lowered;
	s8 =	simm.s32 $_tile_overlayer_lowered  }
0x9d: {  	s22 =	simm.s32 $0x1BFF;
	s21 =	sshll.u32 s8, $0x1;
	s5 =	sadd.s32 s6, s19  }
0x9e: {  	s9 =	simm.s32 $0x0;
	s20 =	sshll.u32 s7, $0x1;
	s7 =	sadd.s32 s21, s5  }
0x9f: {  	[timem:s9], [sflag:s22] =	dma.local [hbm:s7], s20  }
0xa0: {  	_ =	swait.ge [sflag:s22], s20  }
0xa1: {  	s6 =	ssub.s32 $0x0, s20;
	[sflag:s22] =	ssyncset.done $0x0  }
0xa2: {  	[sflag:s22] =	ssyncadd.s32 s6;
	_ =	sdelay $0x1  }
0xa3: {  	s23 =	simm.s32 $0x1B8B  }
0xa4: {  	_ =	swait.ge [sflag:s23], $0x1  }
0xa5: {  	[sflag:s23] =	ssyncset.done $0x0  }
0xa6: {  	s25 =	simm.s32 $0x1B8E;
	s24 =	sld [smem:$0x3FFE];
	[sflag:s23] =	ssyncadd.s32 $0xFFFFFFFF  }
0xa7: {  	s26 =	simm.s32 $execute0_lowered;
	[smem:$0x3FD2] =	sst s25  }
0xa8: {  	s7 =	sshll.u32 s26, $0x1;
	_ =	strace $0x80000046;
	[dreg:$0x1] =	wrdreg $0xFFFFFFFF  }
0xa9: {  	s28 =	simm.s32 $_size_execute0_lowered;
	s5 =	sadd.s32 s5, s7;
	[dreg:$0x0] =	wrdreg $0x0  }
0xaa: {  	s7 =	sshll.u32 s28, $0x1;
	[dreg:$0x2] =	wrdreg s5  }
0xab: {  	[dreg:$0x3] =	wrdreg s7  }
0xac: {  	[dreg:$0x4] =	wrdreg $0xC0  }
0xad: {  	_ =	task [dreg:s9], $0x5FFFF  }
0xae: {  	[dreg:$0x1] =	wrdreg $0xFFFFFFFF  }
0xaf: {  	[dreg:$0x0] =	wrdreg $0x60  }
0xb0: {  	[dreg:$0x2] =	wrdreg s2  }
0xb1: {  	[dreg:$0x3] =	wrdreg s18  }
0xb2: {  	[dreg:$0x4] =	wrdreg s24  }
0xb3: {  	[dreg:$0x5] =	wrdreg s4  }
0xb4: {  	[dreg:$0x6] =	wrdreg $0x85000  }
0xb5: {  	[dreg:$0x7] =	wrdreg $0x1BD800  }
0xb6: {  	[dreg:$0x8] =	wrdreg $0x9  }
0xb7: {  	_ =	task.clear_ibuf [dreg:s9], $0x9FFFF;
	_ =	strace $0x90000046  }
0xb8: {  	s29 =	simm.s32 $0x9;
	_ =	strace $0x80000048  }
0xb9: {  	_ =	swait.ge [sflag:s29], $0x1  }
0xba: {  	[sflag:s29] =	ssyncadd.s32 $0xFFFFFFFF  }
0xbb: {  	_ =	strace $0x90000048  }
0xbc: {  	_ =	sfence  }
0xbd: {  	s30 =	sld [smem:$0x0];
	_ =	sdelay $0x2  }
0xbe: {  	s31 =	sshll.u32 s1, $0xD;
	s1 =	sshrl.u32 s1, $0x2  }
0xbf: {  	s3 =	sand.u32 $0x4000, s31;
	s1 =	sadd.s32 s1, s30  }
0xc0: {  	s0 =	sor.u32 s3, s0;
	s1 =	sshll.u32 s1, $0x11  }
0xc1: {  	s0 =	sor.u32 s1, s0  }
0xc2: {  	s0 =	sadd.s32 $0x8F2B, s0  }
0xc3: {  	[sflag:s0] =	ssyncadd.remote.s32 $0x1  }
0xc4: {  	_ =	sfence.sel $0xFFFF  }
0xc5: {  	[dreg:$0x0] =	wrdreg $0xFFFFFFFF;
	(pc) =	sbr.abs _section_cstart, $3  }
0xc6: {  	[dreg:$0x1] =	wrdreg $0xFFFFFFFF  }
0xc7: {  	_ =	task.clear_ibuf [dreg:s9], $0x2FFFF;
	_ =	strace $0x9FFFFFFF  }
0xc8: {  	(tm) =	ssettm $0x7FFFFFFF  }
0xc9: {  	_ =	shalt  }
tec
execute0_lowered:
.L_overlay_start_1:
0x0: {  	(tag) =	ssettag $0x1  }
0x1: {  	s1 =	rddreg [dreg:$0x0]  }
0x2: {  	s0 =	rddreg [dreg:$0x1]  }
0x3: {  	s2 =	rddreg [dreg:$0x2]  }
0x4: {  	s7 =	rddreg [dreg:$0x3]  }
0x5: {  	s3 =	rddreg [dreg:$0x4]  }
0x6: {  	s4 =	rddreg [dreg:$0x5]  }
0x7: {  	s6 =	srdreg.scid;
	s13 =	stileid.u32  }
0x8: {  	s5 =	simm.s32 $0x0;
	s28 =	simm.s32 $0x100;
	s29 =	simm.s32 $0x3  }
0x9: {  	s30 =	simm.s32 $0x80;
	s31 =	simm.s32 $0x200;
	s8 =	sand.u32 $0x1, s6  }
0xa: {  	s25 =	smul.u32 $0x4F000, s13;
	[smem:$0x7FF] =	sst s5;
	s2 =	sadd.s32 $0x2600, s2  }
0xb: {  	s26 =	sshll.u32 s13, $0x1;
	s16 =	smul.u32 $0x278, s13;
	s14 =	sadd.s32 $0x12C400, s3  }
0xc: {  	s22 =	sshll.u32 s13, $0x6;
	p2 =	seq.s32 s13, $0xF;
	p3 =	sgt.u32 s13, $0x1  }
0xd: {  	s9 =	ssub.s32 $0x2, s8;
	_ =	strace $0x80000047;
	[dreg:$0xb] =	wrdreg s14  }
0xe: {  	s15 =	sor.u32 s8, s26;
	s14 =	sadd.s32 $0x130400, s3;
	[dreg:$0xe] =	wrdreg s22  }
0xf: {  	s23 =	sshll.u32 s8, $0x5;
	s24 =	sor.u32 $0x980, s26;
	s10 =	sshrl.u32 s9, $0x1  }
0x10: {  	s6 =	sshrl.u32 s25, $0x2;
	s12 =	sadd.s32 s16, s4;
	s15 =	sshll.u32 s15, $0x5  }
0x11: {  	p0 =	sgt.u32 s24, $0x983;
	s25 =	sor.u32 $0x9A0, s26;
	s24 =	simm.s32 $0x5  }
0x12: {  	s9 =	ssub.s32 s9, s10;
	s6 =	sadd.s32 s6, s3;
	s15 =	sadd.s32 s0, s15  }
0x13: {  	s0 =	sadd.s32 s22, s0;
	s22 =	sadd.s32 $0x138400, s3;
	s11 =	sadd.s32 $0x4000, s6  }
0x14: {  	p1 =	sgt.u32 s25, $0x9A3;
	s17 =	sadd.s32 $0x8000, s6;
	[dreg:$0x7] =	wrdreg s11  }
0x15: {  	s18 =	sadd.s32 $0xC000, s6;
	[dreg:$0x8] =	wrdreg s17;
	s17 =	smul.u32 $0x138800, s8  }
0x16: {  	s19 =	sadd.s32 $0x10000, s6;
	[dreg:$0x9] =	wrdreg s18;
	s18 =	smul.u32 $0x2710, s8  }
0x17: {  	s25 =	smax.u32 s9, $0x1;
	[dreg:$0xa] =	wrdreg s19;
	s19 =	smul.u32 $0x13C00, s13  }
0x18: {  	s11 =	sadd.s32 $0x128400, s3;
	s8 =	simm.s32 $0x0;
	s16 =	sadd.s32 s16, s18  }
0x19: {  	s18 =	sadd.s32 $0x2508, s18;
	s19 =	sadd.s32 s19, s17;
	s17 =	sshrl.u32 s17, $0x3  }
0x1a: {  	s18 =	sshrl.u32 s18, $0x3;
	s17 =	sadd.s32 s2, s17;
	s20 =	sshrl.u32 s19, $0x3  }
0x1b: {  	s21 =	sshrl.u32 s16, $0x3;
	s16 =	simm.s32 $0x1;
	s19 =	simm.s32 $0x2  }
0x1c: {  	s18 =	sadd.s32 s7, s18;
	s2 =	sadd.s32 s2, s20;
	s20 =	sadd.s32 $0x134400, s3  }
.Ltmp0:
0x1d: {  	s26 =	sadd.s32 $0x25080, s17;
	[dreg:$0xc] =	wrdreg s18;
	(pc) =	sbr.rel .LBB2_1-.Ltmp0, $4  }
0x1e: {  	s17 =	simm.s32 $0x8200;
	[dreg:$0xd] =	wrdreg s2;
	s2 =	sadd.s32 s7, s21  }
0x1f: {  	s21 =	sadd.s32 s23, s0;
	s23 =	sadd.s32 $0x400, s15;
	[dreg:$0x10] =	wrdreg s26  }
0x20: {  	s26 =	sadd.s32 $0x13800, s15;
	s0 =	simm.s32 $0x4;
	s18 =	simm.s32 $0x180  }
0x21: {  	v0 =	vimm.f32 $0.0e+00;
	v1 =	vimm.f32 $1.000000000e+00;
	s7 =	simm.s32 $0x8280;
	[dreg:$0xf] =	wrdreg s2;
	s2 =	simm.s32 $0x4200  }
.LBB2_9:
0x22: {  	s9 =	sshrl.u32 s11, $0x3;
	s10 =	rddreg [dreg:$0x10];
	s13 =	simm.s32 $0x1FC5  }
0x23: {  	[hbm:s10], [sflag:s13] =	dma.local [spmem:s9], $0x2080  }
0x24: {  	_ =	swait.ge [sflag:s24], $0x2080  }
0x25: {  	[sflag:s24] =	ssyncset.done $0x0  }
0x26: {  	[sflag:s24] =	ssyncadd.s32 $0xFFFFDF80  }
0x27: {  	[tilespmem:s7], [sflag:$0x5] =	stream.linear.gather [spmem:s12], $0x208, $0x38;
	[tilespmem:$0x1BFF8] =	vst v63  }
0x28: {  	_ =	swait.ge [sflag:s24], $0x208  }
0x29: {  	[sflag:s24] =	ssyncset.done $0x0  }
0x2a: {  	s13 =	rddreg [dreg:$0xc];
	[sflag:s24] =	ssyncadd.s32 $0xFFFFFDF8  }
0x2b: {  	[hbm4b:s13+s5] =	stream.linear.scatter [tilespmem:s7], [sflag:$0x5], $0x208, $0x38;
	[tilespmem:$0x1BFF8] =	vst v63  }
0x2c: {  	_ =	swait.ge [sflag:s24], $0x208  }
0x2d: {  	[sflag:s24] =	ssyncset.done $0x0  }
0x2e: {  	[sflag:s24] =	ssyncadd.s32 $0xFFFFFDF8  }
.LBB2_10:
0x2f: {  	s8 =	sadd.s32 $0x1, s8  }
0x30: {  	p4 =	sne.s32 s8, s25  }
.Ltmp1:
0x31: {  	_ = 	snop;
	(pc) =	sbr.rel @!p4 .LBB2_11-.Ltmp1, $1  }
0x32: {  	_ =	sdelay $0x3  }
.LBB2_1:
0x33: {  	s9 =	simm.s32 $0x0;
	s10 =	simm.s32 $0x200  }
.LBB2_2:
0x34: {  	p4 =	sne.s32 s10, $0xFE00;
	[tilespmem:s9+$0x270] =	vst v0  }
0x35: {  	[tilespmem:s9+$0x200] =	vst v0  }
0x36: {  	[tilespmem:s9+$0x210] =	vst v0  }
.Ltmp2:
0x37: {  	[tilespmem:s9+$0x220] =	vst v0;
	(pc) =	sbr.rel @p4 .LBB2_2-.Ltmp2, $4  }
0x38: {  	[tilespmem:s9+$0x230] =	vst v0  }
0x39: {  	[tilespmem:s9+$0x240] =	vst v0  }
0x3a: {  	[tilespmem:s9+$0x250] =	vst v0  }
0x3b: {  	[tilespmem:s9+$0x260] =	vst v0;
	s9 =	sshra.s32 s10, $0x2;
	s10 =	sadd.s32 $0x200, s10  }
0x3c: {  	[tilespmem:s9+$0x270] =	vst v0  }
0x3d: {  	[tilespmem:s9+$0x200] =	vst v0  }
0x3e: {  	[tilespmem:s9+$0x210] =	vst v0  }
0x3f: {  	[tilespmem:s9+$0x220] =	vst v0  }
0x40: {  	[tilespmem:s9+$0x230] =	vst v0  }
0x41: {  	[tilespmem:s9+$0x240] =	vst v0  }
0x42: {  	[tilespmem:s9+$0x250] =	vst v0  }
0x43: {  	[tilespmem:s9+$0x260] =	vst v0  }
0x44: {  	[tilespmem:$0x8200] =	vst v1  }
0x45: {  	[tilespmem:$0x8210] =	vst v1  }
0x46: {  	[tilespmem:$0x8220] =	vst v1  }
0x47: {  	[tilespmem:$0x8230] =	vst v1  }
0x48: {  	[tilespmem:$0x8240] =	vst v1  }
0x49: {  	[tilespmem:$0x8250] =	vst v1  }
0x4a: {  	[tilespmem:$0x8260] =	vst v1  }
0x4b: {  	[tilespmem:$0x8270] =	vst v1  }
0x4c: {  	[tilespmem:$0x8280] =	vst v0  }
0x4d: {  	[tilespmem:$0x8290] =	vst v0  }
0x4e: {  	[tilespmem:$0x82A0] =	vst v0  }
0x4f: {  	[tilespmem:$0x82B0] =	vst v0  }
0x50: {  	[tilespmem:$0x82C0] =	vst v0  }
0x51: {  	[tilespmem:$0x82D0] =	vst v0  }
0x52: {  	[tilespmem:$0x82E0] =	vst v0  }
0x53: {  	[tilespmem:$0x82F0] =	vst v0  }
0x54: {  	[tilespmem:$0x8300] =	vst v0  }
0x55: {  	[tilespmem:$0x8310] =	vst v0  }
0x56: {  	[tilespmem:$0x8320] =	vst v0  }
0x57: {  	[tilespmem:$0x8330] =	vst v0  }
0x58: {  	[tilespmem:$0x8340] =	vst v0  }
0x59: {  	[tilespmem:$0x8350] =	vst v0  }
0x5a: {  	[tilespmem:$0x8360] =	vst v0  }
0x5b: {  	[tilespmem:$0x8370] =	vst v0  }
0x5c: {  	[tilespmem:$0x8380] =	vst v0  }
0x5d: {  	[tilespmem:$0x8390] =	vst v0  }
0x5e: {  	[tilespmem:$0x83A0] =	vst v0  }
0x5f: {  	[tilespmem:$0x83B0] =	vst v0  }
0x60: {  	[tilespmem:$0x83C0] =	vst v0  }
0x61: {  	[tilespmem:$0x83D0] =	vst v0  }
0x62: {  	[tilespmem:$0x83E0] =	vst v0  }
0x63: {  	[tilespmem:$0x83F0] =	vst v0  }
0x64: {  	[tilespmem:$0x8400] =	vst v0  }
0x65: {  	[tilespmem:$0x8410] =	vst v0  }
0x66: {  	[tilespmem:$0x8420] =	vst v0  }
0x67: {  	[tilespmem:$0x8430] =	vst v0  }
0x68: {  	[tilespmem:$0x8440] =	vst v0  }
0x69: {  	[tilespmem:$0x8450] =	vst v0  }
0x6a: {  	[tilespmem:$0x8460] =	vst v0  }
0x6b: {  	[tilespmem:$0x8470] =	vst v0  }
0x6c: {  	[tilespmem:$0x8480] =	vst v0  }
0x6d: {  	[tilespmem:$0x8490] =	vst v0  }
0x6e: {  	[tilespmem:$0x84A0] =	vst v0  }
0x6f: {  	[tilespmem:$0x84B0] =	vst v0  }
0x70: {  	[tilespmem:$0x84C0] =	vst v0  }
0x71: {  	[tilespmem:$0x84D0] =	vst v0  }
0x72: {  	[tilespmem:$0x84E0] =	vst v0  }
0x73: {  	s9 =	simm.s32 @p2 $0x200;
	s10 =	simm.s32 @p2 $0x5;
	[tilespmem:$0x84F0] =	vst v0  }
0x74: {  	[spmem:s11] =	stream.linear.scatter @p2 [tilespmem:s9], [sflag:$0x5], $0x4000, $0x38;
	[tilespmem:$0x1BFF8] =	vst v63  }
0x75: {  	_ =	swait.ge @p2 [sflag:s10], $0x4000  }
0x76: {  	[sflag:s10] =	ssyncset.done @p2 $0x0  }
0x77: {  	s13 =	rddreg [dreg:$0xb];
	[sflag:s10] =	ssyncadd.s32 @p2 $0xFFFFC000  }
0x78: {  	[spmem:s13] =	stream.linear.scatter @p2 [tilespmem:s9], [sflag:$0x5], $0x4000, $0x38;
	[tilespmem:$0x1BFF8] =	vst v63  }
0x79: {  	_ =	swait.ge @p2 [sflag:s10], $0x4000  }
0x7a: {  	[sflag:s10] =	ssyncset.done @p2 $0x0  }
0x7b: {  	[sflag:s10] =	ssyncadd.s32 @p2 $0xFFFFC000  }
0x7c: {  	[spmem:s14] =	stream.linear.scatter @p2 [tilespmem:s9], [sflag:$0x5], $0x4000, $0x38;
	[tilespmem:$0x1BFF8] =	vst v63  }
0x7d: {  	_ =	swait.ge @p2 [sflag:s10], $0x4000  }
0x7e: {  	[sflag:s10] =	ssyncset.done @p2 $0x0  }
0x7f: {  	[sflag:s10] =	ssyncadd.s32 @p2 $0xFFFFC000  }
0x80: {  	[spmem:s20] =	stream.linear.scatter @p2 [tilespmem:s9], [sflag:$0x5], $0x4000, $0x38;
	[tilespmem:$0x1BFF8] =	vst v63  }
0x81: {  	_ =	swait.ge @p2 [sflag:s10], $0x4000  }
0x82: {  	[sflag:s10] =	ssyncset.done @p2 $0x0  }
0x83: {  	[sflag:s10] =	ssyncadd.s32 @p2 $0xFFFFC000  }
0x84: {  	[spmem:s22] =	stream.linear.scatter @p2 [tilespmem:s9], [sflag:$0x5], $0x400, $0x38;
	[tilespmem:$0x1BFF8] =	vst v63  }
0x85: {  	_ =	swait.ge @p2 [sflag:s10], $0x400  }
0x86: {  	[sflag:s10] =	ssyncset.done @p2 $0x0  }
0x87: {  	s9 =	simm.s32 @p2 $0x8280;
	[sflag:s10] =	ssyncadd.s32 @p2 $0xFFFFFC00  }
0x88: {  	[spmem:s12] =	stream.linear.scatter @p2 [tilespmem:s9], [sflag:$0x5], $0x208, $0x38;
	[tilespmem:$0x1BFF8] =	vst v63  }
0x89: {  	_ =	swait.ge @p2 [sflag:s10], $0x208  }
0x8a: {  	[sflag:s10] =	ssyncset.done @p2 $0x0  }
0x8b: {  	s9 =	simm.s32 @!p2 $0x200;
	[sflag:s10] =	ssyncadd.s32 @p2 $0xFFFFFDF8;
	s10 =	simm.s32 @!p2 $0x5  }
0x8c: {  	[spmem:s6] =	stream.linear.scatter @!p2 [tilespmem:s9], [sflag:$0x5], $0x4000, $0x38;
	[tilespmem:$0x1BFF8] =	vst v63  }
0x8d: {  	_ =	swait.ge @!p2 [sflag:s10], $0x4000  }
0x8e: {  	[sflag:s10] =	ssyncset.done @!p2 $0x0  }
0x8f: {  	s13 =	rddreg [dreg:$0x7];
	[sflag:s10] =	ssyncadd.s32 @!p2 $0xFFFFC000  }
0x90: {  	[spmem:s13] =	stream.linear.scatter @!p2 [tilespmem:s9], [sflag:$0x5], $0x4000, $0x38;
	[tilespmem:$0x1BFF8] =	vst v63  }
0x91: {  	_ =	swait.ge @!p2 [sflag:s10], $0x4000  }
0x92: {  	[sflag:s10] =	ssyncset.done @!p2 $0x0  }
0x93: {  	s13 =	rddreg [dreg:$0x8];
	[sflag:s10] =	ssyncadd.s32 @!p2 $0xFFFFC000  }
0x94: {  	[spmem:s13] =	stream.linear.scatter @!p2 [tilespmem:s9], [sflag:$0x5], $0x4000, $0x38;
	[tilespmem:$0x1BFF8] =	vst v63  }
0x95: {  	_ =	swait.ge @!p2 [sflag:s10], $0x4000  }
0x96: {  	[sflag:s10] =	ssyncset.done @!p2 $0x0  }
0x97: {  	s13 =	rddreg [dreg:$0x9];
	[sflag:s10] =	ssyncadd.s32 @!p2 $0xFFFFC000  }
0x98: {  	[spmem:s13] =	stream.linear.scatter @!p2 [tilespmem:s9], [sflag:$0x5], $0x4000, $0x38;
	[tilespmem:$0x1BFF8] =	vst v63  }
0x99: {  	_ =	swait.ge @!p2 [sflag:s10], $0x4000  }
0x9a: {  	[sflag:s10] =	ssyncset.done @!p2 $0x0  }
0x9b: {  	s13 =	rddreg [dreg:$0xa];
	[sflag:s10] =	ssyncadd.s32 @!p2 $0xFFFFC000  }
0x9c: {  	[spmem:s13] =	stream.linear.scatter @!p2 [tilespmem:s9], [sflag:$0x5], $0x3C00, $0x38;
	[tilespmem:$0x1BFF8] =	vst v63  }
0x9d: {  	_ =	swait.ge @!p2 [sflag:s10], $0x3C00  }
0x9e: {  	[sflag:s10] =	ssyncset.done @!p2 $0x0  }
0x9f: {  	s9 =	simm.s32 @!p2 $0x8280;
	[sflag:s10] =	ssyncadd.s32 @!p2 $0xFFFFC400  }
0xa0: {  	[spmem:s12] =	stream.linear.scatter @!p2 [tilespmem:s9], [sflag:$0x5], $0x278, $0x38;
	[tilespmem:$0x1BFF8] =	vst v63  }
0xa1: {  	_ =	swait.ge @!p2 [sflag:s10], $0x278  }
0xa2: {  	[sflag:s10] =	ssyncset.done @!p2 $0x0  }
0xa3: {  	[sflag:s10] =	ssyncadd.s32 @!p2 $0xFFFFFD88  }
0xa4: {  	[bflag:$0x0] =	sbarrier.arrive $0xFFFF  }
0xa5: {  	[tilespmem:s5], [sflag:$0x3] =	stream.linear.gather [hbm4b:s15+s5], $0x100, $0x38;
	[tilespmem:$0x1BFF8] =	vst v63  }
0xa6: {  	_ = 	snop  }
0xa7: {  	[tilespmem:s28], [sflag:$0x4] =	stream.linear.gather [hbm4b:s23+s5], $0x100, $0x38;
	[tilespmem:$0x1BFF8] =	vst v63  }
0xa8: {  	_ =	swait.ge [sflag:s29], $0x100  }
0xa9: {  	[sflag:s29] =	ssyncset.done $0x0  }
0xaa: {  	[sflag:s29] =	ssyncadd.s32 $0xFFFFFF00  }
0xab: {  	[tilespmem:s31], [sflag:$0x1] =	stream.indirect.gather [hbm4b:s1+s30], $0x80, s5, s30, $0xb8;
	[tilespmem:$0x1BFF8] =	vst v63  }
0xac: {  	_ =	swait.ge [sflag:s0], $0x100  }
0xad: {  	[sflag:s0] =	ssyncset.done $0x0  }
0xae: {  	[sflag:s0] =	ssyncadd.s32 $0xFFFFFF00  }
0xaf: {  	[tilespmem:s2], [sflag:$0x2] =	stream.indirect.gather [hbm4b:s1+s30], $0x80, s28, s30, $0xb8;
	[tilespmem:$0x1BFF8] =	vst v63  }
0xb0: {  	_ =	swait.ge [sflag:s16], $0x4000  }
0xb1: {  	[sflag:s16] =	ssyncset.done $0x0  }
0xb2: {  	[sflag:s16] =	ssyncadd.s32 $0xFFFFC000  }
0xb3: {  	[spmem:s3] =	stream.indirect.scatter.add.f32 [tilespmem:s31], [sflag:$0x5], $0x80, s30, s30, $0xb8;
	[tilespmem:$0x1BFF8] =	vst v63  }
0xb4: {  	_ =	swait.ge [sflag:s24], $0x4000  }
0xb5: {  	[sflag:s24] =	ssyncset.done $0x0  }
0xb6: {  	[sflag:s24] =	ssyncadd.s32 $0xFFFFC000  }
0xb7: {  	[spmem:s4] =	stream.indirect.scatter.add.f32 [tilespmem:s17], [sflag:$0x5], $0x1, s30, s30, $0xb8;
	[tilespmem:$0x1BFF8] =	vst v63  }
0xb8: {  	_ =	swait.ge [sflag:s24], $0x80  }
0xb9: {  	s10 =	sadd.s32 $0xFFFED000, s21;
	[sflag:s24] =	ssyncset.done $0x0  }
0xba: {  	s13 =	sadd.s32 $0x13800, s10;
	[sflag:s24] =	ssyncadd.s32 $0xFFFFFF80  }
0xbb: {  	[tilespmem:s5], [sflag:$0x3] =	stream.linear.gather [hbm4b:s13+s5], $0x100, $0x38;
	[tilespmem:$0x1BFF8] =	vst v63  }
0xbc: {  	_ =	swait.ge [sflag:s29], $0x100  }
0xbd: {  	[sflag:s29] =	ssyncset.done $0x0  }
0xbe: {  	[sflag:s29] =	ssyncadd.s32 $0xFFFFFF00  }
0xbf: {  	[tilespmem:s31], [sflag:$0x1] =	stream.indirect.gather [hbm4b:s1+s30], $0x80, s5, s30, $0xb8;
	[tilespmem:$0x1BFF8] =	vst v63  }
0xc0: {  	_ =	swait.ge [sflag:s19], $0x4000  }
0xc1: {  	[sflag:s19] =	ssyncset.done $0x0  }
0xc2: {  	[sflag:s19] =	ssyncadd.s32 $0xFFFFC000  }
0xc3: {  	[spmem:s3] =	stream.indirect.scatter.add.f32 [tilespmem:s2], [sflag:$0x5], $0x80, s18, s30, $0xb8;
	[tilespmem:$0x1BFF8] =	vst v63  }
0xc4: {  	_ =	swait.ge [sflag:s24], $0x4000  }
0xc5: {  	[sflag:s24] =	ssyncset.done $0x0  }
0xc6: {  	[sflag:s24] =	ssyncadd.s32 $0xFFFFC000  }
0xc7: {  	[spmem:s4] =	stream.indirect.scatter.add.f32 [tilespmem:s17], [sflag:$0x5], $0x1, s18, s30, $0xb8;
	[tilespmem:$0x1BFF8] =	vst v63  }
0xc8: {  	_ =	swait.ge [sflag:s24], $0x80  }
0xc9: {  	[sflag:s24] =	ssyncset.done $0x0  }
0xca: {  	s9 =	simm.s32 $0xFFFED800;
	s10 =	sadd.s32 $0x13C00, s10;
	[sflag:s24] =	ssyncadd.s32 $0xFFFFFF80  }
.LBB2_4:
0xcb: {  	[tilespmem:s28], [sflag:$0x4] =	stream.linear.gather [hbm4b:s10+s5], $0x100, $0x38;
	[tilespmem:$0x1BFF8] =	vst v63  }
0xcc: {  	s10 =	smov.u32 s9  }
0xcd: {  	p4 =	sne.s32 s9, $0xFFFFF800;
	s9 =	sadd.s32 $0x800, s9;
	_ =	swait.ge [sflag:s0], $0x100  }
0xce: {  	[sflag:s0] =	ssyncset.done $0x0  }
0xcf: {  	[sflag:s0] =	ssyncadd.s32 $0xFFFFFF00  }
0xd0: {  	[tilespmem:s2], [sflag:$0x2] =	stream.indirect.gather [hbm4b:s1+s30], $0x80, s28, s30, $0xb8;
	[tilespmem:$0x1BFF8] =	vst v63  }
0xd1: {  	_ =	swait.ge [sflag:s16], $0x4000  }
0xd2: {  	[sflag:s16] =	ssyncset.done $0x0  }
0xd3: {  	[sflag:s16] =	ssyncadd.s32 $0xFFFFC000  }
0xd4: {  	[spmem:s3] =	stream.indirect.scatter.add.f32 [tilespmem:s31], [sflag:$0x5], $0x80, s30, s30, $0xb8;
	[tilespmem:$0x1BFF8] =	vst v63  }
0xd5: {  	_ =	swait.ge [sflag:s24], $0x4000  }
0xd6: {  	[sflag:s24] =	ssyncset.done $0x0  }
0xd7: {  	[sflag:s24] =	ssyncadd.s32 $0xFFFFC000  }
0xd8: {  	[spmem:s4] =	stream.indirect.scatter.add.f32 [tilespmem:s17], [sflag:$0x5], $0x1, s30, s30, $0xb8;
	[tilespmem:$0x1BFF8] =	vst v63  }
0xd9: {  	_ =	swait.ge [sflag:s24], $0x80  }
0xda: {  	s10 =	sadd.s32 s10, s21;
	[sflag:s24] =	ssyncset.done $0x0  }
0xdb: {  	s13 =	sadd.s32 $0x13800, s10;
	[sflag:s24] =	ssyncadd.s32 $0xFFFFFF80  }
0xdc: {  	[tilespmem:s5], [sflag:$0x3] =	stream.linear.gather [hbm4b:s13+s5], $0x100, $0x38;
	[tilespmem:$0x1BFF8] =	vst v63  }
0xdd: {  	_ =	swait.ge [sflag:s29], $0x100  }
0xde: {  	[sflag:s29] =	ssyncset.done $0x0  }
0xdf: {  	[sflag:s29] =	ssyncadd.s32 $0xFFFFFF00  }
0xe0: {  	[tilespmem:s31], [sflag:$0x1] =	stream.indirect.gather [hbm4b:s1+s30], $0x80, s5, s30, $0xb8;
	[tilespmem:$0x1BFF8] =	vst v63  }
0xe1: {  	_ =	swait.ge [sflag:s19], $0x4000  }
0xe2: {  	[sflag:s19] =	ssyncset.done $0x0  }
0xe3: {  	[sflag:s19] =	ssyncadd.s32 $0xFFFFC000  }
0xe4: {  	[spmem:s3] =	stream.indirect.scatter.add.f32 [tilespmem:s2], [sflag:$0x5], $0x80, s18, s30, $0xb8;
	[tilespmem:$0x1BFF8] =	vst v63  }
0xe5: {  	_ =	swait.ge [sflag:s24], $0x4000  }
0xe6: {  	[sflag:s24] =	ssyncset.done $0x0  }
.Ltmp3:
0xe7: {  	[sflag:s24] =	ssyncadd.s32 $0xFFFFC000;
	(pc) =	sbr.rel @p4 .LBB2_4-.Ltmp3, $4  }
0xe8: {  	[spmem:s4] =	stream.indirect.scatter.add.f32 [tilespmem:s17], [sflag:$0x5], $0x1, s18, s30, $0xb8;
	[tilespmem:$0x1BFF8] =	vst v63  }
0xe9: {  	_ =	swait.ge [sflag:s24], $0x80  }
0xea: {  	[sflag:s24] =	ssyncset.done $0x0  }
0xeb: {  	s10 =	sadd.s32 $0x13C00, s10;
	[sflag:s24] =	ssyncadd.s32 $0xFFFFFF80  }
0xec: {  	[tilespmem:s28], [sflag:$0x4] =	stream.linear.gather [hbm4b:s10+s5], $0x100, $0x38;
	[tilespmem:$0x1BFF8] =	vst v63  }
0xed: {  	_ =	swait.ge [sflag:s0], $0x100  }
0xee: {  	[sflag:s0] =	ssyncset.done $0x0  }
0xef: {  	[sflag:s0] =	ssyncadd.s32 $0xFFFFFF00  }
0xf0: {  	[tilespmem:s2], [sflag:$0x2] =	stream.indirect.gather [hbm4b:s1+s30], $0x80, s28, s30, $0xb8;
	[tilespmem:$0x1BFF8] =	vst v63  }
0xf1: {  	_ =	swait.ge [sflag:s16], $0x4000  }
0xf2: {  	[sflag:s16] =	ssyncset.done $0x0  }
0xf3: {  	[sflag:s16] =	ssyncadd.s32 $0xFFFFC000  }
0xf4: {  	[spmem:s3] =	stream.indirect.scatter.add.f32 [tilespmem:s31], [sflag:$0x5], $0x80, s30, s30, $0xb8;
	[tilespmem:$0x1BFF8] =	vst v63  }
0xf5: {  	_ =	swait.ge [sflag:s24], $0x4000  }
0xf6: {  	[sflag:s24] =	ssyncset.done $0x0  }
0xf7: {  	[sflag:s24] =	ssyncadd.s32 $0xFFFFC000  }
0xf8: {  	[spmem:s4] =	stream.indirect.scatter.add.f32 [tilespmem:s17], [sflag:$0x5], $0x1, s30, s30, $0xb8;
	[tilespmem:$0x1BFF8] =	vst v63  }
0xf9: {  	_ =	swait.ge [sflag:s24], $0x80  }
0xfa: {  	[sflag:s24] =	ssyncset.done $0x0  }
0xfb: {  	s9 =	simm.s32 @!p0 $0x0;
	[sflag:s24] =	ssyncadd.s32 $0xFFFFFF80  }
0xfc: {  	[tilespmem:s9], [sflag:$0x3] =	stream.linear.gather @!p0 [hbm4b:s26+s9], $0x100, $0x38;
	[tilespmem:$0x1BFF8] =	vst v63  }
0xfd: {  	s9 =	simm.s32 @!p1 $0x3  }
0xfe: {  	_ =	swait.ge @!p1 [sflag:s9], $0x100  }
0xff: {  	s10 =	simm.s32 @!p1 $0x0;
	[sflag:s9] =	ssyncset.done @!p1 $0x0  }
0x100: {  	s13 =	simm.s32 @!p1 $0x200;
	[sflag:s9] =	ssyncadd.s32 @!p1 $0xFFFFFF00;
	s9 =	simm.s32 @!p1 $0x80  }
0x101: {  	[tilespmem:s13], [sflag:$0x1] =	stream.indirect.gather @!p1 [hbm4b:s1+s9], $0x80, s10, s9, $0xb8;
	[tilespmem:$0x1BFF8] =	vst v63  }
0x102: {  	_ =	swait.ge [sflag:s19], $0x4000  }
0x103: {  	[sflag:s19] =	ssyncset.done $0x0  }
0x104: {  	[sflag:s19] =	ssyncadd.s32 $0xFFFFC000  }
0x105: {  	[spmem:s3] =	stream.indirect.scatter.add.f32 [tilespmem:s2], [sflag:$0x5], $0x80, s18, s30, $0xb8;
	[tilespmem:$0x1BFF8] =	vst v63  }
0x106: {  	_ =	swait.ge [sflag:s24], $0x4000  }
0x107: {  	[sflag:s24] =	ssyncset.done $0x0  }
.Ltmp4:
0x108: {  	[sflag:s24] =	ssyncadd.s32 $0xFFFFC000;
	(pc) =	sbr.rel @p3 .LBB2_7-.Ltmp4, $4  }
0x109: {  	[spmem:s4] =	stream.indirect.scatter.add.f32 [tilespmem:s17], [sflag:$0x5], $0x1, s18, s30, $0xb8;
	[tilespmem:$0x1BFF8] =	vst v63  }
0x10a: {  	_ =	swait.ge [sflag:s24], $0x80  }
0x10b: {  	[sflag:s24] =	ssyncset.done $0x0  }
0x10c: {  	[sflag:s24] =	ssyncadd.s32 $0xFFFFFF80  }
0x10d: {  	_ =	swait.ge [sflag:s16], $0x4000  }
0x10e: {  	[sflag:s16] =	ssyncset.done $0x0  }
0x10f: {  	[sflag:s16] =	ssyncadd.s32 $0xFFFFC000  }
0x110: {  	[spmem:s3] =	stream.indirect.scatter.add.f32 [tilespmem:s31], [sflag:$0x5], $0x80, s30, s30, $0xb8;
	[tilespmem:$0x1BFF8] =	vst v63  }
0x111: {  	_ =	swait.ge [sflag:s24], $0x4000  }
0x112: {  	[sflag:s24] =	ssyncset.done $0x0  }
0x113: {  	[sflag:s24] =	ssyncadd.s32 $0xFFFFC000  }
0x114: {  	[spmem:s4] =	stream.indirect.scatter.add.f32 [tilespmem:s17], [sflag:$0x5], $0x1, s30, s30, $0xb8;
	[tilespmem:$0x1BFF8] =	vst v63  }
.Ltmp5:
0x115: {  	_ =	swait.ge [sflag:s24], $0x80;
	(pc) =	sbr.rel .LBB2_8-.Ltmp5, $3  }
0x116: {  	[sflag:s24] =	ssyncset.done $0x0  }
0x117: {  	[sflag:s24] =	ssyncadd.s32 $0xFFFFFF80  }
0x118: {  	[bflag:$0x0] =	sbarrier.arrive $0xFFFF;
	_ =	sdelay $0x1  }
.LBB2_7:
.Ltmp6:
0x119: {  	(pc) =	sbr.rel @p2 .LBB2_9-.Ltmp6, $2  }
0x11a: {  	_ =	sdelay $0x1  }
0x11b: {  	[bflag:$0x0] =	sbarrier.arrive $0xFFFF;
	_ =	sdelay $0x1  }
.LBB2_8:
0x11c: {  	s9 =	rddreg [dreg:$0xe]  }
0x11d: {  	s10 =	sshrl.u32 s6, $0x3;
	s13 =	rddreg [dreg:$0xd];
	s9 =	sor.u32 $0x1C05, s9  }
0x11e: {  	[hbm:s13], [sflag:s9] =	dma.local [spmem:s10], $0x2780  }
0x11f: {  	_ =	swait.ge [sflag:s24], $0x2780  }
0x120: {  	[sflag:s24] =	ssyncset.done $0x0  }
0x121: {  	[sflag:s24] =	ssyncadd.s32 $0xFFFFD880  }
0x122: {  	[tilespmem:s7], [sflag:$0x5] =	stream.linear.gather [spmem:s12], $0x278, $0x38;
	[tilespmem:$0x1BFF8] =	vst v63  }
0x123: {  	_ =	swait.ge [sflag:s24], $0x278  }
0x124: {  	[sflag:s24] =	ssyncset.done $0x0  }
.Ltmp7:
0x125: {  	s13 =	rddreg [dreg:$0xf];
	[sflag:s24] =	ssyncadd.s32 $0xFFFFFD88;
	(pc) =	sbr.rel .LBB2_10-.Ltmp7, $4  }
0x126: {  	[hbm4b:s13+s5] =	stream.linear.scatter [tilespmem:s7], [sflag:$0x5], $0x278, $0x38;
	[tilespmem:$0x1BFF8] =	vst v63  }
0x127: {  	_ =	swait.ge [sflag:s24], $0x278  }
0x128: {  	[sflag:s24] =	ssyncset.done $0x0  }
0x129: {  	[sflag:s24] =	ssyncadd.s32 $0xFFFFFD88  }
.LBB2_11:
0x12a: {  	_ =	sfence.sel $0x180000  }
0x12b: {  	[bflag:$0x0] =	sbarrier.arrive $0xFFFF  }
0x12c: {  	_ =	strace $0x90000047  }
0x12d: {  	s0 =	stileid.u32;
	[bflag:$0x2] =	sbarrier.arrive $0xFFFF  }
0x12e: {  	p0 =	sne.s32 s0, $0x0;
	s0 =	rddreg [dreg:$0x6]  }
0x12f: {  	s0 =	sadd.s32 @!p0 $0x100000, s0  }
0x130: {  	[sflag:s0] =	ssyncadd.tile.s32 @!p0 $0x1;
	_ =	shalt  }
.Lfunc_end2:
_tile_overlayer_lowered:
.L_overlay_start_2:
0x131: {  	(tag) =	ssettag $0x2  }
0x132: {  	s0 =	rddreg [dreg:$0x0];
	s2 =	stileid.u32  }
0x133: {  	s1 =	rddreg [dreg:$0x1];
	p0 =	sne.s32 s2, $0x0  }
0x134: {  	s3 =	rddreg [dreg:$0x2];
	[bflag:$0x3] =	sbarrier.arrive $0xFFFF;
	s2 =	simm.s32 @!p0 $0x1C05  }
0x135: {  	[timem:s3], [sflag:s2] =	dma.local @!p0 [hbm:s0], s1  }
0x136: {  	s0 =	simm.s32 @!p0 $0x5  }
0x137: {  	_ =	swait.ge @!p0 [sflag:s0], s1  }
0x138: {  	s1 =	ssub.s32 @!p0 $0x0, s1;
	[sflag:s0] =	ssyncset.done @!p0 $0x0  }
0x139: {  	[sflag:s0] =	ssyncadd.s32 @!p0 s1  }
0x13a: {  	[bflag:$0x3] =	sbarrier.arrive $0xFFFF  }
0x13b: {  	_ =	shalt  }

// kernel: kernel.9.cloned.1.call-start
scs
__scs_entry_jumppad:
0x0: {  	(pc) =	sbr.rel $0x88, $3  }
0x1: {  	(tag) =	ssettag $0x0;
	lr =	simm.s32 $0x1  }
0x2: {  	[smem:$0x3F99] =	sst lr;
	_ =	strace $0xD0000000  }
0x3: {  	_ = 	snop  }
0x4: {  	_ = 	snop  }
0x5: {  	_ = 	snop  }
0x6: {  	_ = 	snop  }
0x7: {  	_ = 	snop  }
__scs_overlays_trampoline_lowered:
0x8: {  	[smem:$0x3FA8] =	sst s0  }
0x9: {  	[smem:$0x3FA9] =	sst s1  }
0xa: {  	[smem:$0x3FAA] =	sst s2  }
0xb: {  	[smem:$0x3FAB] =	sst s3  }
0xc: {  	[smem:$0x3FAC] =	sst s4  }
0xd: {  	[smem:$0x3FAD] =	sst s5  }
0xe: {  	[smem:$0x3FAE] =	sst s6  }
0xf: {  	[smem:$0x3FAF] =	sst s7  }
0x10: {  	[smem:$0x3FB0] =	sst s8  }
0x11: {  	[smem:$0x3FB1] =	sst s9;
	s0 =	simm.s32 @!p0 $0x0  }
0x12: {  	s1 =	sld [smem:$0x3F97];
	s0 =	simm.s32 @p0 $0x1  }
0x13: {  	[smem:$0x3FB2] =	sst s0;
	s0 =	simm.s32 @!p1 $0x0  }
0x14: {  	s2 =	sld [smem:$0x3F96];
	s0 =	simm.s32 @p1 $0x1  }
0x15: {  	[smem:$0x3FB3] =	sst s0;
	s0 =	simm.s32 @!p2 $0x0  }
0x16: {  	s3 =	sld [smem:$0x3FDB];
	s0 =	simm.s32 @p2 $0x1  }
0x17: {  	s4 =	simm.s32 $0x1BF5;
	[smem:$0x3FB5] =	sst s0  }
0x18: {  	s0 =	sld [smem:$0x3F98];
	_ =	swait.ge [sflag:s4], $0x0  }
0x19: {  	s7 =	sld [smem:$0x3F99]  }
0x1a: {  	s8 =	sadd.s32 $0xFFFFE003, lr  }
0x1b: {  	s9 =	sadd.s32 $0xFFFFFEF7, lr;
	s5 =	simm.s32 $0xFFFFFFFF;
	p2 =	slt.u32 s8, $0xFFFFF086  }
0x1c: {  	p1 =	slt.u32 s9, $0xF7A;
	s5 =	simm.s32 @!p2 $0x0  }
0x1d: {  	s5 =	simm.s32 @p1 $0x1;
	p0 =	seq.s32 s7, s2  }
0x1e: {  	s7 =	smul.u32 @!p0 $0xF7A, s2;
	p2 =	seq.s32 @!p0 s5, $0x0  }
0x1f: {  	s9 =	smul.u32 $0xF7A, s1;
	s8 =	simm.s32 @!p0 $0x1BF5;
	p2 =	por !p2, p0  }
0x20: {  	[sflag:s8] =	ssyncset.s32 @!p0 $0xFFFFF086;
	s6 =	sadd.s32 @!p0 s3, s7;
	s7 =	simm.s32 @!p0 $0x108  }
0x21: {  	s3 =	sadd.s32 s3, s9;
	s6 =	sadd.s32 @!p0 $0x88, s6;
	s7 =	simm.s32 @p2 $0x1082  }
0x22: {  	[simem:s7], [sflag:s8] =	dma.local @!p0 [hbm:s6], $0xF7A  }
0x23: {  	s9 =	sor.u32 $0xD0000000, s2;
	s6 =	simm.s32 $0x108;
	_ =	swait.ge @!p0 [sflag:s8], $0x0  }
0x24: {  	s3 =	sadd.s32 $0x88, s3;
	s6 =	simm.s32 @!p1 $0x1082;
	[sflag:s4] =	ssyncset.s32 $0xFFFFF086  }
0x25: {  	[simem:s6], [sflag:s4] =	dma.local [hbm:s3], $0xF7A  }
0x26: {  	[smem:$0x3F99] =	sst s1;
	(tag) =	ssettag s2;
	_ =	strace s9  }
0x27: {  	s1 =	sld [smem:$0x3FA9]  }
0x28: {  	s2 =	sld [smem:$0x3FAA]  }
0x29: {  	s4 =	sld [smem:$0x3FAC]  }
0x2a: {  	p0 =	seq.s32 s5, $0x0;
	s5 =	sld [smem:$0x3FAD]  }
0x2b: {  	s6 =	sld [smem:$0x3FAE]  }
0x2c: {  	s7 =	sld [smem:$0x3FAF]  }
0x2d: {  	s3 =	simm.s32 $0x108;
	s8 =	sld [smem:$0x3FB0]  }
0x2e: {  	s3 =	simm.s32 @!p0 $0x1082;
	s9 =	sld [smem:$0x3FB1]  }
0x2f: {  	lr =	sadd.s32 s0, s3;
	s0 =	sld [smem:$0x3FA8]  }
0x30: {  	s3 =	sld [smem:$0x3FAB]  }
0x31: {  	[smem:$0x3FB4] =	sst s10  }
0x32: {  	s10 =	sld [smem:$0x3FB2];
	_ =	sdelay $0x3  }
0x33: {  	p0 =	seq.s32 s10, $0x1;
	s10 =	sld [smem:$0x3FB4];
	_ =	sdelay $0x3  }
0x34: {  	[smem:$0x3FB4] =	sst s10  }
0x35: {  	s10 =	sld [smem:$0x3FB3];
	_ =	sdelay $0x3  }
0x36: {  	p1 =	seq.s32 s10, $0x1;
	s10 =	sld [smem:$0x3FB4];
	_ =	sdelay $0x3  }
0x37: {  	[smem:$0x3FB4] =	sst s10  }
0x38: {  	s10 =	sld [smem:$0x3FB5]  }
0x39: {  	_ = 	snop;
	(pc) =	sbr.ind lr, $3  }
0x3a: {  	_ = 	snop  }
0x3b: {  	_ = 	snop  }
0x3c: {  	p2 =	seq.s32 s10, $0x1;
	s10 =	sld [smem:$0x3FB4]  }
0x3d: {  	_ =	shalt  }
0x3e: {  	_ =	shalt  }
0x3f: {  	_ =	shalt  }
0x40: {  	_ =	shalt  }
0x41: {  	_ =	shalt  }
0x42: {  	_ =	shalt  }
0x43: {  	_ =	shalt  }
0x44: {  	_ =	shalt  }
0x45: {  	_ =	shalt  }
0x46: {  	_ =	shalt  }
0x47: {  	_ =	shalt  }
0x48: {  	_ =	shalt  }
0x49: {  	_ =	shalt  }
0x4a: {  	_ =	shalt  }
0x4b: {  	_ =	shalt  }
0x4c: {  	_ =	shalt  }
0x4d: {  	_ =	shalt  }
0x4e: {  	_ =	shalt  }
0x4f: {  	_ =	shalt  }
0x50: {  	_ =	shalt  }
0x51: {  	_ =	shalt  }
0x52: {  	_ =	shalt  }
0x53: {  	_ =	shalt  }
0x54: {  	_ =	shalt  }
0x55: {  	_ =	shalt  }
0x56: {  	_ =	shalt  }
0x57: {  	_ =	shalt  }
0x58: {  	_ =	shalt  }
0x59: {  	_ =	shalt  }
0x5a: {  	_ =	shalt  }
0x5b: {  	_ =	shalt  }
0x5c: {  	_ =	shalt  }
0x5d: {  	_ =	shalt  }
0x5e: {  	_ =	shalt  }
0x5f: {  	_ =	shalt  }
0x60: {  	_ =	shalt  }
0x61: {  	_ =	shalt  }
0x62: {  	_ =	shalt  }
0x63: {  	_ =	shalt  }
0x64: {  	_ =	shalt  }
0x65: {  	_ =	shalt  }
0x66: {  	_ =	shalt  }
0x67: {  	_ =	shalt  }
0x68: {  	_ =	shalt  }
0x69: {  	_ =	shalt  }
0x6a: {  	_ =	shalt  }
0x6b: {  	_ =	shalt  }
0x6c: {  	_ =	shalt  }
0x6d: {  	_ =	shalt  }
0x6e: {  	_ =	shalt  }
0x6f: {  	_ =	shalt  }
0x70: {  	_ =	shalt  }
0x71: {  	_ =	shalt  }
0x72: {  	_ =	shalt  }
0x73: {  	_ =	shalt  }
0x74: {  	_ =	shalt  }
0x75: {  	_ =	shalt  }
0x76: {  	_ =	shalt  }
0x77: {  	_ =	shalt  }
0x78: {  	_ =	shalt  }
0x79: {  	_ =	shalt  }
0x7a: {  	_ =	shalt  }
0x7b: {  	_ =	shalt  }
0x7c: {  	_ =	shalt  }
0x7d: {  	_ =	shalt  }
0x7e: {  	_ =	shalt  }
0x7f: {  	_ =	shalt  }
0x80: {  	_ =	shalt  }
0x81: {  	_ =	shalt  }
0x82: {  	_ =	shalt  }
0x83: {  	_ =	shalt  }
0x84: {  	_ =	shalt  }
0x85: {  	_ =	shalt  }
0x86: {  	_ =	shalt  }
0x87: {  	_ =	shalt  }
.Lfunc_end0:
.L_simem_size_0:
called_computation.1_lowered:
.L_overlay_start_0:
0x88: {  	s2 =	sld [smem:$0x3FD9]  }
0x89: {  	s3 =	sld [smem:$0x3FFE];
	_ =	sdelay $0x1  }
0x8a: {  	s1 =	srdreg.scid  }
0x8b: {  	s0 =	sand.u32 $0x1, s1  }
0x8c: {  	s17 =	sshll.u32 s0, $0xA;
	s2 =	sadd.s32 s3, s2  }
0x8d: {  	s2 =	sadd.s32 s2, s17  }
0x8e: {  	[smem:$0x3FC0] =	sst s2  }
0x8f: {  	_ = 	snop  }
0x90: {  	s2 =	sld [smem:$0x3FC8]  }
0x91: {  	s18 =	sld [smem:$0x3FD0];
	(tm) =	ssettm $0x1  }
0x92: {  	s4 =	sld [smem:$0x3FFB];
	_ =	sdelay $0x3  }
0x93: {  	_ =	strace s4  }
0x94: {  	s4 =	sld [smem:$0x3FFC];
	_ =	sdelay $0x3  }
0x95: {  	_ =	strace s4  }
0x96: {  	s4 =	sld [smem:$0x3FFD];
	_ =	sdelay $0x3  }
0x97: {  	_ =	strace s4  }
0x98: {  	_ =	strace $0x8FFFFFFF  }
0x99: {  	s19 =	sld [smem:$0x3FDB];
	_ =	sdelay $0x1  }
0x9a: {  	s5 =	simm.s32 $_scs_section_size  }
0x9b: {  	s6 =	simm.s32 $_size__tile_overlayer_lowered;
	s7 =	simm.s32 $_tile_overlayer_lowered  }
0x9c: {  	s22 =	simm.s32 $0x1BFF;
	s21 =	sshll.u32 s7, $0x1;
	s4 =	sadd.s32 s5, s19  }
0x9d: {  	s8 =	simm.s32 $0x0;
	s20 =	sshll.u32 s6, $0x1;
	s6 =	sadd.s32 s21, s4  }
0x9e: {  	[timem:s8], [sflag:s22] =	dma.local [hbm:s6], s20  }
0x9f: {  	_ =	swait.ge [sflag:s22], s20  }
0xa0: {  	s5 =	ssub.s32 $0x0, s20;
	[sflag:s22] =	ssyncset.done $0x0  }
0xa1: {  	[sflag:s22] =	ssyncadd.s32 s5;
	_ =	sdelay $0x1  }
0xa2: {  	s23 =	simm.s32 $0x1B8B  }
0xa3: {  	_ =	swait.ge [sflag:s23], $0x1  }
0xa4: {  	[sflag:s23] =	ssyncset.done $0x0  }
0xa5: {  	s25 =	simm.s32 $0x1B8E;
	s24 =	sld [smem:$0x3FFE];
	[sflag:s23] =	ssyncadd.s32 $0xFFFFFFFF  }
0xa6: {  	s26 =	simm.s32 $execute0_lowered;
	[smem:$0x3FD2] =	sst s25  }
0xa7: {  	s6 =	sshll.u32 s26, $0x1;
	_ =	strace $0x80000049;
	[dreg:$0x1] =	wrdreg $0xFFFFFFFF  }
0xa8: {  	s28 =	simm.s32 $_size_execute0_lowered;
	s4 =	sadd.s32 s4, s6;
	[dreg:$0x0] =	wrdreg $0x0  }
0xa9: {  	s6 =	sshll.u32 s28, $0x1;
	[dreg:$0x2] =	wrdreg s4  }
0xaa: {  	[dreg:$0x3] =	wrdreg s6  }
0xab: {  	[dreg:$0x4] =	wrdreg $0xC0  }
0xac: {  	_ =	task [dreg:s8], $0x5FFFF  }
0xad: {  	[dreg:$0x1] =	wrdreg $0xFFFFFFFF  }
0xae: {  	[dreg:$0x0] =	wrdreg $0x60  }
0xaf: {  	[dreg:$0x2] =	wrdreg s18  }
0xb0: {  	[dreg:$0x3] =	wrdreg s2  }
0xb1: {  	[dreg:$0x4] =	wrdreg s24  }
0xb2: {  	[dreg:$0x5] =	wrdreg $0x82000  }
0xb3: {  	[dreg:$0x6] =	wrdreg $0x9  }
0xb4: {  	_ =	task.clear_ibuf [dreg:s8], $0x7FFFF;
	_ =	strace $0x90000049  }
0xb5: {  	s29 =	simm.s32 $0x9;
	_ =	strace $0x8000004B  }
0xb6: {  	_ =	swait.ge [sflag:s29], $0x1  }
0xb7: {  	[sflag:s29] =	ssyncadd.s32 $0xFFFFFFFF  }
0xb8: {  	_ =	strace $0x9000004B  }
0xb9: {  	_ =	sfence  }
0xba: {  	s30 =	sld [smem:$0x0];
	_ =	sdelay $0x2  }
0xbb: {  	s31 =	sshll.u32 s1, $0xD;
	s1 =	sshrl.u32 s1, $0x2  }
0xbc: {  	s3 =	sand.u32 $0x4000, s31;
	s1 =	sadd.s32 s1, s30  }
0xbd: {  	s0 =	sor.u32 s3, s0;
	s1 =	sshll.u32 s1, $0x11  }
0xbe: {  	s0 =	sor.u32 s1, s0  }
0xbf: {  	s0 =	sadd.s32 $0x8F2B, s0  }
0xc0: {  	[sflag:s0] =	ssyncadd.remote.s32 $0x1  }
0xc1: {  	_ =	sfence.sel $0xFFFF  }
0xc2: {  	[dreg:$0x0] =	wrdreg $0xFFFFFFFF;
	(pc) =	sbr.abs _section_cstart, $3  }
0xc3: {  	[dreg:$0x1] =	wrdreg $0xFFFFFFFF  }
0xc4: {  	_ =	task.clear_ibuf [dreg:s8], $0x2FFFF;
	_ =	strace $0x9FFFFFFF  }
0xc5: {  	(tm) =	ssettm $0x7FFFFFFF  }
tec
execute0_lowered:
.L_overlay_start_1:
0x0: {  	(tag) =	ssettag $0x1  }
0x1: {  	s1 =	rddreg [dreg:$0x0]  }
0x2: {  	s0 =	rddreg [dreg:$0x1]  }
0x3: {  	s2 =	rddreg [dreg:$0x2]  }
0x4: {  	s3 =	rddreg [dreg:$0x3]  }
0x5: {  	s26 =	stileid.u32;
	s5 =	srdreg.scid;
	s4 =	simm.s32 $0x0  }
0x6: {  	s28 =	simm.s32 $0x4;
	s29 =	simm.s32 $0x4200;
	s30 =	simm.s32 $0x1  }
0x7: {  	s6 =	smul.u32 $0x4F000, s26;
	[smem:$0x7FF] =	sst s4;
	s2 =	sadd.s32 $0x2600, s2  }
0x8: {  	s31 =	simm.s32 $0x5;
	s9 =	sadd.s32 $0x128400, s3;
	s10 =	sadd.s32 $0x12C400, s3  }
0x9: {  	s17 =	sand.u32 $0x1, s5;
	s12 =	sadd.s32 $0x130400, s3;
	s13 =	sadd.s32 $0x134400, s3  }
0xa: {  	s16 =	smul.u32 $0x13C00, s26;
	s14 =	sadd.s32 $0x138400, s3;
	p0 =	seq.s32 s26, $0xF  }
0xb: {  	p3 =	sgt.u32 s26, $0x1;
	s7 =	ssub.s32 $0x2, s17;
	_ =	strace $0x8000004A  }
0xc: {  	s15 =	smul.u32 $0x138800, s17;
	s20 =	sshrl.u32 s6, $0x2;
	s21 =	sshrl.u32 s7, $0x1  }
0xd: {  	s5 =	sadd.s32 s20, s3;
	s18 =	ssub.s32 s7, s21;
	s20 =	sshll.u32 s26, $0x1  }
0xe: {  	s21 =	sshrl.u32 s15, $0x3;
	s16 =	sadd.s32 s16, s15;
	s22 =	sadd.s32 $0x4000, s5  }
0xf: {  	s7 =	sadd.s32 $0x8000, s5;
	s8 =	sadd.s32 $0xC000, s5;
	s11 =	sadd.s32 $0x10000, s5  }
0x10: {  	s19 =	sor.u32 s17, s20;
	s23 =	sadd.s32 s2, s21;
	s24 =	sshrl.u32 s16, $0x3  }
0x11: {  	s17 =	sshll.u32 s17, $0x5;
	[dreg:$0x5] =	wrdreg s22;
	s19 =	sshll.u32 s19, $0x5  }
0x12: {  	s25 =	sadd.s32 $0x25080, s23;
	s2 =	sadd.s32 s2, s24;
	s24 =	sshll.u32 s26, $0x6  }
0x13: {  	s23 =	simm.s32 $0x100;
	s26 =	simm.s32 $0x200;
	[dreg:$0x6] =	wrdreg s25  }
0x14: {  	s15 =	sadd.s32 s0, s19;
	[dreg:$0x7] =	wrdreg s2;
	s19 =	smax.u32 s18, $0x1  }
.Ltmp0:
0x15: {  	s18 =	sor.u32 $0x980, s20;
	[dreg:$0x8] =	wrdreg s24;
	(pc) =	sbr.rel .LBB2_1-.Ltmp0, $4  }
0x16: {  	s0 =	sadd.s32 s24, s0;
	s25 =	sor.u32 $0x9A0, s20;
	s24 =	simm.s32 $0x3  }
0x17: {  	s2 =	simm.s32 $0x2;
	s16 =	sadd.s32 $0x400, s15;
	s21 =	sadd.s32 $0x13800, s15  }
0x18: {  	s22 =	sadd.s32 s17, s0;
	p1 =	sgt.u32 s18, $0x983;
	p2 =	sgt.u32 s25, $0x9A3  }
0x19: {  	v0 =	vimm.f32 $0.0e+00;
	s25 =	simm.s32 $0x80;
	s0 =	simm.s32 $0x180;
	s17 =	simm.s32 $0x0  }
.LBB2_9:
0x1a: {  	s6 =	sshrl.u32 s9, $0x3;
	s18 =	rddreg [dreg:$0x6];
	s20 =	simm.s32 $0x1FC5  }
0x1b: {  	[hbm:s18], [sflag:s20] =	dma.local [spmem:s6], $0x2080  }
0x1c: {  	_ =	swait.ge [sflag:s31], $0x2080  }
0x1d: {  	[sflag:s31] =	ssyncset.done $0x0  }
0x1e: {  	[sflag:s31] =	ssyncadd.s32 $0xFFFFDF80  }
.LBB2_10:
0x1f: {  	s17 =	sadd.s32 $0x1, s17  }
0x20: {  	p4 =	sne.s32 s17, s19  }
.Ltmp1:
0x21: {  	_ = 	snop;
	(pc) =	sbr.rel @!p4 .LBB2_11-.Ltmp1, $1  }
0x22: {  	_ =	sdelay $0x3  }
.LBB2_1:
0x23: {  	s18 =	simm.s32 $0x0;
	s20 =	simm.s32 $0x200  }
.LBB2_2:
0x24: {  	p4 =	sne.s32 s20, $0xFE00;
	[tilespmem:s18+$0x270] =	vst v0  }
0x25: {  	[tilespmem:s18+$0x200] =	vst v0  }
0x26: {  	[tilespmem:s18+$0x210] =	vst v0  }
.Ltmp2:
0x27: {  	[tilespmem:s18+$0x220] =	vst v0;
	(pc) =	sbr.rel @p4 .LBB2_2-.Ltmp2, $4  }
0x28: {  	[tilespmem:s18+$0x230] =	vst v0  }
0x29: {  	[tilespmem:s18+$0x240] =	vst v0  }
0x2a: {  	[tilespmem:s18+$0x250] =	vst v0  }
0x2b: {  	[tilespmem:s18+$0x260] =	vst v0;
	s18 =	sshra.s32 s20, $0x2;
	s20 =	sadd.s32 $0x200, s20  }
0x2c: {  	[tilespmem:s18+$0x270] =	vst v0  }
0x2d: {  	[tilespmem:s18+$0x200] =	vst v0  }
0x2e: {  	[tilespmem:s18+$0x210] =	vst v0  }
0x2f: {  	[tilespmem:s18+$0x220] =	vst v0  }
0x30: {  	[tilespmem:s18+$0x230] =	vst v0  }
0x31: {  	[tilespmem:s18+$0x240] =	vst v0  }
0x32: {  	[tilespmem:s18+$0x250] =	vst v0  }
0x33: {  	[tilespmem:s18+$0x260] =	vst v0;
	s18 =	simm.s32 @p0 $0x200;
	s20 =	simm.s32 @p0 $0x5  }
0x34: {  	[spmem:s9] =	stream.linear.scatter @p0 [tilespmem:s18], [sflag:$0x5], $0x4000, $0x38;
	[tilespmem:$0x1BA80] =	vst v63  }
0x35: {  	_ =	swait.ge @p0 [sflag:s20], $0x4000  }
0x36: {  	[sflag:s20] =	ssyncset.done @p0 $0x0  }
0x37: {  	[sflag:s20] =	ssyncadd.s32 @p0 $0xFFFFC000  }
0x38: {  	[spmem:s10] =	stream.linear.scatter @p0 [tilespmem:s18], [sflag:$0x5], $0x4000, $0x38;
	[tilespmem:$0x1BA80] =	vst v63  }
0x39: {  	_ =	swait.ge @p0 [sflag:s20], $0x4000  }
0x3a: {  	[sflag:s20] =	ssyncset.done @p0 $0x0  }
0x3b: {  	[sflag:s20] =	ssyncadd.s32 @p0 $0xFFFFC000  }
0x3c: {  	[spmem:s12] =	stream.linear.scatter @p0 [tilespmem:s18], [sflag:$0x5], $0x4000, $0x38;
	[tilespmem:$0x1BA80] =	vst v63  }
0x3d: {  	_ =	swait.ge @p0 [sflag:s20], $0x4000  }
0x3e: {  	[sflag:s20] =	ssyncset.done @p0 $0x0  }
0x3f: {  	[sflag:s20] =	ssyncadd.s32 @p0 $0xFFFFC000  }
0x40: {  	[spmem:s13] =	stream.linear.scatter @p0 [tilespmem:s18], [sflag:$0x5], $0x4000, $0x38;
	[tilespmem:$0x1BA80] =	vst v63  }
0x41: {  	_ =	swait.ge @p0 [sflag:s20], $0x4000  }
0x42: {  	[sflag:s20] =	ssyncset.done @p0 $0x0  }
0x43: {  	[sflag:s20] =	ssyncadd.s32 @p0 $0xFFFFC000  }
0x44: {  	[spmem:s14] =	stream.linear.scatter @p0 [tilespmem:s18], [sflag:$0x5], $0x400, $0x38;
	[tilespmem:$0x1BA80] =	vst v63  }
0x45: {  	_ =	swait.ge @p0 [sflag:s20], $0x400  }
0x46: {  	[sflag:s20] =	ssyncset.done @p0 $0x0  }
0x47: {  	s18 =	simm.s32 @!p0 $0x200;
	[sflag:s20] =	ssyncadd.s32 @p0 $0xFFFFFC00;
	s20 =	simm.s32 @!p0 $0x5  }
0x48: {  	[spmem:s5] =	stream.linear.scatter @!p0 [tilespmem:s18], [sflag:$0x5], $0x4000, $0x38;
	[tilespmem:$0x1BA80] =	vst v63  }
0x49: {  	_ =	swait.ge @!p0 [sflag:s20], $0x4000  }
0x4a: {  	[sflag:s20] =	ssyncset.done @!p0 $0x0  }
0x4b: {  	s6 =	rddreg [dreg:$0x5];
	[sflag:s20] =	ssyncadd.s32 @!p0 $0xFFFFC000  }
0x4c: {  	[spmem:s6] =	stream.linear.scatter @!p0 [tilespmem:s18], [sflag:$0x5], $0x4000, $0x38;
	[tilespmem:$0x1BA80] =	vst v63  }
0x4d: {  	_ =	swait.ge @!p0 [sflag:s20], $0x4000  }
0x4e: {  	[sflag:s20] =	ssyncset.done @!p0 $0x0  }
0x4f: {  	[sflag:s20] =	ssyncadd.s32 @!p0 $0xFFFFC000  }
0x50: {  	[spmem:s7] =	stream.linear.scatter @!p0 [tilespmem:s18], [sflag:$0x5], $0x4000, $0x38;
	[tilespmem:$0x1BA80] =	vst v63  }
0x51: {  	_ =	swait.ge @!p0 [sflag:s20], $0x4000  }
0x52: {  	[sflag:s20] =	ssyncset.done @!p0 $0x0  }
0x53: {  	[sflag:s20] =	ssyncadd.s32 @!p0 $0xFFFFC000  }
0x54: {  	[spmem:s8] =	stream.linear.scatter @!p0 [tilespmem:s18], [sflag:$0x5], $0x4000, $0x38;
	[tilespmem:$0x1BA80] =	vst v63  }
0x55: {  	_ =	swait.ge @!p0 [sflag:s20], $0x4000  }
0x56: {  	[sflag:s20] =	ssyncset.done @!p0 $0x0  }
0x57: {  	[sflag:s20] =	ssyncadd.s32 @!p0 $0xFFFFC000  }
0x58: {  	[spmem:s11] =	stream.linear.scatter @!p0 [tilespmem:s18], [sflag:$0x5], $0x3C00, $0x38;
	[tilespmem:$0x1BA80] =	vst v63  }
0x59: {  	_ =	swait.ge @!p0 [sflag:s20], $0x3C00  }
0x5a: {  	[sflag:s20] =	ssyncset.done @!p0 $0x0  }
0x5b: {  	[sflag:s20] =	ssyncadd.s32 @!p0 $0xFFFFC400  }
0x5c: {  	[bflag:$0x0] =	sbarrier.arrive $0xFFFF  }
0x5d: {  	[tilespmem:s4], [sflag:$0x3] =	stream.linear.gather [hbm4b:s15+s4], $0x100, $0x38;
	[tilespmem:$0x1BA80] =	vst v63  }
0x5e: {  	_ = 	snop  }
0x5f: {  	[tilespmem:s23], [sflag:$0x4] =	stream.linear.gather [hbm4b:s16+s4], $0x100, $0x38;
	[tilespmem:$0x1BA80] =	vst v63  }
0x60: {  	_ =	swait.ge [sflag:s24], $0x100  }
0x61: {  	[sflag:s24] =	ssyncset.done $0x0  }
0x62: {  	[sflag:s24] =	ssyncadd.s32 $0xFFFFFF00  }
0x63: {  	[tilespmem:s26], [sflag:$0x1] =	stream.indirect.gather [hbm4b:s1+s25], $0x80, s4, s25, $0xb8;
	[tilespmem:$0x1BA80] =	vst v63  }
0x64: {  	_ =	swait.ge [sflag:s28], $0x100  }
0x65: {  	[sflag:s28] =	ssyncset.done $0x0  }
0x66: {  	[sflag:s28] =	ssyncadd.s32 $0xFFFFFF00  }
0x67: {  	[tilespmem:s29], [sflag:$0x2] =	stream.indirect.gather [hbm4b:s1+s25], $0x80, s23, s25, $0xb8;
	[tilespmem:$0x1BA80] =	vst v63  }
0x68: {  	_ =	swait.ge [sflag:s30], $0x4000  }
0x69: {  	[sflag:s30] =	ssyncset.done $0x0  }
0x6a: {  	[sflag:s30] =	ssyncadd.s32 $0xFFFFC000  }
0x6b: {  	[spmem:s3] =	stream.indirect.scatter.add.f32 [tilespmem:s26], [sflag:$0x5], $0x80, s25, s25, $0xb8;
	[tilespmem:$0x1BA80] =	vst v63  }
0x6c: {  	_ =	swait.ge [sflag:s31], $0x4000  }
0x6d: {  	s20 =	sadd.s32 $0xFFFED000, s22;
	[sflag:s31] =	ssyncset.done $0x0  }
0x6e: {  	s6 =	sadd.s32 $0x13800, s20;
	[sflag:s31] =	ssyncadd.s32 $0xFFFFC000  }
0x6f: {  	[tilespmem:s4], [sflag:$0x3] =	stream.linear.gather [hbm4b:s6+s4], $0x100, $0x38;
	[tilespmem:$0x1BA80] =	vst v63  }
0x70: {  	_ =	swait.ge [sflag:s24], $0x100  }
0x71: {  	[sflag:s24] =	ssyncset.done $0x0  }
0x72: {  	[sflag:s24] =	ssyncadd.s32 $0xFFFFFF00  }
0x73: {  	[tilespmem:s26], [sflag:$0x1] =	stream.indirect.gather [hbm4b:s1+s25], $0x80, s4, s25, $0xb8;
	[tilespmem:$0x1BA80] =	vst v63  }
0x74: {  	_ =	swait.ge [sflag:s2], $0x4000  }
0x75: {  	[sflag:s2] =	ssyncset.done $0x0  }
0x76: {  	[sflag:s2] =	ssyncadd.s32 $0xFFFFC000  }
0x77: {  	[spmem:s3] =	stream.indirect.scatter.add.f32 [tilespmem:s29], [sflag:$0x5], $0x80, s0, s25, $0xb8;
	[tilespmem:$0x1BA80] =	vst v63  }
0x78: {  	_ =	swait.ge [sflag:s31], $0x4000  }
0x79: {  	[sflag:s31] =	ssyncset.done $0x0  }
0x7a: {  	s18 =	simm.s32 $0xFFFED800;
	s20 =	sadd.s32 $0x13C00, s20;
	[sflag:s31] =	ssyncadd.s32 $0xFFFFC000  }
.LBB2_4:
0x7b: {  	[tilespmem:s23], [sflag:$0x4] =	stream.linear.gather [hbm4b:s20+s4], $0x100, $0x38;
	[tilespmem:$0x1BA80] =	vst v63  }
0x7c: {  	s20 =	smov.u32 s18  }
0x7d: {  	p4 =	sne.s32 s18, $0xFFFFF800;
	s18 =	sadd.s32 $0x800, s18;
	_ =	swait.ge [sflag:s28], $0x100  }
0x7e: {  	[sflag:s28] =	ssyncset.done $0x0  }
0x7f: {  	[sflag:s28] =	ssyncadd.s32 $0xFFFFFF00  }
0x80: {  	[tilespmem:s29], [sflag:$0x2] =	stream.indirect.gather [hbm4b:s1+s25], $0x80, s23, s25, $0xb8;
	[tilespmem:$0x1BA80] =	vst v63  }
0x81: {  	_ =	swait.ge [sflag:s30], $0x4000  }
0x82: {  	[sflag:s30] =	ssyncset.done $0x0  }
0x83: {  	[sflag:s30] =	ssyncadd.s32 $0xFFFFC000  }
0x84: {  	[spmem:s3] =	stream.indirect.scatter.add.f32 [tilespmem:s26], [sflag:$0x5], $0x80, s25, s25, $0xb8;
	[tilespmem:$0x1BA80] =	vst v63  }
0x85: {  	_ =	swait.ge [sflag:s31], $0x4000  }
0x86: {  	s20 =	sadd.s32 s20, s22;
	[sflag:s31] =	ssyncset.done $0x0  }
0x87: {  	s6 =	sadd.s32 $0x13800, s20;
	[sflag:s31] =	ssyncadd.s32 $0xFFFFC000  }
0x88: {  	[tilespmem:s4], [sflag:$0x3] =	stream.linear.gather [hbm4b:s6+s4], $0x100, $0x38;
	[tilespmem:$0x1BA80] =	vst v63  }
0x89: {  	_ =	swait.ge [sflag:s24], $0x100  }
0x8a: {  	[sflag:s24] =	ssyncset.done $0x0  }
0x8b: {  	[sflag:s24] =	ssyncadd.s32 $0xFFFFFF00  }
0x8c: {  	[tilespmem:s26], [sflag:$0x1] =	stream.indirect.gather [hbm4b:s1+s25], $0x80, s4, s25, $0xb8;
	[tilespmem:$0x1BA80] =	vst v63  }
0x8d: {  	_ =	swait.ge [sflag:s2], $0x4000  }
0x8e: {  	[sflag:s2] =	ssyncset.done $0x0  }
.Ltmp3:
0x8f: {  	[sflag:s2] =	ssyncadd.s32 $0xFFFFC000;
	(pc) =	sbr.rel @p4 .LBB2_4-.Ltmp3, $4  }
0x90: {  	[spmem:s3] =	stream.indirect.scatter.add.f32 [tilespmem:s29], [sflag:$0x5], $0x80, s0, s25, $0xb8;
	[tilespmem:$0x1BA80] =	vst v63  }
0x91: {  	_ =	swait.ge [sflag:s31], $0x4000  }
0x92: {  	[sflag:s31] =	ssyncset.done $0x0  }
0x93: {  	s20 =	sadd.s32 $0x13C00, s20;
	[sflag:s31] =	ssyncadd.s32 $0xFFFFC000  }
0x94: {  	[tilespmem:s23], [sflag:$0x4] =	stream.linear.gather [hbm4b:s20+s4], $0x100, $0x38;
	[tilespmem:$0x1BA80] =	vst v63  }
0x95: {  	_ =	swait.ge [sflag:s28], $0x100  }
0x96: {  	[sflag:s28] =	ssyncset.done $0x0  }
0x97: {  	[sflag:s28] =	ssyncadd.s32 $0xFFFFFF00  }
0x98: {  	[tilespmem:s29], [sflag:$0x2] =	stream.indirect.gather [hbm4b:s1+s25], $0x80, s23, s25, $0xb8;
	[tilespmem:$0x1BA80] =	vst v63  }
0x99: {  	_ =	swait.ge [sflag:s30], $0x4000  }
0x9a: {  	[sflag:s30] =	ssyncset.done $0x0  }
0x9b: {  	[sflag:s30] =	ssyncadd.s32 $0xFFFFC000  }
0x9c: {  	[spmem:s3] =	stream.indirect.scatter.add.f32 [tilespmem:s26], [sflag:$0x5], $0x80, s25, s25, $0xb8;
	[tilespmem:$0x1BA80] =	vst v63  }
0x9d: {  	_ =	swait.ge [sflag:s31], $0x4000  }
0x9e: {  	[sflag:s31] =	ssyncset.done $0x0  }
0x9f: {  	s6 =	simm.s32 @!p1 $0x0;
	[sflag:s31] =	ssyncadd.s32 $0xFFFFC000  }
0xa0: {  	[tilespmem:s6], [sflag:$0x3] =	stream.linear.gather @!p1 [hbm4b:s21+s6], $0x100, $0x38;
	[tilespmem:$0x1BA80] =	vst v63  }
0xa1: {  	s6 =	simm.s32 @!p2 $0x3  }
0xa2: {  	_ =	swait.ge @!p2 [sflag:s6], $0x100  }
0xa3: {  	s18 =	simm.s32 @!p2 $0x0;
	[sflag:s6] =	ssyncset.done @!p2 $0x0  }
0xa4: {  	s20 =	simm.s32 @!p2 $0x200;
	[sflag:s6] =	ssyncadd.s32 @!p2 $0xFFFFFF00;
	s6 =	simm.s32 @!p2 $0x80  }
0xa5: {  	[tilespmem:s20], [sflag:$0x1] =	stream.indirect.gather @!p2 [hbm4b:s1+s6], $0x80, s18, s6, $0xb8;
	[tilespmem:$0x1BA80] =	vst v63  }
0xa6: {  	_ =	swait.ge [sflag:s2], $0x4000  }
0xa7: {  	[sflag:s2] =	ssyncset.done $0x0  }
.Ltmp4:
0xa8: {  	[sflag:s2] =	ssyncadd.s32 $0xFFFFC000;
	(pc) =	sbr.rel @p3 .LBB2_7-.Ltmp4, $4  }
0xa9: {  	[spmem:s3] =	stream.indirect.scatter.add.f32 [tilespmem:s29], [sflag:$0x5], $0x80, s0, s25, $0xb8;
	[tilespmem:$0x1BA80] =	vst v63  }
0xaa: {  	_ =	swait.ge [sflag:s31], $0x4000  }
0xab: {  	[sflag:s31] =	ssyncset.done $0x0  }
0xac: {  	[sflag:s31] =	ssyncadd.s32 $0xFFFFC000  }
0xad: {  	_ =	swait.ge [sflag:s30], $0x4000  }
0xae: {  	[sflag:s30] =	ssyncset.done $0x0  }
0xaf: {  	[sflag:s30] =	ssyncadd.s32 $0xFFFFC000  }
0xb0: {  	[spmem:s3] =	stream.indirect.scatter.add.f32 [tilespmem:s26], [sflag:$0x5], $0x80, s25, s25, $0xb8;
	[tilespmem:$0x1BA80] =	vst v63  }
.Ltmp5:
0xb1: {  	_ =	swait.ge [sflag:s31], $0x4000;
	(pc) =	sbr.rel .LBB2_8-.Ltmp5, $3  }
0xb2: {  	[sflag:s31] =	ssyncset.done $0x0  }
0xb3: {  	[sflag:s31] =	ssyncadd.s32 $0xFFFFC000  }
0xb4: {  	[bflag:$0x0] =	sbarrier.arrive $0xFFFF;
	_ =	sdelay $0x1  }
.LBB2_7:
.Ltmp6:
0xb5: {  	(pc) =	sbr.rel @p0 .LBB2_9-.Ltmp6, $2  }
0xb6: {  	_ =	sdelay $0x1  }
0xb7: {  	[bflag:$0x0] =	sbarrier.arrive $0xFFFF;
	_ =	sdelay $0x1  }
.LBB2_8:
0xb8: {  	s6 =	rddreg [dreg:$0x8];
	s18 =	sshrl.u32 s5, $0x3  }
.Ltmp7:
0xb9: {  	s20 =	rddreg [dreg:$0x7];
	s6 =	sor.u32 $0x1C05, s6;
	(pc) =	sbr.rel .LBB2_10-.Ltmp7, $4  }
0xba: {  	[hbm:s20], [sflag:s6] =	dma.local [spmem:s18], $0x2780  }
0xbb: {  	_ =	swait.ge [sflag:s31], $0x2780  }
0xbc: {  	[sflag:s31] =	ssyncset.done $0x0  }
0xbd: {  	[sflag:s31] =	ssyncadd.s32 $0xFFFFD880  }
.LBB2_11:
0xbe: {  	_ =	sfence.sel $0x180000  }
0xbf: {  	[bflag:$0x0] =	sbarrier.arrive $0xFFFF  }
0xc0: {  	_ =	strace $0x9000004A  }
0xc1: {  	s0 =	stileid.u32;
	[bflag:$0x2] =	sbarrier.arrive $0xFFFF  }
0xc2: {  	p0 =	sne.s32 s0, $0x0;
	s0 =	rddreg [dreg:$0x4]  }
0xc3: {  	s0 =	sadd.s32 @!p0 $0x100000, s0  }
0xc4: {  	[sflag:s0] =	ssyncadd.tile.s32 @!p0 $0x1;
	_ =	shalt  }
.Lfunc_end2:
_tile_overlayer_lowered:
.L_overlay_start_2:
0xc5: {  	(tag) =	ssettag $0x2  }
0xc6: {  	s0 =	rddreg [dreg:$0x0];
	s2 =	stileid.u32  }
0xc7: {  	s1 =	rddreg [dreg:$0x1];
	p0 =	sne.s32 s2, $0x0  }
0xc8: {  	s3 =	rddreg [dreg:$0x2];
	[bflag:$0x3] =	sbarrier.arrive $0xFFFF;
	s2 =	simm.s32 @!p0 $0x1C05  }
0xc9: {  	[timem:s3], [sflag:s2] =	dma.local @!p0 [hbm:s0], s1  }
0xca: {  	s0 =	simm.s32 @!p0 $0x5  }
0xcb: {  	_ =	swait.ge @!p0 [sflag:s0], s1  }
0xcc: {  	s1 =	ssub.s32 @!p0 $0x0, s1;
	[sflag:s0] =	ssyncset.done @!p0 $0x0  }
0xcd: {  	[sflag:s0] =	ssyncadd.s32 @!p0 s1  }
0xce: {  	[bflag:$0x3] =	sbarrier.arrive $0xFFFF  }
0xcf: {  	_ =	shalt  }

</sc_bundles>
